<compile_context>
chip_gen: v7x
topology: tpu7x:2x2x1
jax: 0.10.2.dev20260603
libtpu: 0.0.44.dev20260713+nightly
codegen_flags: <defaults>
</compile_context>

<pallas_src>
import functools
import jax
import jax.numpy as jnp
from jax import lax
from jax.experimental import pallas as pl
from jax.experimental.pallas import tpu as pltpu
from jax.experimental.pallas import tpu_sc as plsc

N = 10000
E = 320000
D = 128
G = 128
DOUT = 10

NC = 2
NS = 16
NW = NC * NS
CHUNK = 128
NCH = 80
EPW = NCH * CHUNK
EP = EPW * NW
NPAD = 10240
RPT = NPAD // NS

BLK = 400
NBLK = N // BLK

_mesh = plsc.VectorSubcoreMesh(
    core_axis_name="c", subcore_axis_name="s", num_cores=NC, num_subcores=NS)



@functools.partial(
    pl.kernel,
    out_type=jax.ShapeDtypeStruct((NW, NPAD), jnp.float32),
    mesh=_mesh,
    scratch_types=[
        pltpu.VMEM((NCH, CHUNK), jnp.int32),
        pltpu.VMEM((NPAD,), jnp.float32),
    ],
    compiler_params=pltpu.CompilerParams(needs_layout_passes=False),
)
def _sc_degree(packed_hbm, out_hbm, pk_v, deg_v):
    cid = lax.axis_index("c")
    sid = lax.axis_index("s")
    wid = sid * NC + cid

    def zgrp(i, _):
        deg_v[pl.ds(i * 16, 16)] = jnp.zeros((16,), jnp.float32)
        return 0
    lax.fori_loop(jnp.int32(0), jnp.int32(NPAD // 16), zgrp, 0)

    pltpu.sync_copy(packed_hbm.at[wid], pk_v)
    ones = jnp.full((16,), 1.0, jnp.float32)

    def body(c, _):
        for j in range(CHUNK // 16):
            idx = pk_v[c, pl.ds(j * 16, 16)] >> 16
            plsc.addupdate_scatter(deg_v, [idx], ones)
        return 0
    lax.fori_loop(jnp.int32(0), jnp.int32(NCH), body, 0)

    pltpu.sync_copy(deg_v, out_hbm.at[wid])


SPL = 5200
AGGR = 5248
RPT2 = AGGR // NS


@functools.partial(
    pl.kernel,
    out_type=jax.ShapeDtypeStruct((NC, 2, AGGR, D), jnp.float32),
    mesh=_mesh,
    scratch_types=[
        pltpu.VMEM((NCH, CHUNK), jnp.int32),
        pltpu.VMEM((NCH, CHUNK), jnp.int32),
        pltpu.VMEM((CHUNK, D), jnp.float32),
        pltpu.VMEM((CHUNK, D), jnp.float32),
        pltpu.SemaphoreType.DMA,
        pltpu.SemaphoreType.DMA,
        pltpu.VMEM_SHARED((AGGR, D), jnp.float32),
    ],
    compiler_params=pltpu.CompilerParams(needs_layout_passes=False),
)
def _sc_edge_scatter(hd_hbm, packed_hbm, out_hbm,
                     src_v, dst_v, buf0, buf1, sem0, sem1, agg_sp):
    cid = lax.axis_index("c")
    sid = lax.axis_index("s")
    wid = sid * NC + cid

    pltpu.sync_copy(packed_hbm.at[wid], src_v)
    def unsrc(c, _):
        for j in range(CHUNK // 16):
            v = src_v[c, pl.ds(j * 16, 16)]
            src_v[c, pl.ds(j * 16, 16)] = v & jnp.int32(0xFFFF)
        return 0
    lax.fori_loop(jnp.int32(0), jnp.int32(NCH), unsrc, 0)

    for p in range(2):
        def zrow(r, _):
            for j in range(D // 16):
                buf0[r, pl.ds(j * 16, 16)] = jnp.zeros((16,), jnp.float32)
            return 0
        lax.fori_loop(jnp.int32(0), jnp.int32(CHUNK), zrow, 0)
        pltpu.sync_copy(buf0, agg_sp.at[pl.ds(sid * RPT2, CHUNK)])
        pltpu.sync_copy(buf0, agg_sp.at[pl.ds(sid * RPT2 + CHUNK, CHUNK)])
        pltpu.sync_copy(buf0.at[pl.ds(0, RPT2 - 2 * CHUNK)],
                        agg_sp.at[pl.ds(sid * RPT2 + 2 * CHUNK,
                                        RPT2 - 2 * CHUNK)])

        pltpu.sync_copy(packed_hbm.at[wid], dst_v)
        def undst(c, _):
            for j in range(CHUNK // 16):
                d = (dst_v[c, pl.ds(j * 16, 16)] >> 16) - jnp.int32(p * SPL)
                ok = (d >= 0) & (d < SPL)
                dst_v[c, pl.ds(j * 16, 16)] = jnp.where(ok, d, jnp.int32(SPL))
            return 0
        lax.fori_loop(jnp.int32(0), jnp.int32(NCH), undst, 0)
        plsc.subcore_barrier()

        pltpu.async_copy(hd_hbm.at[src_v.at[jnp.int32(0)]], buf0, sem0)
        pltpu.async_copy(hd_hbm.at[src_v.at[jnp.int32(1)]], buf1, sem1)

        def body(i, _):
            c0 = jnp.int32(2) * i
            pltpu.make_async_copy(hd_hbm.at[src_v.at[c0]], buf0, sem0).wait()
            pltpu.sync_copy(buf0, agg_sp.at[dst_v.at[c0]], add=True)

            @pl.when(c0 + 2 < NCH)
            def _():
                pltpu.async_copy(hd_hbm.at[src_v.at[c0 + 2]], buf0, sem0)

            c1 = c0 + 1
            pltpu.make_async_copy(hd_hbm.at[src_v.at[c1]], buf1, sem1).wait()
            pltpu.sync_copy(buf1, agg_sp.at[dst_v.at[c1]], add=True)

            @pl.when(c1 + 2 < NCH)
            def _():
                pltpu.async_copy(hd_hbm.at[src_v.at[c1 + 2]], buf1, sem1)
            return 0
        lax.fori_loop(jnp.int32(0), jnp.int32(NCH // 2), body, 0)

        plsc.subcore_barrier()
        pltpu.sync_copy(agg_sp.at[pl.ds(sid * RPT2, RPT2)],
                        out_hbm.at[cid, jnp.int32(p), pl.ds(sid * RPT2, RPT2)])
        plsc.subcore_barrier()



DVB = 512


def _tc_dinv_body(deg_ref, out_ref):
    tot = lax.dot_general(deg_ref[...], jnp.ones((NW, D), jnp.float32),
                          (((0,), (0,)), ((), ())),
                          preferred_element_type=jnp.float32)
    out_ref[...] = lax.rsqrt(tot + 1.0)


def _tc_dinv(deg_parts):
    return pl.pallas_call(
        _tc_dinv_body,
        grid=(NPAD // DVB,),
        in_specs=[pl.BlockSpec((NW, DVB),
                               lambda i: (jnp.int32(0), jnp.int32(i)))],
        out_specs=pl.BlockSpec((DVB, D),
                               lambda i: (jnp.int32(i), jnp.int32(0))),
        out_shape=jax.ShapeDtypeStruct((NPAD, D), jnp.float32),
    )(deg_parts)


def _tc_first_body(x_ref, w_ref, dinv_ref, hd_ref):
    hd_ref[...] = dinv_ref[...] * jnp.dot(x_ref[...], w_ref[...],
                                          preferred_element_type=jnp.float32)


def _tc_first(x, w1, dinv_b):
    return pl.pallas_call(
        _tc_first_body,
        grid=(NBLK,),
        in_specs=[
            pl.BlockSpec((BLK, D), lambda i: (jnp.int32(i), jnp.int32(0))),
            pl.BlockSpec((D, D), lambda i: (jnp.int32(0), jnp.int32(0))),
            pl.BlockSpec((BLK, D), lambda i: (jnp.int32(i), jnp.int32(0))),
        ],
        out_specs=pl.BlockSpec((BLK, D),
                               lambda i: (jnp.int32(i), jnp.int32(0))),
        out_shape=jax.ShapeDtypeStruct((N, D), jnp.float32),
    )(x, w1, dinv_b)


BPH = SPL // BLK


def _tc_mid_body(s_ref, hd_ref, dinv_ref, b_ref, w_ref, out_ref):
    dinv = dinv_ref[...]
    h = s_ref[0, 0] + s_ref[1, 0] + hd_ref[...]
    h = jnp.maximum(dinv * h + b_ref[...], 0.0)
    out_ref[...] = dinv * jnp.dot(h, w_ref[...],
                                  preferred_element_type=jnp.float32)


def _tc_mid(s, hd, dinv, b2d, w):
    return pl.pallas_call(
        _tc_mid_body,
        grid=(NBLK,),
        in_specs=[
            pl.BlockSpec((NC, 1, BLK, D),
                         lambda i: (jnp.int32(0), jnp.int32(i // BPH),
                                    jnp.int32(i % BPH), jnp.int32(0))),
            pl.BlockSpec((BLK, D), lambda i: (jnp.int32(i), jnp.int32(0))),
            pl.BlockSpec((BLK, D), lambda i: (jnp.int32(i), jnp.int32(0))),
            pl.BlockSpec((1, D), lambda i: (jnp.int32(0), jnp.int32(0))),
            pl.BlockSpec((D, D), lambda i: (jnp.int32(0), jnp.int32(0))),
        ],
        out_specs=pl.BlockSpec((BLK, D),
                               lambda i: (jnp.int32(i), jnp.int32(0))),
        out_shape=jax.ShapeDtypeStruct((N, D), jnp.float32),
    )(s, hd, dinv, b2d, w)


def _tc_pool_body(hd_ref, dinv_ref, batch_ref, wl_ref, bl_ref,
                  out_ref, sums_ref, counts_ref):
    i = pl.program_id(0)

    @pl.when(i == 0)
    def _():
        sums_ref[...] = jnp.zeros_like(sums_ref)
        counts_ref[...] = jnp.zeros_like(counts_ref)

    h = hd_ref[...] / dinv_ref[...]

    gids = lax.broadcasted_iota(jnp.int32, (BLK, G), 1)
    p = (batch_ref[0] == gids).astype(jnp.float32)
    sums_ref[...] += lax.dot_general(
        p, h, (((0,), (0,)), ((), ())), preferred_element_type=jnp.float32)
    counts_ref[...] += lax.dot_general(
        p, jnp.ones((BLK, 1), jnp.float32), (((0,), (0,)), ((), ())),
        preferred_element_type=jnp.float32)

    @pl.when(i == NBLK - 1)
    def _():
        pooled = sums_ref[...] / jnp.maximum(counts_ref[...], 1.0)
        out_ref[...] = jnp.dot(pooled, wl_ref[...],
                               preferred_element_type=jnp.float32) + bl_ref[...]


def _tc_pool(hd, dinv, batch3, wl, bl2d):
    return pl.pallas_call(
        _tc_pool_body,
        grid=(NBLK,),
        in_specs=[
            pl.BlockSpec((BLK, D), lambda i: (jnp.int32(i), jnp.int32(0))),
            pl.BlockSpec((BLK, D), lambda i: (jnp.int32(i), jnp.int32(0))),
            pl.BlockSpec((1, BLK, 1),
                         lambda i: (jnp.int32(i), jnp.int32(0), jnp.int32(0))),
            pl.BlockSpec((G, DOUT), lambda i: (jnp.int32(0), jnp.int32(0))),
            pl.BlockSpec((1, DOUT), lambda i: (jnp.int32(0), jnp.int32(0))),
        ],
        out_specs=pl.BlockSpec((G, DOUT),
                               lambda i: (jnp.int32(0), jnp.int32(0))),
        out_shape=jax.ShapeDtypeStruct((G, DOUT), jnp.float32),
        scratch_shapes=[
            pltpu.VMEM((G, D), jnp.float32),
            pltpu.VMEM((G, 1), jnp.float32),
        ],
    )(hd, dinv, batch3, wl, bl2d)



def kernel(x, edge_index, batch, W1, b1, W2, b2, W3, b3, Wl, bl):
    src = edge_index[0].astype(jnp.int32)
    dst = edge_index[1].astype(jnp.int32)
    pad = EP - E
    packed = src | (dst << 16)
    packed3 = jnp.concatenate(
        [packed, jnp.full((pad,), N << 16, jnp.int32)]).reshape(
            NW, NCH, CHUNK)
    batch3 = batch.astype(jnp.int32).reshape(NBLK, BLK, 1)

    deg_parts = _sc_degree(packed3)
    dinv = _tc_dinv(deg_parts)
    hd1 = _tc_first(x, W1, dinv)

    Ws = jnp.stack([W2, W3, jnp.eye(D, dtype=jnp.float32)])
    bs = jnp.stack([b1.reshape(1, D), b2.reshape(1, D), b3.reshape(1, D)])

    def step(hd, wb):
        w, b = wb
        s = _sc_edge_scatter(hd, packed3)
        return _tc_mid(s, hd, dinv, b, w), None

    hd4, _ = lax.scan(step, hd1, (Ws, bs))

    out = _tc_pool(hd4, dinv, batch3, Wl, bl.reshape(1, DOUT))
    return out

# --- scband reference (transcript-rebuilt; emitter-appended) ---
"""Pipeline reference for scband-gcn-37108517437514 (READ-ONLY COPY).

The authoritative reference and input builder live on the scoring server;
editing this copy changes nothing except your own understanding.
"""

import jax
jax.config.update("jax_enable_x64", True)
import jax.numpy as jnp
import numpy as np

N = 10000
E = 320000
D_IN = 128
H = 128
D_OUT = 10
G = 128


def setup_inputs(seed: int = 0) -> dict:
    key = jax.random.key(seed)
    ks = jax.random.split(key, 12)
    x = jax.random.normal(ks[0], (N, D_IN), dtype=jnp.float32)
    edge_index = jax.random.randint(ks[1], (2, E), 0, N, dtype=jnp.int64)
    batch = jnp.sort(jax.random.randint(ks[2], (N,), 0, G, dtype=jnp.int64))
    def glorot(k, fan_in, fan_out):
        lim = float(np.sqrt(6.0 / (fan_in + fan_out)))
        return jax.random.uniform(k, (fan_in, fan_out), minval=-lim, maxval=lim, dtype=jnp.float32)
    W1 = glorot(ks[3], D_IN, H)
    b1 = jnp.zeros((H,), dtype=jnp.float32)
    W2 = glorot(ks[4], H, H)
    b2 = jnp.zeros((H,), dtype=jnp.float32)
    W3 = glorot(ks[5], H, H)
    b3 = jnp.zeros((H,), dtype=jnp.float32)
    Wl = glorot(ks[6], H, D_OUT)
    bl = jnp.zeros((D_OUT,), dtype=jnp.float32)
    return {"x": x, "edge_index": edge_index, "batch": batch,
            "W1": W1, "b1": b1, "W2": W2, "b2": b2, "W3": W3, "b3": b3,
            "Wl": Wl, "bl": bl}


def _gcn_conv(x, src, dst, norm, W, b):
    # PyG GCNConv: x' = D^-1/2 (A + I) D^-1/2 (x W) + b
    h = x @ W
    msg = h[src] * norm[:, None]
    agg = jax.ops.segment_sum(msg, dst, num_segments=N)
    return agg + b


def reference(x, edge_index, batch, W1, b1, W2, b2, W3, b3, Wl, bl):
    loops = jnp.arange(N, dtype=edge_index.dtype)
    src = jnp.concatenate([edge_index[0], loops])
    dst = jnp.concatenate([edge_index[1], loops])
    # symmetric normalization with self-loops
    deg = jax.ops.segment_sum(jnp.ones_like(dst, dtype=x.dtype), dst, num_segments=N)
    dinv = jnp.where(deg > 0, deg ** -0.5, 0.0)
    norm = dinv[src] * dinv[dst]

    h = jax.nn.relu(_gcn_conv(x, src, dst, norm, W1, b1))
    h = jax.nn.relu(_gcn_conv(h, src, dst, norm, W2, b2))
    h = jax.nn.relu(_gcn_conv(h, src, dst, norm, W3, b3))

    # global_mean_pool over graphs in the batch
    sums = jax.ops.segment_sum(h, batch, num_segments=G)
    counts = jax.ops.segment_sum(jnp.ones((N,), dtype=h.dtype), batch, num_segments=G)
    pooled = sums / jnp.clip(counts, 1.0)[:, None]

    # dropout is identity in eval mode (training=False)
    out = pooled @ Wl + bl
    return out

if __name__ == "__main__":
    import jax
    _d = setup_inputs()
    print(jax.jit(kernel)(*tuple(_d.values())))

</pallas_src>

<mosaic_0001>
#map = affine_map<(d0, d1) -> (0, 0)>
#map1 = affine_map<(d0, d1) -> (0, 0, 0)>
#map2 = affine_map<(d0, d1) -> (0, 0, 0, 0)>
module attributes {stable_mosaic.version = 14 : i64} {
  func.func @_sc_edge_scatter(%arg0: i32, %arg1: i32, %arg2: memref<10000x128xf32, #tpu.memory_space<hbm>>, %arg3: memref<32x80x128xi32, #tpu.memory_space<hbm>>, %arg4: memref<2x2x5248x128xf32, #tpu.memory_space<hbm>>, %arg5: memref<80x128xi32, #tpu.memory_space<vmem>>, %arg6: memref<80x128xi32, #tpu.memory_space<vmem>>, %arg7: memref<128x128xf32, #tpu.memory_space<vmem>>, %arg8: memref<128x128xf32, #tpu.memory_space<vmem>>, %arg9: memref<!tpu.dma_semaphore, #tpu.memory_space<semaphore_mem>>, %arg10: memref<!tpu.dma_semaphore, #tpu.memory_space<semaphore_mem>>, %arg11: memref<5248x128xf32, #tpu.memory_space<vmem_shared>>) attributes {dimension_semantics = [#tpu.dimension_semantics<core_parallel>, #tpu.dimension_semantics<subcore_parallel>], iteration_bounds = array<i64: 2, 16>, scalar_prefetch = 0 : i64, scratch_operands = 7 : i64, tpu.core_type = #tpu.core_type<sc_vector_subcore>, window_params = [{transform_indices = #map}, {transform_indices = #map1}, {transform_indices = #map2}]} {
    %mul3A = arith.constant 2 : i32
    %mul3A_0 = arith.muli %arg1, %mul3A : i32
    %add3A = arith.addi %mul3A_0, %arg0 : i32
    "tpu.region"() ({
      %run_scoped3A_152 = tpu.sem_alloc : memref<!tpu.dma_semaphore, #tpu.memory_space<semaphore_mem>>
      %dma_start3A_153 = arith.constant 0 : i32
      %dma_start3A_154 = arith.constant 0 : i32
      %dma_start3A_155 = tpu.memref_slice %arg3[%add3A, %dma_start3A_153, %dma_start3A_154] : memref<32x80x128xi32, #tpu.memory_space<hbm>> -> memref<1x80x128xi32, #tpu.memory_space<hbm>>
      %dma_start3A_156 = tpu.memref_squeeze %dma_start3A_155 : memref<1x80x128xi32, #tpu.memory_space<hbm>> -> memref<80x128xi32, #tpu.memory_space<hbm>>
      %dma_start3A_157 = arith.constant 0 : i32
      %dma_start3A_158 = arith.constant 0 : i32
      %dma_start3A_159 = tpu.memref_slice %arg3[%add3A, %dma_start3A_157, %dma_start3A_158] : memref<32x80x128xi32, #tpu.memory_space<hbm>> -> memref<1x80x128xi32, #tpu.memory_space<hbm>>
      %dma_start3A_160 = tpu.memref_squeeze %dma_start3A_159 : memref<1x80x128xi32, #tpu.memory_space<hbm>> -> memref<80x128xi32, #tpu.memory_space<hbm>>
      tpu.enqueue_dma source(%dma_start3A_160 : memref<80x128xi32, #tpu.memory_space<hbm>>) target(%arg5 : memref<80x128xi32, #tpu.memory_space<vmem>>) target_semaphore(%run_scoped3A_152 : memref<!tpu.dma_semaphore, #tpu.memory_space<semaphore_mem>>)
      %dma_wait3A = arith.constant 0 : i32
      %dma_wait3A_161 = arith.constant 0 : i32
      %dma_wait3A_162 = tpu.memref_slice %arg3[%add3A, %dma_wait3A, %dma_wait3A_161] : memref<32x80x128xi32, #tpu.memory_space<hbm>> -> memref<1x80x128xi32, #tpu.memory_space<hbm>>
      %dma_wait3A_163 = tpu.memref_squeeze %dma_wait3A_162 : memref<1x80x128xi32, #tpu.memory_space<hbm>> -> memref<80x128xi32, #tpu.memory_space<hbm>>
      %dma_wait3A_164 = arith.constant 0 : i32
      %dma_wait3A_165 = arith.constant 0 : i32
      %dma_wait3A_166 = tpu.memref_slice %arg3[%add3A, %dma_wait3A_164, %dma_wait3A_165] : memref<32x80x128xi32, #tpu.memory_space<hbm>> -> memref<1x80x128xi32, #tpu.memory_space<hbm>>
      %dma_wait3A_167 = tpu.memref_squeeze %dma_wait3A_166 : memref<1x80x128xi32, #tpu.memory_space<hbm>> -> memref<80x128xi32, #tpu.memory_space<hbm>>
      tpu.wait_dma2 semaphore(%run_scoped3A_152 : memref<!tpu.dma_semaphore, #tpu.memory_space<semaphore_mem>>) src(%dma_wait3A_167 : memref<80x128xi32, #tpu.memory_space<hbm>>) dst(%arg5 : memref<80x128xi32, #tpu.memory_space<vmem>>)
      tpu.yield
    }) : () -> ()
    %while3A = arith.constant 0 : i32
    %while3A_1 = arith.constant 80 : i32
    %while3A_2 = arith.constant 0 : i64
    %while3A_3 = arith.subi %while3A_1, %while3A : i32
    %while3A_4 = arith.addi %while3A, %while3A_3 : i32
    %while3A_5 = arith.constant 1 : i32
    %while3A_6 = arith.divsi %while3A_3, %while3A_5 : i32
    %while3A_7 = arith.muli %while3A_6, %while3A_5 : i32
    %while3A_8 = arith.addi %while3A, %while3A_7 : i32
    %while3A_9 = arith.constant 1 : i32
    %while3A_10 = scf.for %while3A_152 = %while3A to %while3A_8 step %while3A_9 iter_args(%while3A_153 = %while3A_2) -> (i64)  : i32 {
      %get3A = arith.index_cast %while3A_152 : i32 to index
      %get3A_154 = arith.constant 0 : index
      %get3A_155 = tpu.vector_load %arg5[%get3A, %get3A_154] {strides = array<i32>} : memref<80x128xi32, #tpu.memory_space<vmem>>, vector<16xi32>,
      %and3A = arith.constant 65535 : i32
      %and3A_156 = vector.broadcast %and3A : i32 to vector<16xi32>
      %and3A_157 = arith.andi %get3A_155, %and3A_156 : vector<16xi32>
      %swap3A = arith.index_cast %while3A_152 : i32 to index
      %swap3A_158 = arith.constant 0 : index
      %swap3A_159 = tpu.vector_load %arg5[%swap3A, %swap3A_158] {strides = array<i32>} : memref<80x128xi32, #tpu.memory_space<vmem>>, vector<16xi32>,
      tpu.vector_store %arg5[%swap3A, %swap3A_158], %and3A_157 {strides = array<i32>} : memref<80x128xi32, #tpu.memory_space<vmem>>, vector<16xi32>,
      %get3A_160 = arith.index_cast %while3A_152 : i32 to index
      %get3A_161 = arith.constant 16 : index
      %get3A_162 = tpu.vector_load %arg5[%get3A_160, %get3A_161] {strides = array<i32>} : memref<80x128xi32, #tpu.memory_space<vmem>>, vector<16xi32>,
      %and3A_163 = arith.constant 65535 : i32
      %and3A_164 = vector.broadcast %and3A_163 : i32 to vector<16xi32>
      %and3A_165 = arith.andi %get3A_162, %and3A_164 : vector<16xi32>
      %swap3A_166 = arith.index_cast %while3A_152 : i32 to index
      %swap3A_167 = arith.constant 16 : index
      %swap3A_168 = tpu.vector_load %arg5[%swap3A_166, %swap3A_167] {strides = array<i32>} : memref<80x128xi32, #tpu.memory_space<vmem>>, vector<16xi32>,
      tpu.vector_store %arg5[%swap3A_166, %swap3A_167], %and3A_165 {strides = array<i32>} : memref<80x128xi32, #tpu.memory_space<vmem>>, vector<16xi32>,
      %get3A_169 = arith.index_cast %while3A_152 : i32 to index
      %get3A_170 = arith.constant 32 : index
      %get3A_171 = tpu.vector_load %arg5[%get3A_169, %get3A_170] {strides = array<i32>} : memref<80x128xi32, #tpu.memory_space<vmem>>, vector<16xi32>,
      %and3A_172 = arith.constant 65535 : i32
      %and3A_173 = vector.broadcast %and3A_172 : i32 to vector<16xi32>
      %and3A_174 = arith.andi %get3A_171, %and3A_173 : vector<16xi32>
      %swap3A_175 = arith.index_cast %while3A_152 : i32 to index
      %swap3A_176 = arith.constant 32 : index
      %swap3A_177 = tpu.vector_load %arg5[%swap3A_175, %swap3A_176] {strides = array<i32>} : memref<80x128xi32, #tpu.memory_space<vmem>>, vector<16xi32>,
      tpu.vector_store %arg5[%swap3A_175, %swap3A_176], %and3A_174 {strides = array<i32>} : memref<80x128xi32, #tpu.memory_space<vmem>>, vector<16xi32>,
      %get3A_178 = arith.index_cast %while3A_152 : i32 to index
      %get3A_179 = arith.constant 48 : index
      %get3A_180 = tpu.vector_load %arg5[%get3A_178, %get3A_179] {strides = array<i32>} : memref<80x128xi32, #tpu.memory_space<vmem>>, vector<16xi32>,
      %and3A_181 = arith.constant 65535 : i32
      %and3A_182 = vector.broadcast %and3A_181 : i32 to vector<16xi32>
      %and3A_183 = arith.andi %get3A_180, %and3A_182 : vector<16xi32>
      %swap3A_184 = arith.index_cast %while3A_152 : i32 to index
      %swap3A_185 = arith.constant 48 : index
      %swap3A_186 = tpu.vector_load %arg5[%swap3A_184, %swap3A_185] {strides = array<i32>} : memref<80x128xi32, #tpu.memory_space<vmem>>, vector<16xi32>,
      tpu.vector_store %arg5[%swap3A_184, %swap3A_185], %and3A_183 {strides = array<i32>} : memref<80x128xi32, #tpu.memory_space<vmem>>, vector<16xi32>,
      %get3A_187 = arith.index_cast %while3A_152 : i32 to index
      %get3A_188 = arith.constant 64 : index
      %get3A_189 = tpu.vector_load %arg5[%get3A_187, %get3A_188] {strides = array<i32>} : memref<80x128xi32, #tpu.memory_space<vmem>>, vector<16xi32>,
      %and3A_190 = arith.constant 65535 : i32
      %and3A_191 = vector.broadcast %and3A_190 : i32 to vector<16xi32>
      %and3A_192 = arith.andi %get3A_189, %and3A_191 : vector<16xi32>
      %swap3A_193 = arith.index_cast %while3A_152 : i32 to index
      %swap3A_194 = arith.constant 64 : index
      %swap3A_195 = tpu.vector_load %arg5[%swap3A_193, %swap3A_194] {strides = array<i32>} : memref<80x128xi32, #tpu.memory_space<vmem>>, vector<16xi32>,
      tpu.vector_store %arg5[%swap3A_193, %swap3A_194], %and3A_192 {strides = array<i32>} : memref<80x128xi32, #tpu.memory_space<vmem>>, vector<16xi32>,
      %get3A_196 = arith.index_cast %while3A_152 : i32 to index
      %get3A_197 = arith.constant 80 : index
      %get3A_198 = tpu.vector_load %arg5[%get3A_196, %get3A_197] {strides = array<i32>} : memref<80x128xi32, #tpu.memory_space<vmem>>, vector<16xi32>,
      %and3A_199 = arith.constant 65535 : i32
      %and3A_200 = vector.broadcast %and3A_199 : i32 to vector<16xi32>
      %and3A_201 = arith.andi %get3A_198, %and3A_200 : vector<16xi32>
      %swap3A_202 = arith.index_cast %while3A_152 : i32 to index
      %swap3A_203 = arith.constant 80 : index
      %swap3A_204 = tpu.vector_load %arg5[%swap3A_202, %swap3A_203] {strides = array<i32>} : memref<80x128xi32, #tpu.memory_space<vmem>>, vector<16xi32>,
      tpu.vector_store %arg5[%swap3A_202, %swap3A_203], %and3A_201 {strides = array<i32>} : memref<80x128xi32, #tpu.memory_space<vmem>>, vector<16xi32>,
      %get3A_205 = arith.index_cast %while3A_152 : i32 to index
      %get3A_206 = arith.constant 96 : index
      %get3A_207 = tpu.vector_load %arg5[%get3A_205, %get3A_206] {strides = array<i32>} : memref<80x128xi32, #tpu.memory_space<vmem>>, vector<16xi32>,
      %and3A_208 = arith.constant 65535 : i32
      %and3A_209 = vector.broadcast %and3A_208 : i32 to vector<16xi32>
      %and3A_210 = arith.andi %get3A_207, %and3A_209 : vector<16xi32>
      %swap3A_211 = arith.index_cast %while3A_152 : i32 to index
      %swap3A_212 = arith.constant 96 : index
      %swap3A_213 = tpu.vector_load %arg5[%swap3A_211, %swap3A_212] {strides = array<i32>} : memref<80x128xi32, #tpu.memory_space<vmem>>, vector<16xi32>,
      tpu.vector_store %arg5[%swap3A_211, %swap3A_212], %and3A_210 {strides = array<i32>} : memref<80x128xi32, #tpu.memory_space<vmem>>, vector<16xi32>,
      %get3A_214 = arith.index_cast %while3A_152 : i32 to index
      %get3A_215 = arith.constant 112 : index
      %get3A_216 = tpu.vector_load %arg5[%get3A_214, %get3A_215] {strides = array<i32>} : memref<80x128xi32, #tpu.memory_space<vmem>>, vector<16xi32>,
      %and3A_217 = arith.constant 65535 : i32
      %and3A_218 = vector.broadcast %and3A_217 : i32 to vector<16xi32>
      %and3A_219 = arith.andi %get3A_216, %and3A_218 : vector<16xi32>
      %swap3A_220 = arith.index_cast %while3A_152 : i32 to index
      %swap3A_221 = arith.constant 112 : index
      %swap3A_222 = tpu.vector_load %arg5[%swap3A_220, %swap3A_221] {strides = array<i32>} : memref<80x128xi32, #tpu.memory_space<vmem>>, vector<16xi32>,
      tpu.vector_store %arg5[%swap3A_220, %swap3A_221], %and3A_219 {strides = array<i32>} : memref<80x128xi32, #tpu.memory_space<vmem>>, vector<16xi32>,
      %while3A_223 = arith.constant 0 : i64
      scf.yield %while3A_223 : i64
    }
    %while3A_11 = arith.constant 1 : i32
    %while3A_12 = scf.for %while3A_152 = %while3A_8 to %while3A_4 step %while3A_11 iter_args(%while3A_153 = %while3A_10) -> (i64)  : i32 {
      %get3A = arith.index_cast %while3A_152 : i32 to index
      %get3A_154 = arith.constant 0 : index
      %get3A_155 = tpu.vector_load %arg5[%get3A, %get3A_154] {strides = array<i32>} : memref<80x128xi32, #tpu.memory_space<vmem>>, vector<16xi32>,
      %and3A = arith.constant 65535 : i32
      %and3A_156 = vector.broadcast %and3A : i32 to vector<16xi32>
      %and3A_157 = arith.andi %get3A_155, %and3A_156 : vector<16xi32>
      %swap3A = arith.index_cast %while3A_152 : i32 to index
      %swap3A_158 = arith.constant 0 : index
      %swap3A_159 = tpu.vector_load %arg5[%swap3A, %swap3A_158] {strides = array<i32>} : memref<80x128xi32, #tpu.memory_space<vmem>>, vector<16xi32>,
      tpu.vector_store %arg5[%swap3A, %swap3A_158], %and3A_157 {strides = array<i32>} : memref<80x128xi32, #tpu.memory_space<vmem>>, vector<16xi32>,
      %get3A_160 = arith.index_cast %while3A_152 : i32 to index
      %get3A_161 = arith.constant 16 : index
      %get3A_162 = tpu.vector_load %arg5[%get3A_160, %get3A_161] {strides = array<i32>} : memref<80x128xi32, #tpu.memory_space<vmem>>, vector<16xi32>,
      %and3A_163 = arith.constant 65535 : i32
      %and3A_164 = vector.broadcast %and3A_163 : i32 to vector<16xi32>
      %and3A_165 = arith.andi %get3A_162, %and3A_164 : vector<16xi32>
      %swap3A_166 = arith.index_cast %while3A_152 : i32 to index
      %swap3A_167 = arith.constant 16 : index
      %swap3A_168 = tpu.vector_load %arg5[%swap3A_166, %swap3A_167] {strides = array<i32>} : memref<80x128xi32, #tpu.memory_space<vmem>>, vector<16xi32>,
      tpu.vector_store %arg5[%swap3A_166, %swap3A_167], %and3A_165 {strides = array<i32>} : memref<80x128xi32, #tpu.memory_space<vmem>>, vector<16xi32>,
      %get3A_169 = arith.index_cast %while3A_152 : i32 to index
      %get3A_170 = arith.constant 32 : index
      %get3A_171 = tpu.vector_load %arg5[%get3A_169, %get3A_170] {strides = array<i32>} : memref<80x128xi32, #tpu.memory_space<vmem>>, vector<16xi32>,
      %and3A_172 = arith.constant 65535 : i32
      %and3A_173 = vector.broadcast %and3A_172 : i32 to vector<16xi32>
      %and3A_174 = arith.andi %get3A_171, %and3A_173 : vector<16xi32>
      %swap3A_175 = arith.index_cast %while3A_152 : i32 to index
      %swap3A_176 = arith.constant 32 : index
      %swap3A_177 = tpu.vector_load %arg5[%swap3A_175, %swap3A_176] {strides = array<i32>} : memref<80x128xi32, #tpu.memory_space<vmem>>, vector<16xi32>,
      tpu.vector_store %arg5[%swap3A_175, %swap3A_176], %and3A_174 {strides = array<i32>} : memref<80x128xi32, #tpu.memory_space<vmem>>, vector<16xi32>,
      %get3A_178 = arith.index_cast %while3A_152 : i32 to index
      %get3A_179 = arith.constant 48 : index
      %get3A_180 = tpu.vector_load %arg5[%get3A_178, %get3A_179] {strides = array<i32>} : memref<80x128xi32, #tpu.memory_space<vmem>>, vector<16xi32>,
      %and3A_181 = arith.constant 65535 : i32
      %and3A_182 = vector.broadcast %and3A_181 : i32 to vector<16xi32>
      %and3A_183 = arith.andi %get3A_180, %and3A_182 : vector<16xi32>
      %swap3A_184 = arith.index_cast %while3A_152 : i32 to index
      %swap3A_185 = arith.constant 48 : index
      %swap3A_186 = tpu.vector_load %arg5[%swap3A_184, %swap3A_185] {strides = array<i32>} : memref<80x128xi32, #tpu.memory_space<vmem>>, vector<16xi32>,
      tpu.vector_store %arg5[%swap3A_184, %swap3A_185], %and3A_183 {strides = array<i32>} : memref<80x128xi32, #tpu.memory_space<vmem>>, vector<16xi32>,
      %get3A_187 = arith.index_cast %while3A_152 : i32 to index
      %get3A_188 = arith.constant 64 : index
      %get3A_189 = tpu.vector_load %arg5[%get3A_187, %get3A_188] {strides = array<i32>} : memref<80x128xi32, #tpu.memory_space<vmem>>, vector<16xi32>,
      %and3A_190 = arith.constant 65535 : i32
      %and3A_191 = vector.broadcast %and3A_190 : i32 to vector<16xi32>
      %and3A_192 = arith.andi %get3A_189, %and3A_191 : vector<16xi32>
      %swap3A_193 = arith.index_cast %while3A_152 : i32 to index
      %swap3A_194 = arith.constant 64 : index
      %swap3A_195 = tpu.vector_load %arg5[%swap3A_193, %swap3A_194] {strides = array<i32>} : memref<80x128xi32, #tpu.memory_space<vmem>>, vector<16xi32>,
      tpu.vector_store %arg5[%swap3A_193, %swap3A_194], %and3A_192 {strides = array<i32>} : memref<80x128xi32, #tpu.memory_space<vmem>>, vector<16xi32>,
      %get3A_196 = arith.index_cast %while3A_152 : i32 to index
      %get3A_197 = arith.constant 80 : index
      %get3A_198 = tpu.vector_load %arg5[%get3A_196, %get3A_197] {strides = array<i32>} : memref<80x128xi32, #tpu.memory_space<vmem>>, vector<16xi32>,
      %and3A_199 = arith.constant 65535 : i32
      %and3A_200 = vector.broadcast %and3A_199 : i32 to vector<16xi32>
      %and3A_201 = arith.andi %get3A_198, %and3A_200 : vector<16xi32>
      %swap3A_202 = arith.index_cast %while3A_152 : i32 to index
      %swap3A_203 = arith.constant 80 : index
      %swap3A_204 = tpu.vector_load %arg5[%swap3A_202, %swap3A_203] {strides = array<i32>} : memref<80x128xi32, #tpu.memory_space<vmem>>, vector<16xi32>,
      tpu.vector_store %arg5[%swap3A_202, %swap3A_203], %and3A_201 {strides = array<i32>} : memref<80x128xi32, #tpu.memory_space<vmem>>, vector<16xi32>,
      %get3A_205 = arith.index_cast %while3A_152 : i32 to index
      %get3A_206 = arith.constant 96 : index
      %get3A_207 = tpu.vector_load %arg5[%get3A_205, %get3A_206] {strides = array<i32>} : memref<80x128xi32, #tpu.memory_space<vmem>>, vector<16xi32>,
      %and3A_208 = arith.constant 65535 : i32
      %and3A_209 = vector.broadcast %and3A_208 : i32 to vector<16xi32>
      %and3A_210 = arith.andi %get3A_207, %and3A_209 : vector<16xi32>
      %swap3A_211 = arith.index_cast %while3A_152 : i32 to index
      %swap3A_212 = arith.constant 96 : index
      %swap3A_213 = tpu.vector_load %arg5[%swap3A_211, %swap3A_212] {strides = array<i32>} : memref<80x128xi32, #tpu.memory_space<vmem>>, vector<16xi32>,
      tpu.vector_store %arg5[%swap3A_211, %swap3A_212], %and3A_210 {strides = array<i32>} : memref<80x128xi32, #tpu.memory_space<vmem>>, vector<16xi32>,
      %get3A_214 = arith.index_cast %while3A_152 : i32 to index
      %get3A_215 = arith.constant 112 : index
      %get3A_216 = tpu.vector_load %arg5[%get3A_214, %get3A_215] {strides = array<i32>} : memref<80x128xi32, #tpu.memory_space<vmem>>, vector<16xi32>,
      %and3A_217 = arith.constant 65535 : i32
      %and3A_218 = vector.broadcast %and3A_217 : i32 to vector<16xi32>
      %and3A_219 = arith.andi %get3A_216, %and3A_218 : vector<16xi32>
      %swap3A_220 = arith.index_cast %while3A_152 : i32 to index
      %swap3A_221 = arith.constant 112 : index
      %swap3A_222 = tpu.vector_load %arg5[%swap3A_220, %swap3A_221] {strides = array<i32>} : memref<80x128xi32, #tpu.memory_space<vmem>>, vector<16xi32>,
      tpu.vector_store %arg5[%swap3A_220, %swap3A_221], %and3A_219 {strides = array<i32>} : memref<80x128xi32, #tpu.memory_space<vmem>>, vector<16xi32>,
      %while3A_223 = arith.constant 0 : i64
      scf.yield %while3A_223 : i64
    }
    %while3A_13 = arith.constant 0 : i32
    %while3A_14 = arith.constant 128 : i32
    %while3A_15 = arith.constant 0 : i64
    %while3A_16 = arith.subi %while3A_14, %while3A_13 : i32
    %while3A_17 = arith.addi %while3A_13, %while3A_16 : i32
    %while3A_18 = arith.constant 1 : i32
    %while3A_19 = arith.divsi %while3A_16, %while3A_18 : i32
    %while3A_20 = arith.muli %while3A_19, %while3A_18 : i32
    %while3A_21 = arith.addi %while3A_13, %while3A_20 : i32
    %while3A_22 = arith.constant 1 : i32
    %while3A_23 = scf.for %while3A_152 = %while3A_13 to %while3A_21 step %while3A_22 iter_args(%while3A_153 = %while3A_15) -> (i64)  : i32 {
      %broadcast_in_dim3A = arith.constant 0.000000e+00 : f32
      %broadcast_in_dim3A_154 = vector.broadcast %broadcast_in_dim3A : f32 to vector<16xf32>
      %swap3A = arith.index_cast %while3A_152 : i32 to index
      %swap3A_155 = arith.constant 0 : index
      %swap3A_156 = tpu.vector_load %arg7[%swap3A, %swap3A_155] {strides = array<i32>} : memref<128x128xf32, #tpu.memory_space<vmem>>, vector<16xf32>,
      tpu.vector_store %arg7[%swap3A, %swap3A_155], %broadcast_in_dim3A_154 {strides = array<i32>} : memref<128x128xf32, #tpu.memory_space<vmem>>, vector<16xf32>,
      %broadcast_in_dim3A_157 = arith.constant 0.000000e+00 : f32
      %broadcast_in_dim3A_158 = vector.broadcast %broadcast_in_dim3A_157 : f32 to vector<16xf32>
      %swap3A_159 = arith.index_cast %while3A_152 : i32 to index
      %swap3A_160 = arith.constant 16 : index
      %swap3A_161 = tpu.vector_load %arg7[%swap3A_159, %swap3A_160] {strides = array<i32>} : memref<128x128xf32, #tpu.memory_space<vmem>>, vector<16xf32>,
      tpu.vector_store %arg7[%swap3A_159, %swap3A_160], %broadcast_in_dim3A_158 {strides = array<i32>} : memref<128x128xf32, #tpu.memory_space<vmem>>, vector<16xf32>,
      %broadcast_in_dim3A_162 = arith.constant 0.000000e+00 : f32
      %broadcast_in_dim3A_163 = vector.broadcast %broadcast_in_dim3A_162 : f32 to vector<16xf32>
      %swap3A_164 = arith.index_cast %while3A_152 : i32 to index
      %swap3A_165 = arith.constant 32 : index
      %swap3A_166 = tpu.vector_load %arg7[%swap3A_164, %swap3A_165] {strides = array<i32>} : memref<128x128xf32, #tpu.memory_space<vmem>>, vector<16xf32>,
      tpu.vector_store %arg7[%swap3A_164, %swap3A_165], %broadcast_in_dim3A_163 {strides = array<i32>} : memref<128x128xf32, #tpu.memory_space<vmem>>, vector<16xf32>,
      %broadcast_in_dim3A_167 = arith.constant 0.000000e+00 : f32
      %broadcast_in_dim3A_168 = vector.broadcast %broadcast_in_dim3A_167 : f32 to vector<16xf32>
      %swap3A_169 = arith.index_cast %while3A_152 : i32 to index
      %swap3A_170 = arith.constant 48 : index
      %swap3A_171 = tpu.vector_load %arg7[%swap3A_169, %swap3A_170] {strides = array<i32>} : memref<128x128xf32, #tpu.memory_space<vmem>>, vector<16xf32>,
      tpu.vector_store %arg7[%swap3A_169, %swap3A_170], %broadcast_in_dim3A_168 {strides = array<i32>} : memref<128x128xf32, #tpu.memory_space<vmem>>, vector<16xf32>,
      %broadcast_in_dim3A_172 = arith.constant 0.000000e+00 : f32
      %broadcast_in_dim3A_173 = vector.broadcast %broadcast_in_dim3A_172 : f32 to vector<16xf32>
      %swap3A_174 = arith.index_cast %while3A_152 : i32 to index
      %swap3A_175 = arith.constant 64 : index
      %swap3A_176 = tpu.vector_load %arg7[%swap3A_174, %swap3A_175] {strides = array<i32>} : memref<128x128xf32, #tpu.memory_space<vmem>>, vector<16xf32>,
      tpu.vector_store %arg7[%swap3A_174, %swap3A_175], %broadcast_in_dim3A_173 {strides = array<i32>} : memref<128x128xf32, #tpu.memory_space<vmem>>, vector<16xf32>,
      %broadcast_in_dim3A_177 = arith.constant 0.000000e+00 : f32
      %broadcast_in_dim3A_178 = vector.broadcast %broadcast_in_dim3A_177 : f32 to vector<16xf32>
      %swap3A_179 = arith.index_cast %while3A_152 : i32 to index
      %swap3A_180 = arith.constant 80 : index
      %swap3A_181 = tpu.vector_load %arg7[%swap3A_179, %swap3A_180] {strides = array<i32>} : memref<128x128xf32, #tpu.memory_space<vmem>>, vector<16xf32>,
      tpu.vector_store %arg7[%swap3A_179, %swap3A_180], %broadcast_in_dim3A_178 {strides = array<i32>} : memref<128x128xf32, #tpu.memory_space<vmem>>, vector<16xf32>,
      %broadcast_in_dim3A_182 = arith.constant 0.000000e+00 : f32
      %broadcast_in_dim3A_183 = vector.broadcast %broadcast_in_dim3A_182 : f32 to vector<16xf32>
      %swap3A_184 = arith.index_cast %while3A_152 : i32 to index
      %swap3A_185 = arith.constant 96 : index
      %swap3A_186 = tpu.vector_load %arg7[%swap3A_184, %swap3A_185] {strides = array<i32>} : memref<128x128xf32, #tpu.memory_space<vmem>>, vector<16xf32>,
      tpu.vector_store %arg7[%swap3A_184, %swap3A_185], %broadcast_in_dim3A_183 {strides = array<i32>} : memref<128x128xf32, #tpu.memory_space<vmem>>, vector<16xf32>,
      %broadcast_in_dim3A_187 = arith.constant 0.000000e+00 : f32
      %broadcast_in_dim3A_188 = vector.broadcast %broadcast_in_dim3A_187 : f32 to vector<16xf32>
      %swap3A_189 = arith.index_cast %while3A_152 : i32 to index
      %swap3A_190 = arith.constant 112 : index
      %swap3A_191 = tpu.vector_load %arg7[%swap3A_189, %swap3A_190] {strides = array<i32>} : memref<128x128xf32, #tpu.memory_space<vmem>>, vector<16xf32>,
      tpu.vector_store %arg7[%swap3A_189, %swap3A_190], %broadcast_in_dim3A_188 {strides = array<i32>} : memref<128x128xf32, #tpu.memory_space<vmem>>, vector<16xf32>,
      %while3A_192 = arith.constant 0 : i64
      scf.yield %while3A_192 : i64
    }
    %while3A_24 = arith.constant 1 : i32
    %while3A_25 = scf.for %while3A_152 = %while3A_21 to %while3A_17 step %while3A_24 iter_args(%while3A_153 = %while3A_23) -> (i64)  : i32 {
      %broadcast_in_dim3A = arith.constant 0.000000e+00 : f32
      %broadcast_in_dim3A_154 = vector.broadcast %broadcast_in_dim3A : f32 to vector<16xf32>
      %swap3A = arith.index_cast %while3A_152 : i32 to index
      %swap3A_155 = arith.constant 0 : index
      %swap3A_156 = tpu.vector_load %arg7[%swap3A, %swap3A_155] {strides = array<i32>} : memref<128x128xf32, #tpu.memory_space<vmem>>, vector<16xf32>,
      tpu.vector_store %arg7[%swap3A, %swap3A_155], %broadcast_in_dim3A_154 {strides = array<i32>} : memref<128x128xf32, #tpu.memory_space<vmem>>, vector<16xf32>,
      %broadcast_in_dim3A_157 = arith.constant 0.000000e+00 : f32
      %broadcast_in_dim3A_158 = vector.broadcast %broadcast_in_dim3A_157 : f32 to vector<16xf32>
      %swap3A_159 = arith.index_cast %while3A_152 : i32 to index
      %swap3A_160 = arith.constant 16 : index
      %swap3A_161 = tpu.vector_load %arg7[%swap3A_159, %swap3A_160] {strides = array<i32>} : memref<128x128xf32, #tpu.memory_space<vmem>>, vector<16xf32>,
      tpu.vector_store %arg7[%swap3A_159, %swap3A_160], %broadcast_in_dim3A_158 {strides = array<i32>} : memref<128x128xf32, #tpu.memory_space<vmem>>, vector<16xf32>,
      %broadcast_in_dim3A_162 = arith.constant 0.000000e+00 : f32
      %broadcast_in_dim3A_163 = vector.broadcast %broadcast_in_dim3A_162 : f32 to vector<16xf32>
      %swap3A_164 = arith.index_cast %while3A_152 : i32 to index
      %swap3A_165 = arith.constant 32 : index
      %swap3A_166 = tpu.vector_load %arg7[%swap3A_164, %swap3A_165] {strides = array<i32>} : memref<128x128xf32, #tpu.memory_space<vmem>>, vector<16xf32>,
      tpu.vector_store %arg7[%swap3A_164, %swap3A_165], %broadcast_in_dim3A_163 {strides = array<i32>} : memref<128x128xf32, #tpu.memory_space<vmem>>, vector<16xf32>,
      %broadcast_in_dim3A_167 = arith.constant 0.000000e+00 : f32
      %broadcast_in_dim3A_168 = vector.broadcast %broadcast_in_dim3A_167 : f32 to vector<16xf32>
      %swap3A_169 = arith.index_cast %while3A_152 : i32 to index
      %swap3A_170 = arith.constant 48 : index
      %swap3A_171 = tpu.vector_load %arg7[%swap3A_169, %swap3A_170] {strides = array<i32>} : memref<128x128xf32, #tpu.memory_space<vmem>>, vector<16xf32>,
      tpu.vector_store %arg7[%swap3A_169, %swap3A_170], %broadcast_in_dim3A_168 {strides = array<i32>} : memref<128x128xf32, #tpu.memory_space<vmem>>, vector<16xf32>,
      %broadcast_in_dim3A_172 = arith.constant 0.000000e+00 : f32
      %broadcast_in_dim3A_173 = vector.broadcast %broadcast_in_dim3A_172 : f32 to vector<16xf32>
      %swap3A_174 = arith.index_cast %while3A_152 : i32 to index
      %swap3A_175 = arith.constant 64 : index
      %swap3A_176 = tpu.vector_load %arg7[%swap3A_174, %swap3A_175] {strides = array<i32>} : memref<128x128xf32, #tpu.memory_space<vmem>>, vector<16xf32>,
      tpu.vector_store %arg7[%swap3A_174, %swap3A_175], %broadcast_in_dim3A_173 {strides = array<i32>} : memref<128x128xf32, #tpu.memory_space<vmem>>, vector<16xf32>,
      %broadcast_in_dim3A_177 = arith.constant 0.000000e+00 : f32
      %broadcast_in_dim3A_178 = vector.broadcast %broadcast_in_dim3A_177 : f32 to vector<16xf32>
      %swap3A_179 = arith.index_cast %while3A_152 : i32 to index
      %swap3A_180 = arith.constant 80 : index
      %swap3A_181 = tpu.vector_load %arg7[%swap3A_179, %swap3A_180] {strides = array<i32>} : memref<128x128xf32, #tpu.memory_space<vmem>>, vector<16xf32>,
      tpu.vector_store %arg7[%swap3A_179, %swap3A_180], %broadcast_in_dim3A_178 {strides = array<i32>} : memref<128x128xf32, #tpu.memory_space<vmem>>, vector<16xf32>,
      %broadcast_in_dim3A_182 = arith.constant 0.000000e+00 : f32
      %broadcast_in_dim3A_183 = vector.broadcast %broadcast_in_dim3A_182 : f32 to vector<16xf32>
      %swap3A_184 = arith.index_cast %while3A_152 : i32 to index
      %swap3A_185 = arith.constant 96 : index
      %swap3A_186 = tpu.vector_load %arg7[%swap3A_184, %swap3A_185] {strides = array<i32>} : memref<128x128xf32, #tpu.memory_space<vmem>>, vector<16xf32>,
      tpu.vector_store %arg7[%swap3A_184, %swap3A_185], %broadcast_in_dim3A_183 {strides = array<i32>} : memref<128x128xf32, #tpu.memory_space<vmem>>, vector<16xf32>,
      %broadcast_in_dim3A_187 = arith.constant 0.000000e+00 : f32
      %broadcast_in_dim3A_188 = vector.broadcast %broadcast_in_dim3A_187 : f32 to vector<16xf32>
      %swap3A_189 = arith.index_cast %while3A_152 : i32 to index
      %swap3A_190 = arith.constant 112 : index
      %swap3A_191 = tpu.vector_load %arg7[%swap3A_189, %swap3A_190] {strides = array<i32>} : memref<128x128xf32, #tpu.memory_space<vmem>>, vector<16xf32>,
      tpu.vector_store %arg7[%swap3A_189, %swap3A_190], %broadcast_in_dim3A_188 {strides = array<i32>} : memref<128x128xf32, #tpu.memory_space<vmem>>, vector<16xf32>,
      %while3A_192 = arith.constant 0 : i64
      scf.yield %while3A_192 : i64
    }
    %mul3A_26 = arith.constant 328 : i32
    %mul3A_27 = arith.muli %arg1, %mul3A_26 : i32
    "tpu.region"() ({
      %run_scoped3A_152 = tpu.sem_alloc : memref<!tpu.dma_semaphore, #tpu.memory_space<semaphore_mem>>
      %dma_start3A_153 = arith.constant 0 : i32
      %dma_start3A_154 = tpu.memref_slice %arg11[%mul3A_27, %dma_start3A_153] : memref<5248x128xf32, #tpu.memory_space<vmem_shared>> -> memref<128x128xf32, #tpu.memory_space<vmem_shared>>
      %dma_start3A_155 = arith.constant 0 : i32
      %dma_start3A_156 = tpu.memref_slice %arg11[%mul3A_27, %dma_start3A_155] : memref<5248x128xf32, #tpu.memory_space<vmem_shared>> -> memref<128x128xf32, #tpu.memory_space<vmem_shared>>
      tpu.enqueue_dma source(%arg7 : memref<128x128xf32, #tpu.memory_space<vmem>>) target(%dma_start3A_156 : memref<128x128xf32, #tpu.memory_space<vmem_shared>>) target_semaphore(%run_scoped3A_152 : memref<!tpu.dma_semaphore, #tpu.memory_space<semaphore_mem>>)
      %dma_wait3A = arith.constant 0 : i32
      %dma_wait3A_157 = tpu.memref_slice %arg11[%mul3A_27, %dma_wait3A] : memref<5248x128xf32, #tpu.memory_space<vmem_shared>> -> memref<128x128xf32, #tpu.memory_space<vmem_shared>>
      %dma_wait3A_158 = arith.constant 0 : i32
      %dma_wait3A_159 = tpu.memref_slice %arg11[%mul3A_27, %dma_wait3A_158] : memref<5248x128xf32, #tpu.memory_space<vmem_shared>> -> memref<128x128xf32, #tpu.memory_space<vmem_shared>>
      tpu.wait_dma2 semaphore(%run_scoped3A_152 : memref<!tpu.dma_semaphore, #tpu.memory_space<semaphore_mem>>) src(%arg7 : memref<128x128xf32, #tpu.memory_space<vmem>>) dst(%dma_wait3A_159 : memref<128x128xf32, #tpu.memory_space<vmem_shared>>)
      tpu.yield
    }) : () -> ()
    %mul3A_28 = arith.constant 328 : i32
    %mul3A_29 = arith.muli %arg1, %mul3A_28 : i32
    %add3A_30 = arith.constant 128 : i32
    %add3A_31 = arith.addi %mul3A_29, %add3A_30 : i32
    "tpu.region"() ({
      %run_scoped3A_152 = tpu.sem_alloc : memref<!tpu.dma_semaphore, #tpu.memory_space<semaphore_mem>>
      %dma_start3A_153 = arith.constant 0 : i32
      %dma_start3A_154 = tpu.memref_slice %arg11[%add3A_31, %dma_start3A_153] : memref<5248x128xf32, #tpu.memory_space<vmem_shared>> -> memref<128x128xf32, #tpu.memory_space<vmem_shared>>
      %dma_start3A_155 = arith.constant 0 : i32
      %dma_start3A_156 = tpu.memref_slice %arg11[%add3A_31, %dma_start3A_155] : memref<5248x128xf32, #tpu.memory_space<vmem_shared>> -> memref<128x128xf32, #tpu.memory_space<vmem_shared>>
      tpu.enqueue_dma source(%arg7 : memref<128x128xf32, #tpu.memory_space<vmem>>) target(%dma_start3A_156 : memref<128x128xf32, #tpu.memory_space<vmem_shared>>) target_semaphore(%run_scoped3A_152 : memref<!tpu.dma_semaphore, #tpu.memory_space<semaphore_mem>>)
      %dma_wait3A = arith.constant 0 : i32
      %dma_wait3A_157 = tpu.memref_slice %arg11[%add3A_31, %dma_wait3A] : memref<5248x128xf32, #tpu.memory_space<vmem_shared>> -> memref<128x128xf32, #tpu.memory_space<vmem_shared>>
      %dma_wait3A_158 = arith.constant 0 : i32
      %dma_wait3A_159 = tpu.memref_slice %arg11[%add3A_31, %dma_wait3A_158] : memref<5248x128xf32, #tpu.memory_space<vmem_shared>> -> memref<128x128xf32, #tpu.memory_space<vmem_shared>>
      tpu.wait_dma2 semaphore(%run_scoped3A_152 : memref<!tpu.dma_semaphore, #tpu.memory_space<semaphore_mem>>) src(%arg7 : memref<128x128xf32, #tpu.memory_space<vmem>>) dst(%dma_wait3A_159 : memref<128x128xf32, #tpu.memory_space<vmem_shared>>)
      tpu.yield
    }) : () -> ()
    %mul3A_32 = arith.constant 328 : i32
    %mul3A_33 = arith.muli %arg1, %mul3A_32 : i32
    %add3A_34 = arith.constant 256 : i32
    %add3A_35 = arith.addi %mul3A_33, %add3A_34 : i32
    "tpu.region"() ({
      %run_scoped3A_152 = tpu.sem_alloc : memref<!tpu.dma_semaphore, #tpu.memory_space<semaphore_mem>>
      %dma_start3A_153 = arith.constant 0 : i32
      %dma_start3A_154 = arith.constant 0 : i32
      %dma_start3A_155 = tpu.memref_slice %arg7[%dma_start3A_153, %dma_start3A_154] : memref<128x128xf32, #tpu.memory_space<vmem>> -> memref<72x128xf32, #tpu.memory_space<vmem>>
      %dma_start3A_156 = arith.constant 0 : i32
      %dma_start3A_157 = tpu.memref_slice %arg11[%add3A_35, %dma_start3A_156] : memref<5248x128xf32, #tpu.memory_space<vmem_shared>> -> memref<72x128xf32, #tpu.memory_space<vmem_shared>>
      %dma_start3A_158 = arith.constant 0 : i32
      %dma_start3A_159 = tpu.memref_slice %arg11[%add3A_35, %dma_start3A_158] : memref<5248x128xf32, #tpu.memory_space<vmem_shared>> -> memref<72x128xf32, #tpu.memory_space<vmem_shared>>
      %dma_start3A_160 = arith.constant 0 : i32
      %dma_start3A_161 = arith.constant 0 : i32
      %dma_start3A_162 = tpu.memref_slice %arg7[%dma_start3A_160, %dma_start3A_161] : memref<128x128xf32, #tpu.memory_space<vmem>> -> memref<72x128xf32, #tpu.memory_space<vmem>>
      tpu.enqueue_dma source(%dma_start3A_162 : memref<72x128xf32, #tpu.memory_space<vmem>>) target(%dma_start3A_159 : memref<72x128xf32, #tpu.memory_space<vmem_shared>>) target_semaphore(%run_scoped3A_152 : memref<!tpu.dma_semaphore, #tpu.memory_space<semaphore_mem>>)
      %dma_wait3A = arith.constant 0 : i32
      %dma_wait3A_163 = arith.constant 0 : i32
      %dma_wait3A_164 = tpu.memref_slice %arg7[%dma_wait3A, %dma_wait3A_163] : memref<128x128xf32, #tpu.memory_space<vmem>> -> memref<72x128xf32, #tpu.memory_space<vmem>>
      %dma_wait3A_165 = arith.constant 0 : i32
      %dma_wait3A_166 = tpu.memref_slice %arg11[%add3A_35, %dma_wait3A_165] : memref<5248x128xf32, #tpu.memory_space<vmem_shared>> -> memref<72x128xf32, #tpu.memory_space<vmem_shared>>
      %dma_wait3A_167 = arith.constant 0 : i32
      %dma_wait3A_168 = tpu.memref_slice %arg11[%add3A_35, %dma_wait3A_167] : memref<5248x128xf32, #tpu.memory_space<vmem_shared>> -> memref<72x128xf32, #tpu.memory_space<vmem_shared>>
      %dma_wait3A_169 = arith.constant 0 : i32
      %dma_wait3A_170 = arith.constant 0 : i32
      %dma_wait3A_171 = tpu.memref_slice %arg7[%dma_wait3A_169, %dma_wait3A_170] : memref<128x128xf32, #tpu.memory_space<vmem>> -> memref<72x128xf32, #tpu.memory_space<vmem>>
      tpu.wait_dma2 semaphore(%run_scoped3A_152 : memref<!tpu.dma_semaphore, #tpu.memory_space<semaphore_mem>>) src(%dma_wait3A_171 : memref<72x128xf32, #tpu.memory_space<vmem>>) dst(%dma_wait3A_168 : memref<72x128xf32, #tpu.memory_space<vmem_shared>>)
      tpu.yield
    }) : () -> ()
    "tpu.region"() ({
      %run_scoped3A_152 = tpu.sem_alloc : memref<!tpu.dma_semaphore, #tpu.memory_space<semaphore_mem>>
      %dma_start3A_153 = arith.constant 0 : i32
      %dma_start3A_154 = arith.constant 0 : i32
      %dma_start3A_155 = tpu.memref_slice %arg3[%add3A, %dma_start3A_153, %dma_start3A_154] : memref<32x80x128xi32, #tpu.memory_space<hbm>> -> memref<1x80x128xi32, #tpu.memory_space<hbm>>
      %dma_start3A_156 = tpu.memref_squeeze %dma_start3A_155 : memref<1x80x128xi32, #tpu.memory_space<hbm>> -> memref<80x128xi32, #tpu.memory_space<hbm>>
      %dma_start3A_157 = arith.constant 0 : i32
      %dma_start3A_158 = arith.constant 0 : i32
      %dma_start3A_159 = tpu.memref_slice %arg3[%add3A, %dma_start3A_157, %dma_start3A_158] : memref<32x80x128xi32, #tpu.memory_space<hbm>> -> memref<1x80x128xi32, #tpu.memory_space<hbm>>
      %dma_start3A_160 = tpu.memref_squeeze %dma_start3A_159 : memref<1x80x128xi32, #tpu.memory_space<hbm>> -> memref<80x128xi32, #tpu.memory_space<hbm>>
      tpu.enqueue_dma source(%dma_start3A_160 : memref<80x128xi32, #tpu.memory_space<hbm>>) target(%arg6 : memref<80x128xi32, #tpu.memory_space<vmem>>) target_semaphore(%run_scoped3A_152 : memref<!tpu.dma_semaphore, #tpu.memory_space<semaphore_mem>>)
      %dma_wait3A = arith.constant 0 : i32
      %dma_wait3A_161 = arith.constant 0 : i32
      %dma_wait3A_162 = tpu.memref_slice %arg3[%add3A, %dma_wait3A, %dma_wait3A_161] : memref<32x80x128xi32, #tpu.memory_space<hbm>> -> memref<1x80x128xi32, #tpu.memory_space<hbm>>
      %dma_wait3A_163 = tpu.memref_squeeze %dma_wait3A_162 : memref<1x80x128xi32, #tpu.memory_space<hbm>> -> memref<80x128xi32, #tpu.memory_space<hbm>>
      %dma_wait3A_164 = arith.constant 0 : i32
      %dma_wait3A_165 = arith.constant 0 : i32
      %dma_wait3A_166 = tpu.memref_slice %arg3[%add3A, %dma_wait3A_164, %dma_wait3A_165] : memref<32x80x128xi32, #tpu.memory_space<hbm>> -> memref<1x80x128xi32, #tpu.memory_space<hbm>>
      %dma_wait3A_167 = tpu.memref_squeeze %dma_wait3A_166 : memref<1x80x128xi32, #tpu.memory_space<hbm>> -> memref<80x128xi32, #tpu.memory_space<hbm>>
      tpu.wait_dma2 semaphore(%run_scoped3A_152 : memref<!tpu.dma_semaphore, #tpu.memory_space<semaphore_mem>>) src(%dma_wait3A_167 : memref<80x128xi32, #tpu.memory_space<hbm>>) dst(%arg6 : memref<80x128xi32, #tpu.memory_space<vmem>>)
      tpu.yield
    }) : () -> ()
    %while3A_36 = arith.constant 0 : i32
    %while3A_37 = arith.constant 80 : i32
    %while3A_38 = arith.constant 0 : i64
    %while3A_39 = arith.subi %while3A_37, %while3A_36 : i32
    %while3A_40 = arith.addi %while3A_36, %while3A_39 : i32
    %while3A_41 = arith.constant 1 : i32
    %while3A_42 = arith.divsi %while3A_39, %while3A_41 : i32
    %while3A_43 = arith.muli %while3A_42, %while3A_41 : i32
    %while3A_44 = arith.addi %while3A_36, %while3A_43 : i32
    %while3A_45 = arith.constant 1 : i32
    %while3A_46 = scf.for %while3A_152 = %while3A_36 to %while3A_44 step %while3A_45 iter_args(%while3A_153 = %while3A_38) -> (i64)  : i32 {
      %get3A = arith.index_cast %while3A_152 : i32 to index
      %get3A_154 = arith.constant 0 : index
      %get3A_155 = tpu.vector_load %arg6[%get3A, %get3A_154] {strides = array<i32>} : memref<80x128xi32, #tpu.memory_space<vmem>>, vector<16xi32>,
      %shift_right_arithmetic3A = arith.constant 16 : i32
      %shift_right_arithmetic3A_156 = vector.broadcast %shift_right_arithmetic3A : i32 to vector<16xi32>
      %shift_right_arithmetic3A_157 = arith.shrsi %get3A_155, %shift_right_arithmetic3A_156 : vector<16xi32>
      %sub3A = arith.constant 0 : i32
      %sub3A_158 = vector.broadcast %sub3A : i32 to vector<16xi32>
      %sub3A_159 = arith.subi %shift_right_arithmetic3A_157, %sub3A_158 : vector<16xi32>
      %ge3A = arith.constant 0 : i32
      %ge3A_160 = vector.broadcast %ge3A : i32 to vector<16xi32>
      %ge3A_161 = arith.cmpi sge, %sub3A_159, %ge3A_160 : vector<16xi32>
      %lt3A = arith.constant 5200 : i32
      %lt3A_162 = vector.broadcast %lt3A : i32 to vector<16xi32>
      %lt3A_163 = arith.cmpi slt, %sub3A_159, %lt3A_162 : vector<16xi32>
      %and3A = arith.andi %ge3A_161, %lt3A_163 : vector<16xi1>
      %jit3A = arith.constant 5200 : i32
      %broadcast_in_dim3A = vector.broadcast %jit3A : i32 to vector<16xi32>
      %select_n3A = arith.select %and3A, %sub3A_159, %broadcast_in_dim3A : vector<16xi1>, vector<16xi32>
      %swap3A = arith.index_cast %while3A_152 : i32 to index
      %swap3A_164 = arith.constant 0 : index
      %swap3A_165 = tpu.vector_load %arg6[%swap3A, %swap3A_164] {strides = array<i32>} : memref<80x128xi32, #tpu.memory_space<vmem>>, vector<16xi32>,
      tpu.vector_store %arg6[%swap3A, %swap3A_164], %select_n3A {strides = array<i32>} : memref<80x128xi32, #tpu.memory_space<vmem>>, vector<16xi32>,
      %get3A_166 = arith.index_cast %while3A_152 : i32 to index
      %get3A_167 = arith.constant 16 : index
      %get3A_168 = tpu.vector_load %arg6[%get3A_166, %get3A_167] {strides = array<i32>} : memref<80x128xi32, #tpu.memory_space<vmem>>, vector<16xi32>,
      %shift_right_arithmetic3A_169 = arith.constant 16 : i32
      %shift_right_arithmetic3A_170 = vector.broadcast %shift_right_arithmetic3A_169 : i32 to vector<16xi32>
      %shift_right_arithmetic3A_171 = arith.shrsi %get3A_168, %shift_right_arithmetic3A_170 : vector<16xi32>
      %sub3A_172 = arith.constant 0 : i32
      %sub3A_173 = vector.broadcast %sub3A_172 : i32 to vector<16xi32>
      %sub3A_174 = arith.subi %shift_right_arithmetic3A_171, %sub3A_173 : vector<16xi32>
      %ge3A_175 = arith.constant 0 : i32
      %ge3A_176 = vector.broadcast %ge3A_175 : i32 to vector<16xi32>
      %ge3A_177 = arith.cmpi sge, %sub3A_174, %ge3A_176 : vector<16xi32>
      %lt3A_178 = arith.constant 5200 : i32
      %lt3A_179 = vector.broadcast %lt3A_178 : i32 to vector<16xi32>
      %lt3A_180 = arith.cmpi slt, %sub3A_174, %lt3A_179 : vector<16xi32>
      %and3A_181 = arith.andi %ge3A_177, %lt3A_180 : vector<16xi1>
      %jit3A_182 = arith.constant 5200 : i32
      %broadcast_in_dim3A_183 = vector.broadcast %jit3A_182 : i32 to vector<16xi32>
      %select_n3A_184 = arith.select %and3A_181, %sub3A_174, %broadcast_in_dim3A_183 : vector<16xi1>, vector<16xi32>
      %swap3A_185 = arith.index_cast %while3A_152 : i32 to index
      %swap3A_186 = arith.constant 16 : index
      %swap3A_187 = tpu.vector_load %arg6[%swap3A_185, %swap3A_186] {strides = array<i32>} : memref<80x128xi32, #tpu.memory_space<vmem>>, vector<16xi32>,
      tpu.vector_store %arg6[%swap3A_185, %swap3A_186], %select_n3A_184 {strides = array<i32>} : memref<80x128xi32, #tpu.memory_space<vmem>>, vector<16xi32>,
      %get3A_188 = arith.index_cast %while3A_152 : i32 to index
      %get3A_189 = arith.constant 32 : index
      %get3A_190 = tpu.vector_load %arg6[%get3A_188, %get3A_189] {strides = array<i32>} : memref<80x128xi32, #tpu.memory_space<vmem>>, vector<16xi32>,
      %shift_right_arithmetic3A_191 = arith.constant 16 : i32
      %shift_right_arithmetic3A_192 = vector.broadcast %shift_right_arithmetic3A_191 : i32 to vector<16xi32>
      %shift_right_arithmetic3A_193 = arith.shrsi %get3A_190, %shift_right_arithmetic3A_192 : vector<16xi32>
      %sub3A_194 = arith.constant 0 : i32
      %sub3A_195 = vector.broadcast %sub3A_194 : i32 to vector<16xi32>
      %sub3A_196 = arith.subi %shift_right_arithmetic3A_193, %sub3A_195 : vector<16xi32>
      %ge3A_197 = arith.constant 0 : i32
      %ge3A_198 = vector.broadcast %ge3A_197 : i32 to vector<16xi32>
      %ge3A_199 = arith.cmpi sge, %sub3A_196, %ge3A_198 : vector<16xi32>
      %lt3A_200 = arith.constant 5200 : i32
      %lt3A_201 = vector.broadcast %lt3A_200 : i32 to vector<16xi32>
      %lt3A_202 = arith.cmpi slt, %sub3A_196, %lt3A_201 : vector<16xi32>
      %and3A_203 = arith.andi %ge3A_199, %lt3A_202 : vector<16xi1>
      %jit3A_204 = arith.constant 5200 : i32
      %broadcast_in_dim3A_205 = vector.broadcast %jit3A_204 : i32 to vector<16xi32>
      %select_n3A_206 = arith.select %and3A_203, %sub3A_196, %broadcast_in_dim3A_205 : vector<16xi1>, vector<16xi32>
      %swap3A_207 = arith.index_cast %while3A_152 : i32 to index
      %swap3A_208 = arith.constant 32 : index
      %swap3A_209 = tpu.vector_load %arg6[%swap3A_207, %swap3A_208] {strides = array<i32>} : memref<80x128xi32, #tpu.memory_space<vmem>>, vector<16xi32>,
      tpu.vector_store %arg6[%swap3A_207, %swap3A_208], %select_n3A_206 {strides = array<i32>} : memref<80x128xi32, #tpu.memory_space<vmem>>, vector<16xi32>,
      %get3A_210 = arith.index_cast %while3A_152 : i32 to index
      %get3A_211 = arith.constant 48 : index
      %get3A_212 = tpu.vector_load %arg6[%get3A_210, %get3A_211] {strides = array<i32>} : memref<80x128xi32, #tpu.memory_space<vmem>>, vector<16xi32>,
      %shift_right_arithmetic3A_213 = arith.constant 16 : i32
      %shift_right_arithmetic3A_214 = vector.broadcast %shift_right_arithmetic3A_213 : i32 to vector<16xi32>
      %shift_right_arithmetic3A_215 = arith.shrsi %get3A_212, %shift_right_arithmetic3A_214 : vector<16xi32>
      %sub3A_216 = arith.constant 0 : i32
      %sub3A_217 = vector.broadcast %sub3A_216 : i32 to vector<16xi32>
      %sub3A_218 = arith.subi %shift_right_arithmetic3A_215, %sub3A_217 : vector<16xi32>
      %ge3A_219 = arith.constant 0 : i32
      %ge3A_220 = vector.broadcast %ge3A_219 : i32 to vector<16xi32>
      %ge3A_221 = arith.cmpi sge, %sub3A_218, %ge3A_220 : vector<16xi32>
      %lt3A_222 = arith.constant 5200 : i32
      %lt3A_223 = vector.broadcast %lt3A_222 : i32 to vector<16xi32>
      %lt3A_224 = arith.cmpi slt, %sub3A_218, %lt3A_223 : vector<16xi32>
      %and3A_225 = arith.andi %ge3A_221, %lt3A_224 : vector<16xi1>
      %jit3A_226 = arith.constant 5200 : i32
      %broadcast_in_dim3A_227 = vector.broadcast %jit3A_226 : i32 to vector<16xi32>
      %select_n3A_228 = arith.select %and3A_225, %sub3A_218, %broadcast_in_dim3A_227 : vector<16xi1>, vector<16xi32>
      %swap3A_229 = arith.index_cast %while3A_152 : i32 to index
      %swap3A_230 = arith.constant 48 : index
      %swap3A_231 = tpu.vector_load %arg6[%swap3A_229, %swap3A_230] {strides = array<i32>} : memref<80x128xi32, #tpu.memory_space<vmem>>, vector<16xi32>,
      tpu.vector_store %arg6[%swap3A_229, %swap3A_230], %select_n3A_228 {strides = array<i32>} : memref<80x128xi32, #tpu.memory_space<vmem>>, vector<16xi32>,
      %get3A_232 = arith.index_cast %while3A_152 : i32 to index
      %get3A_233 = arith.constant 64 : index
      %get3A_234 = tpu.vector_load %arg6[%get3A_232, %get3A_233] {strides = array<i32>} : memref<80x128xi32, #tpu.memory_space<vmem>>, vector<16xi32>,
      %shift_right_arithmetic3A_235 = arith.constant 16 : i32
      %shift_right_arithmetic3A_236 = vector.broadcast %shift_right_arithmetic3A_235 : i32 to vector<16xi32>
      %shift_right_arithmetic3A_237 = arith.shrsi %get3A_234, %shift_right_arithmetic3A_236 : vector<16xi32>
      %sub3A_238 = arith.constant 0 : i32
      %sub3A_239 = vector.broadcast %sub3A_238 : i32 to vector<16xi32>
      %sub3A_240 = arith.subi %shift_right_arithmetic3A_237, %sub3A_239 : vector<16xi32>
      %ge3A_241 = arith.constant 0 : i32
      %ge3A_242 = vector.broadcast %ge3A_241 : i32 to vector<16xi32>
      %ge3A_243 = arith.cmpi sge, %sub3A_240, %ge3A_242 : vector<16xi32>
      %lt3A_244 = arith.constant 5200 : i32
      %lt3A_245 = vector.broadcast %lt3A_244 : i32 to vector<16xi32>
      %lt3A_246 = arith.cmpi slt, %sub3A_240, %lt3A_245 : vector<16xi32>
      %and3A_247 = arith.andi %ge3A_243, %lt3A_246 : vector<16xi1>
      %jit3A_248 = arith.constant 5200 : i32
      %broadcast_in_dim3A_249 = vector.broadcast %jit3A_248 : i32 to vector<16xi32>
      %select_n3A_250 = arith.select %and3A_247, %sub3A_240, %broadcast_in_dim3A_249 : vector<16xi1>, vector<16xi32>
      %swap3A_251 = arith.index_cast %while3A_152 : i32 to index
      %swap3A_252 = arith.constant 64 : index
      %swap3A_253 = tpu.vector_load %arg6[%swap3A_251, %swap3A_252] {strides = array<i32>} : memref<80x128xi32, #tpu.memory_space<vmem>>, vector<16xi32>,
      tpu.vector_store %arg6[%swap3A_251, %swap3A_252], %select_n3A_250 {strides = array<i32>} : memref<80x128xi32, #tpu.memory_space<vmem>>, vector<16xi32>,
      %get3A_254 = arith.index_cast %while3A_152 : i32 to index
      %get3A_255 = arith.constant 80 : index
      %get3A_256 = tpu.vector_load %arg6[%get3A_254, %get3A_255] {strides = array<i32>} : memref<80x128xi32, #tpu.memory_space<vmem>>, vector<16xi32>,
      %shift_right_arithmetic3A_257 = arith.constant 16 : i32
      %shift_right_arithmetic3A_258 = vector.broadcast %shift_right_arithmetic3A_257 : i32 to vector<16xi32>
      %shift_right_arithmetic3A_259 = arith.shrsi %get3A_256, %shift_right_arithmetic3A_258 : vector<16xi32>
      %sub3A_260 = arith.constant 0 : i32
      %sub3A_261 = vector.broadcast %sub3A_260 : i32 to vector<16xi32>
      %sub3A_262 = arith.subi %shift_right_arithmetic3A_259, %sub3A_261 : vector<16xi32>
      %ge3A_263 = arith.constant 0 : i32
      %ge3A_264 = vector.broadcast %ge3A_263 : i32 to vector<16xi32>
      %ge3A_265 = arith.cmpi sge, %sub3A_262, %ge3A_264 : vector<16xi32>
      %lt3A_266 = arith.constant 5200 : i32
      %lt3A_267 = vector.broadcast %lt3A_266 : i32 to vector<16xi32>
      %lt3A_268 = arith.cmpi slt, %sub3A_262, %lt3A_267 : vector<16xi32>
      %and3A_269 = arith.andi %ge3A_265, %lt3A_268 : vector<16xi1>
      %jit3A_270 = arith.constant 5200 : i32
      %broadcast_in_dim3A_271 = vector.broadcast %jit3A_270 : i32 to vector<16xi32>
      %select_n3A_272 = arith.select %and3A_269, %sub3A_262, %broadcast_in_dim3A_271 : vector<16xi1>, vector<16xi32>
      %swap3A_273 = arith.index_cast %while3A_152 : i32 to index
      %swap3A_274 = arith.constant 80 : index
      %swap3A_275 = tpu.vector_load %arg6[%swap3A_273, %swap3A_274] {strides = array<i32>} : memref<80x128xi32, #tpu.memory_space<vmem>>, vector<16xi32>,
      tpu.vector_store %arg6[%swap3A_273, %swap3A_274], %select_n3A_272 {strides = array<i32>} : memref<80x128xi32, #tpu.memory_space<vmem>>, vector<16xi32>,
      %get3A_276 = arith.index_cast %while3A_152 : i32 to index
      %get3A_277 = arith.constant 96 : index
      %get3A_278 = tpu.vector_load %arg6[%get3A_276, %get3A_277] {strides = array<i32>} : memref<80x128xi32, #tpu.memory_space<vmem>>, vector<16xi32>,
      %shift_right_arithmetic3A_279 = arith.constant 16 : i32
      %shift_right_arithmetic3A_280 = vector.broadcast %shift_right_arithmetic3A_279 : i32 to vector<16xi32>
      %shift_right_arithmetic3A_281 = arith.shrsi %get3A_278, %shift_right_arithmetic3A_280 : vector<16xi32>
      %sub3A_282 = arith.constant 0 : i32
      %sub3A_283 = vector.broadcast %sub3A_282 : i32 to vector<16xi32>
      %sub3A_284 = arith.subi %shift_right_arithmetic3A_281, %sub3A_283 : vector<16xi32>
      %ge3A_285 = arith.constant 0 : i32
      %ge3A_286 = vector.broadcast %ge3A_285 : i32 to vector<16xi32>
      %ge3A_287 = arith.cmpi sge, %sub3A_284, %ge3A_286 : vector<16xi32>
      %lt3A_288 = arith.constant 5200 : i32
      %lt3A_289 = vector.broadcast %lt3A_288 : i32 to vector<16xi32>
      %lt3A_290 = arith.cmpi slt, %sub3A_284, %lt3A_289 : vector<16xi32>
      %and3A_291 = arith.andi %ge3A_287, %lt3A_290 : vector<16xi1>
      %jit3A_292 = arith.constant 5200 : i32
      %broadcast_in_dim3A_293 = vector.broadcast %jit3A_292 : i32 to vector<16xi32>
      %select_n3A_294 = arith.select %and3A_291, %sub3A_284, %broadcast_in_dim3A_293 : vector<16xi1>, vector<16xi32>
      %swap3A_295 = arith.index_cast %while3A_152 : i32 to index
      %swap3A_296 = arith.constant 96 : index
      %swap3A_297 = tpu.vector_load %arg6[%swap3A_295, %swap3A_296] {strides = array<i32>} : memref<80x128xi32, #tpu.memory_space<vmem>>, vector<16xi32>,
      tpu.vector_store %arg6[%swap3A_295, %swap3A_296], %select_n3A_294 {strides = array<i32>} : memref<80x128xi32, #tpu.memory_space<vmem>>, vector<16xi32>,
      %get3A_298 = arith.index_cast %while3A_152 : i32 to index
      %get3A_299 = arith.constant 112 : index
      %get3A_300 = tpu.vector_load %arg6[%get3A_298, %get3A_299] {strides = array<i32>} : memref<80x128xi32, #tpu.memory_space<vmem>>, vector<16xi32>,
      %shift_right_arithmetic3A_301 = arith.constant 16 : i32
      %shift_right_arithmetic3A_302 = vector.broadcast %shift_right_arithmetic3A_301 : i32 to vector<16xi32>
      %shift_right_arithmetic3A_303 = arith.shrsi %get3A_300, %shift_right_arithmetic3A_302 : vector<16xi32>
      %sub3A_304 = arith.constant 0 : i32
      %sub3A_305 = vector.broadcast %sub3A_304 : i32 to vector<16xi32>
      %sub3A_306 = arith.subi %shift_right_arithmetic3A_303, %sub3A_305 : vector<16xi32>
      %ge3A_307 = arith.constant 0 : i32
      %ge3A_308 = vector.broadcast %ge3A_307 : i32 to vector<16xi32>
      %ge3A_309 = arith.cmpi sge, %sub3A_306, %ge3A_308 : vector<16xi32>
      %lt3A_310 = arith.constant 5200 : i32
      %lt3A_311 = vector.broadcast %lt3A_310 : i32 to vector<16xi32>
      %lt3A_312 = arith.cmpi slt, %sub3A_306, %lt3A_311 : vector<16xi32>
      %and3A_313 = arith.andi %ge3A_309, %lt3A_312 : vector<16xi1>
      %jit3A_314 = arith.constant 5200 : i32
      %broadcast_in_dim3A_315 = vector.broadcast %jit3A_314 : i32 to vector<16xi32>
      %select_n3A_316 = arith.select %and3A_313, %sub3A_306, %broadcast_in_dim3A_315 : vector<16xi1>, vector<16xi32>
      %swap3A_317 = arith.index_cast %while3A_152 : i32 to index
      %swap3A_318 = arith.constant 112 : index
      %swap3A_319 = tpu.vector_load %arg6[%swap3A_317, %swap3A_318] {strides = array<i32>} : memref<80x128xi32, #tpu.memory_space<vmem>>, vector<16xi32>,
      tpu.vector_store %arg6[%swap3A_317, %swap3A_318], %select_n3A_316 {strides = array<i32>} : memref<80x128xi32, #tpu.memory_space<vmem>>, vector<16xi32>,
      %while3A_320 = arith.constant 0 : i64
      scf.yield %while3A_320 : i64
    }
    %while3A_47 = arith.constant 1 : i32
    %while3A_48 = scf.for %while3A_152 = %while3A_44 to %while3A_40 step %while3A_47 iter_args(%while3A_153 = %while3A_46) -> (i64)  : i32 {
      %get3A = arith.index_cast %while3A_152 : i32 to index
      %get3A_154 = arith.constant 0 : index
      %get3A_155 = tpu.vector_load %arg6[%get3A, %get3A_154] {strides = array<i32>} : memref<80x128xi32, #tpu.memory_space<vmem>>, vector<16xi32>,
      %shift_right_arithmetic3A = arith.constant 16 : i32
      %shift_right_arithmetic3A_156 = vector.broadcast %shift_right_arithmetic3A : i32 to vector<16xi32>
      %shift_right_arithmetic3A_157 = arith.shrsi %get3A_155, %shift_right_arithmetic3A_156 : vector<16xi32>
      %sub3A = arith.constant 0 : i32
      %sub3A_158 = vector.broadcast %sub3A : i32 to vector<16xi32>
      %sub3A_159 = arith.subi %shift_right_arithmetic3A_157, %sub3A_158 : vector<16xi32>
      %ge3A = arith.constant 0 : i32
      %ge3A_160 = vector.broadcast %ge3A : i32 to vector<16xi32>
      %ge3A_161 = arith.cmpi sge, %sub3A_159, %ge3A_160 : vector<16xi32>
      %lt3A = arith.constant 5200 : i32
      %lt3A_162 = vector.broadcast %lt3A : i32 to vector<16xi32>
      %lt3A_163 = arith.cmpi slt, %sub3A_159, %lt3A_162 : vector<16xi32>
      %and3A = arith.andi %ge3A_161, %lt3A_163 : vector<16xi1>
      %jit3A = arith.constant 5200 : i32
      %broadcast_in_dim3A = vector.broadcast %jit3A : i32 to vector<16xi32>
      %select_n3A = arith.select %and3A, %sub3A_159, %broadcast_in_dim3A : vector<16xi1>, vector<16xi32>
      %swap3A = arith.index_cast %while3A_152 : i32 to index
      %swap3A_164 = arith.constant 0 : index
      %swap3A_165 = tpu.vector_load %arg6[%swap3A, %swap3A_164] {strides = array<i32>} : memref<80x128xi32, #tpu.memory_space<vmem>>, vector<16xi32>,
      tpu.vector_store %arg6[%swap3A, %swap3A_164], %select_n3A {strides = array<i32>} : memref<80x128xi32, #tpu.memory_space<vmem>>, vector<16xi32>,
      %get3A_166 = arith.index_cast %while3A_152 : i32 to index
      %get3A_167 = arith.constant 16 : index
      %get3A_168 = tpu.vector_load %arg6[%get3A_166, %get3A_167] {strides = array<i32>} : memref<80x128xi32, #tpu.memory_space<vmem>>, vector<16xi32>,
      %shift_right_arithmetic3A_169 = arith.constant 16 : i32
      %shift_right_arithmetic3A_170 = vector.broadcast %shift_right_arithmetic3A_169 : i32 to vector<16xi32>
      %shift_right_arithmetic3A_171 = arith.shrsi %get3A_168, %shift_right_arithmetic3A_170 : vector<16xi32>
      %sub3A_172 = arith.constant 0 : i32
      %sub3A_173 = vector.broadcast %sub3A_172 : i32 to vector<16xi32>
      %sub3A_174 = arith.subi %shift_right_arithmetic3A_171, %sub3A_173 : vector<16xi32>
      %ge3A_175 = arith.constant 0 : i32
      %ge3A_176 = vector.broadcast %ge3A_175 : i32 to vector<16xi32>
      %ge3A_177 = arith.cmpi sge, %sub3A_174, %ge3A_176 : vector<16xi32>
      %lt3A_178 = arith.constant 5200 : i32
      %lt3A_179 = vector.broadcast %lt3A_178 : i32 to vector<16xi32>
      %lt3A_180 = arith.cmpi slt, %sub3A_174, %lt3A_179 : vector<16xi32>
      %and3A_181 = arith.andi %ge3A_177, %lt3A_180 : vector<16xi1>
      %jit3A_182 = arith.constant 5200 : i32
      %broadcast_in_dim3A_183 = vector.broadcast %jit3A_182 : i32 to vector<16xi32>
      %select_n3A_184 = arith.select %and3A_181, %sub3A_174, %broadcast_in_dim3A_183 : vector<16xi1>, vector<16xi32>
      %swap3A_185 = arith.index_cast %while3A_152 : i32 to index
      %swap3A_186 = arith.constant 16 : index
      %swap3A_187 = tpu.vector_load %arg6[%swap3A_185, %swap3A_186] {strides = array<i32>} : memref<80x128xi32, #tpu.memory_space<vmem>>, vector<16xi32>,
      tpu.vector_store %arg6[%swap3A_185, %swap3A_186], %select_n3A_184 {strides = array<i32>} : memref<80x128xi32, #tpu.memory_space<vmem>>, vector<16xi32>,
      %get3A_188 = arith.index_cast %while3A_152 : i32 to index
      %get3A_189 = arith.constant 32 : index
      %get3A_190 = tpu.vector_load %arg6[%get3A_188, %get3A_189] {strides = array<i32>} : memref<80x128xi32, #tpu.memory_space<vmem>>, vector<16xi32>,
      %shift_right_arithmetic3A_191 = arith.constant 16 : i32
      %shift_right_arithmetic3A_192 = vector.broadcast %shift_right_arithmetic3A_191 : i32 to vector<16xi32>
      %shift_right_arithmetic3A_193 = arith.shrsi %get3A_190, %shift_right_arithmetic3A_192 : vector<16xi32>
      %sub3A_194 = arith.constant 0 : i32
      %sub3A_195 = vector.broadcast %sub3A_194 : i32 to vector<16xi32>
      %sub3A_196 = arith.subi %shift_right_arithmetic3A_193, %sub3A_195 : vector<16xi32>
      %ge3A_197 = arith.constant 0 : i32
      %ge3A_198 = vector.broadcast %ge3A_197 : i32 to vector<16xi32>
      %ge3A_199 = arith.cmpi sge, %sub3A_196, %ge3A_198 : vector<16xi32>
      %lt3A_200 = arith.constant 5200 : i32
      %lt3A_201 = vector.broadcast %lt3A_200 : i32 to vector<16xi32>
      %lt3A_202 = arith.cmpi slt, %sub3A_196, %lt3A_201 : vector<16xi32>
      %and3A_203 = arith.andi %ge3A_199, %lt3A_202 : vector<16xi1>
      %jit3A_204 = arith.constant 5200 : i32
      %broadcast_in_dim3A_205 = vector.broadcast %jit3A_204 : i32 to vector<16xi32>
      %select_n3A_206 = arith.select %and3A_203, %sub3A_196, %broadcast_in_dim3A_205 : vector<16xi1>, vector<16xi32>
      %swap3A_207 = arith.index_cast %while3A_152 : i32 to index
      %swap3A_208 = arith.constant 32 : index
      %swap3A_209 = tpu.vector_load %arg6[%swap3A_207, %swap3A_208] {strides = array<i32>} : memref<80x128xi32, #tpu.memory_space<vmem>>, vector<16xi32>,
      tpu.vector_store %arg6[%swap3A_207, %swap3A_208], %select_n3A_206 {strides = array<i32>} : memref<80x128xi32, #tpu.memory_space<vmem>>, vector<16xi32>,
      %get3A_210 = arith.index_cast %while3A_152 : i32 to index
      %get3A_211 = arith.constant 48 : index
      %get3A_212 = tpu.vector_load %arg6[%get3A_210, %get3A_211] {strides = array<i32>} : memref<80x128xi32, #tpu.memory_space<vmem>>, vector<16xi32>,
      %shift_right_arithmetic3A_213 = arith.constant 16 : i32
      %shift_right_arithmetic3A_214 = vector.broadcast %shift_right_arithmetic3A_213 : i32 to vector<16xi32>
      %shift_right_arithmetic3A_215 = arith.shrsi %get3A_212, %shift_right_arithmetic3A_214 : vector<16xi32>
      %sub3A_216 = arith.constant 0 : i32
      %sub3A_217 = vector.broadcast %sub3A_216 : i32 to vector<16xi32>
      %sub3A_218 = arith.subi %shift_right_arithmetic3A_215, %sub3A_217 : vector<16xi32>
      %ge3A_219 = arith.constant 0 : i32
      %ge3A_220 = vector.broadcast %ge3A_219 : i32 to vector<16xi32>
      %ge3A_221 = arith.cmpi sge, %sub3A_218, %ge3A_220 : vector<16xi32>
      %lt3A_222 = arith.constant 5200 : i32
      %lt3A_223 = vector.broadcast %lt3A_222 : i32 to vector<16xi32>
      %lt3A_224 = arith.cmpi slt, %sub3A_218, %lt3A_223 : vector<16xi32>
      %and3A_225 = arith.andi %ge3A_221, %lt3A_224 : vector<16xi1>
      %jit3A_226 = arith.constant 5200 : i32
      %broadcast_in_dim3A_227 = vector.broadcast %jit3A_226 : i32 to vector<16xi32>
      %select_n3A_228 = arith.select %and3A_225, %sub3A_218, %broadcast_in_dim3A_227 : vector<16xi1>, vector<16xi32>
      %swap3A_229 = arith.index_cast %while3A_152 : i32 to index
      %swap3A_230 = arith.constant 48 : index
      %swap3A_231 = tpu.vector_load %arg6[%swap3A_229, %swap3A_230] {strides = array<i32>} : memref<80x128xi32, #tpu.memory_space<vmem>>, vector<16xi32>,
      tpu.vector_store %arg6[%swap3A_229, %swap3A_230], %select_n3A_228 {strides = array<i32>} : memref<80x128xi32, #tpu.memory_space<vmem>>, vector<16xi32>,
      %get3A_232 = arith.index_cast %while3A_152 : i32 to index
      %get3A_233 = arith.constant 64 : index
      %get3A_234 = tpu.vector_load %arg6[%get3A_232, %get3A_233] {strides = array<i32>} : memref<80x128xi32, #tpu.memory_space<vmem>>, vector<16xi32>,
      %shift_right_arithmetic3A_235 = arith.constant 16 : i32
      %shift_right_arithmetic3A_236 = vector.broadcast %shift_right_arithmetic3A_235 : i32 to vector<16xi32>
      %shift_right_arithmetic3A_237 = arith.shrsi %get3A_234, %shift_right_arithmetic3A_236 : vector<16xi32>
      %sub3A_238 = arith.constant 0 : i32
      %sub3A_239 = vector.broadcast %sub3A_238 : i32 to vector<16xi32>
      %sub3A_240 = arith.subi %shift_right_arithmetic3A_237, %sub3A_239 : vector<16xi32>
      %ge3A_241 = arith.constant 0 : i32
      %ge3A_242 = vector.broadcast %ge3A_241 : i32 to vector<16xi32>
      %ge3A_243 = arith.cmpi sge, %sub3A_240, %ge3A_242 : vector<16xi32>
      %lt3A_244 = arith.constant 5200 : i32
      %lt3A_245 = vector.broadcast %lt3A_244 : i32 to vector<16xi32>
      %lt3A_246 = arith.cmpi slt, %sub3A_240, %lt3A_245 : vector<16xi32>
      %and3A_247 = arith.andi %ge3A_243, %lt3A_246 : vector<16xi1>
      %jit3A_248 = arith.constant 5200 : i32
      %broadcast_in_dim3A_249 = vector.broadcast %jit3A_248 : i32 to vector<16xi32>
      %select_n3A_250 = arith.select %and3A_247, %sub3A_240, %broadcast_in_dim3A_249 : vector<16xi1>, vector<16xi32>
      %swap3A_251 = arith.index_cast %while3A_152 : i32 to index
      %swap3A_252 = arith.constant 64 : index
      %swap3A_253 = tpu.vector_load %arg6[%swap3A_251, %swap3A_252] {strides = array<i32>} : memref<80x128xi32, #tpu.memory_space<vmem>>, vector<16xi32>,
      tpu.vector_store %arg6[%swap3A_251, %swap3A_252], %select_n3A_250 {strides = array<i32>} : memref<80x128xi32, #tpu.memory_space<vmem>>, vector<16xi32>,
      %get3A_254 = arith.index_cast %while3A_152 : i32 to index
      %get3A_255 = arith.constant 80 : index
      %get3A_256 = tpu.vector_load %arg6[%get3A_254, %get3A_255] {strides = array<i32>} : memref<80x128xi32, #tpu.memory_space<vmem>>, vector<16xi32>,
      %shift_right_arithmetic3A_257 = arith.constant 16 : i32
      %shift_right_arithmetic3A_258 = vector.broadcast %shift_right_arithmetic3A_257 : i32 to vector<16xi32>
      %shift_right_arithmetic3A_259 = arith.shrsi %get3A_256, %shift_right_arithmetic3A_258 : vector<16xi32>
      %sub3A_260 = arith.constant 0 : i32
      %sub3A_261 = vector.broadcast %sub3A_260 : i32 to vector<16xi32>
      %sub3A_262 = arith.subi %shift_right_arithmetic3A_259, %sub3A_261 : vector<16xi32>
      %ge3A_263 = arith.constant 0 : i32
      %ge3A_264 = vector.broadcast %ge3A_263 : i32 to vector<16xi32>
      %ge3A_265 = arith.cmpi sge, %sub3A_262, %ge3A_264 : vector<16xi32>
      %lt3A_266 = arith.constant 5200 : i32
      %lt3A_267 = vector.broadcast %lt3A_266 : i32 to vector<16xi32>
      %lt3A_268 = arith.cmpi slt, %sub3A_262, %lt3A_267 : vector<16xi32>
      %and3A_269 = arith.andi %ge3A_265, %lt3A_268 : vector<16xi1>
      %jit3A_270 = arith.constant 5200 : i32
      %broadcast_in_dim3A_271 = vector.broadcast %jit3A_270 : i32 to vector<16xi32>
      %select_n3A_272 = arith.select %and3A_269, %sub3A_262, %broadcast_in_dim3A_271 : vector<16xi1>, vector<16xi32>
      %swap3A_273 = arith.index_cast %while3A_152 : i32 to index
      %swap3A_274 = arith.constant 80 : index
      %swap3A_275 = tpu.vector_load %arg6[%swap3A_273, %swap3A_274] {strides = array<i32>} : memref<80x128xi32, #tpu.memory_space<vmem>>, vector<16xi32>,
      tpu.vector_store %arg6[%swap3A_273, %swap3A_274], %select_n3A_272 {strides = array<i32>} : memref<80x128xi32, #tpu.memory_space<vmem>>, vector<16xi32>,
      %get3A_276 = arith.index_cast %while3A_152 : i32 to index
      %get3A_277 = arith.constant 96 : index
      %get3A_278 = tpu.vector_load %arg6[%get3A_276, %get3A_277] {strides = array<i32>} : memref<80x128xi32, #tpu.memory_space<vmem>>, vector<16xi32>,
      %shift_right_arithmetic3A_279 = arith.constant 16 : i32
      %shift_right_arithmetic3A_280 = vector.broadcast %shift_right_arithmetic3A_279 : i32 to vector<16xi32>
      %shift_right_arithmetic3A_281 = arith.shrsi %get3A_278, %shift_right_arithmetic3A_280 : vector<16xi32>
      %sub3A_282 = arith.constant 0 : i32
      %sub3A_283 = vector.broadcast %sub3A_282 : i32 to vector<16xi32>
      %sub3A_284 = arith.subi %shift_right_arithmetic3A_281, %sub3A_283 : vector<16xi32>
      %ge3A_285 = arith.constant 0 : i32
      %ge3A_286 = vector.broadcast %ge3A_285 : i32 to vector<16xi32>
      %ge3A_287 = arith.cmpi sge, %sub3A_284, %ge3A_286 : vector<16xi32>
      %lt3A_288 = arith.constant 5200 : i32
      %lt3A_289 = vector.broadcast %lt3A_288 : i32 to vector<16xi32>
      %lt3A_290 = arith.cmpi slt, %sub3A_284, %lt3A_289 : vector<16xi32>
      %and3A_291 = arith.andi %ge3A_287, %lt3A_290 : vector<16xi1>
      %jit3A_292 = arith.constant 5200 : i32
      %broadcast_in_dim3A_293 = vector.broadcast %jit3A_292 : i32 to vector<16xi32>
      %select_n3A_294 = arith.select %and3A_291, %sub3A_284, %broadcast_in_dim3A_293 : vector<16xi1>, vector<16xi32>
      %swap3A_295 = arith.index_cast %while3A_152 : i32 to index
      %swap3A_296 = arith.constant 96 : index
      %swap3A_297 = tpu.vector_load %arg6[%swap3A_295, %swap3A_296] {strides = array<i32>} : memref<80x128xi32, #tpu.memory_space<vmem>>, vector<16xi32>,
      tpu.vector_store %arg6[%swap3A_295, %swap3A_296], %select_n3A_294 {strides = array<i32>} : memref<80x128xi32, #tpu.memory_space<vmem>>, vector<16xi32>,
      %get3A_298 = arith.index_cast %while3A_152 : i32 to index
      %get3A_299 = arith.constant 112 : index
      %get3A_300 = tpu.vector_load %arg6[%get3A_298, %get3A_299] {strides = array<i32>} : memref<80x128xi32, #tpu.memory_space<vmem>>, vector<16xi32>,
      %shift_right_arithmetic3A_301 = arith.constant 16 : i32
      %shift_right_arithmetic3A_302 = vector.broadcast %shift_right_arithmetic3A_301 : i32 to vector<16xi32>
      %shift_right_arithmetic3A_303 = arith.shrsi %get3A_300, %shift_right_arithmetic3A_302 : vector<16xi32>
      %sub3A_304 = arith.constant 0 : i32
      %sub3A_305 = vector.broadcast %sub3A_304 : i32 to vector<16xi32>
      %sub3A_306 = arith.subi %shift_right_arithmetic3A_303, %sub3A_305 : vector<16xi32>
      %ge3A_307 = arith.constant 0 : i32
      %ge3A_308 = vector.broadcast %ge3A_307 : i32 to vector<16xi32>
      %ge3A_309 = arith.cmpi sge, %sub3A_306, %ge3A_308 : vector<16xi32>
      %lt3A_310 = arith.constant 5200 : i32
      %lt3A_311 = vector.broadcast %lt3A_310 : i32 to vector<16xi32>
      %lt3A_312 = arith.cmpi slt, %sub3A_306, %lt3A_311 : vector<16xi32>
      %and3A_313 = arith.andi %ge3A_309, %lt3A_312 : vector<16xi1>
      %jit3A_314 = arith.constant 5200 : i32
      %broadcast_in_dim3A_315 = vector.broadcast %jit3A_314 : i32 to vector<16xi32>
      %select_n3A_316 = arith.select %and3A_313, %sub3A_306, %broadcast_in_dim3A_315 : vector<16xi1>, vector<16xi32>
      %swap3A_317 = arith.index_cast %while3A_152 : i32 to index
      %swap3A_318 = arith.constant 112 : index
      %swap3A_319 = tpu.vector_load %arg6[%swap3A_317, %swap3A_318] {strides = array<i32>} : memref<80x128xi32, #tpu.memory_space<vmem>>, vector<16xi32>,
      tpu.vector_store %arg6[%swap3A_317, %swap3A_318], %select_n3A_316 {strides = array<i32>} : memref<80x128xi32, #tpu.memory_space<vmem>>, vector<16xi32>,
      %while3A_320 = arith.constant 0 : i64
      scf.yield %while3A_320 : i64
    }
    %barrier3A = arith.constant 0 : index
    tpu.barrier barrier_id(%barrier3A)
    %dma_start3A = arith.constant 0 : i32
    %dma_start3A_49 = arith.constant 0 : i32
    %dma_start3A_50 = tpu.memref_slice %arg5[%dma_start3A, %dma_start3A_49] : memref<80x128xi32, #tpu.memory_space<vmem>> -> memref<1x128xi32, #tpu.memory_space<vmem>>
    %dma_start3A_51 = tpu.memref_squeeze %dma_start3A_50 : memref<1x128xi32, #tpu.memory_space<vmem>> -> memref<128xi32, #tpu.memory_space<vmem>>
    %dma_start3A_52 = arith.constant 0 : i32
    %dma_start3A_53 = arith.constant 0 : i32
    %dma_start3A_54 = tpu.memref_slice %arg2[%dma_start3A_52, %dma_start3A_53] : memref<10000x128xf32, #tpu.memory_space<hbm>> -> memref<10000x128xf32, #tpu.memory_space<hbm>>
    tpu.enqueue_indirect_dma source(%dma_start3A_54 : memref<10000x128xf32, #tpu.memory_space<hbm>>) target(%arg7 : memref<128x128xf32, #tpu.memory_space<vmem>>) offsets(%dma_start3A_51 : memref<128xi32, #tpu.memory_space<vmem>>) semaphore(%arg9 : memref<!tpu.dma_semaphore, #tpu.memory_space<semaphore_mem>>)
    %dma_start3A_55 = arith.constant 1 : i32
    %dma_start3A_56 = arith.constant 0 : i32
    %dma_start3A_57 = tpu.memref_slice %arg5[%dma_start3A_55, %dma_start3A_56] : memref<80x128xi32, #tpu.memory_space<vmem>> -> memref<1x128xi32, #tpu.memory_space<vmem>>
    %dma_start3A_58 = tpu.memref_squeeze %dma_start3A_57 : memref<1x128xi32, #tpu.memory_space<vmem>> -> memref<128xi32, #tpu.memory_space<vmem>>
    %dma_start3A_59 = arith.constant 0 : i32
    %dma_start3A_60 = arith.constant 0 : i32
    %dma_start3A_61 = tpu.memref_slice %arg2[%dma_start3A_59, %dma_start3A_60] : memref<10000x128xf32, #tpu.memory_space<hbm>> -> memref<10000x128xf32, #tpu.memory_space<hbm>>
    tpu.enqueue_indirect_dma source(%dma_start3A_61 : memref<10000x128xf32, #tpu.memory_space<hbm>>) target(%arg8 : memref<128x128xf32, #tpu.memory_space<vmem>>) offsets(%dma_start3A_58 : memref<128xi32, #tpu.memory_space<vmem>>) semaphore(%arg10 : memref<!tpu.dma_semaphore, #tpu.memory_space<semaphore_mem>>)
    %while3A_62 = arith.constant 0 : i32
    %while3A_63 = arith.constant 40 : i32
    %while3A_64 = arith.constant 0 : i64
    %while3A_65 = arith.subi %while3A_63, %while3A_62 : i32
    %while3A_66 = arith.addi %while3A_62, %while3A_65 : i32
    %while3A_67 = arith.constant 1 : i32
    %while3A_68 = arith.divsi %while3A_65, %while3A_67 : i32
    %while3A_69 = arith.muli %while3A_68, %while3A_67 : i32
    %while3A_70 = arith.addi %while3A_62, %while3A_69 : i32
    %while3A_71 = arith.constant 1 : i32
    %while3A_72 = scf.for %while3A_152 = %while3A_62 to %while3A_70 step %while3A_71 iter_args(%while3A_153 = %while3A_64) -> (i64)  : i32 {
      %mul3A_154 = arith.constant 2 : i32
      %mul3A_155 = arith.muli %mul3A_154, %while3A_152 : i32
      %dma_wait3A = arith.constant 0 : i32
      %dma_wait3A_156 = tpu.memref_slice %arg5[%mul3A_155, %dma_wait3A] : memref<80x128xi32, #tpu.memory_space<vmem>> -> memref<1x128xi32, #tpu.memory_space<vmem>>
      %dma_wait3A_157 = tpu.memref_squeeze %dma_wait3A_156 : memref<1x128xi32, #tpu.memory_space<vmem>> -> memref<128xi32, #tpu.memory_space<vmem>>
      %dma_wait3A_158 = arith.constant 0 : i32
      %dma_wait3A_159 = arith.constant 0 : i32
      %dma_wait3A_160 = tpu.memref_slice %arg2[%dma_wait3A_158, %dma_wait3A_159] : memref<10000x128xf32, #tpu.memory_space<hbm>> -> memref<10000x128xf32, #tpu.memory_space<hbm>>
      tpu.wait_indirect_dma semaphore(%arg9 : memref<!tpu.dma_semaphore, #tpu.memory_space<semaphore_mem>>) src(%dma_wait3A_160 : memref<10000x128xf32, #tpu.memory_space<hbm>>) dst(%arg7 : memref<128x128xf32, #tpu.memory_space<vmem>>)
      "tpu.region"() ({
        %run_scoped3A_181 = tpu.sem_alloc : memref<!tpu.dma_semaphore, #tpu.memory_space<semaphore_mem>>
        %dma_start3A_182 = arith.constant 0 : i32
        %dma_start3A_183 = tpu.memref_slice %arg6[%mul3A_155, %dma_start3A_182] : memref<80x128xi32, #tpu.memory_space<vmem>> -> memref<1x128xi32, #tpu.memory_space<vmem>>
        %dma_start3A_184 = tpu.memref_squeeze %dma_start3A_183 : memref<1x128xi32, #tpu.memory_space<vmem>> -> memref<128xi32, #tpu.memory_space<vmem>>
        %dma_start3A_185 = arith.constant 0 : i32
        %dma_start3A_186 = arith.constant 0 : i32
        %dma_start3A_187 = tpu.memref_slice %arg11[%dma_start3A_185, %dma_start3A_186] : memref<5248x128xf32, #tpu.memory_space<vmem_shared>> -> memref<5248x128xf32, #tpu.memory_space<vmem_shared>>
        tpu.enqueue_indirect_dma source(%arg7 : memref<128x128xf32, #tpu.memory_space<vmem>>) target(%dma_start3A_187 : memref<5248x128xf32, #tpu.memory_space<vmem_shared>>) offsets(%dma_start3A_184 : memref<128xi32, #tpu.memory_space<vmem>>) semaphore(%run_scoped3A_181 : memref<!tpu.dma_semaphore, #tpu.memory_space<semaphore_mem>>) {add = true}
        %dma_wait3A_188 = arith.constant 0 : i32
        %dma_wait3A_189 = tpu.memref_slice %arg6[%mul3A_155, %dma_wait3A_188] : memref<80x128xi32, #tpu.memory_space<vmem>> -> memref<1x128xi32, #tpu.memory_space<vmem>>
        %dma_wait3A_190 = tpu.memref_squeeze %dma_wait3A_189 : memref<1x128xi32, #tpu.memory_space<vmem>> -> memref<128xi32, #tpu.memory_space<vmem>>
        %dma_wait3A_191 = arith.constant 0 : i32
        %dma_wait3A_192 = arith.constant 0 : i32
        %dma_wait3A_193 = tpu.memref_slice %arg11[%dma_wait3A_191, %dma_wait3A_192] : memref<5248x128xf32, #tpu.memory_space<vmem_shared>> -> memref<5248x128xf32, #tpu.memory_space<vmem_shared>>
        tpu.wait_indirect_dma semaphore(%run_scoped3A_181 : memref<!tpu.dma_semaphore, #tpu.memory_space<semaphore_mem>>) src(%arg7 : memref<128x128xf32, #tpu.memory_space<vmem>>) dst(%dma_wait3A_193 : memref<5248x128xf32, #tpu.memory_space<vmem_shared>>)
        tpu.yield
      }) : () -> ()
      %add3A_161 = arith.constant 2 : i32
      %add3A_162 = arith.addi %mul3A_155, %add3A_161 : i32
      %lt3A = arith.constant 80 : i32
      %lt3A_163 = arith.cmpi slt, %add3A_162, %lt3A : i32
      %convert_element_type3A = arith.extui %lt3A_163 : i1 to i32
      %cond3A = arith.constant 0 : i32
      %cond3A_164 = arith.cmpi ne, %convert_element_type3A, %cond3A : i32
      scf.if %cond3A_164 {
        %add3A_181 = arith.constant 2 : i32
        %add3A_182 = arith.addi %mul3A_155, %add3A_181 : i32
        %dma_start3A_183 = arith.constant 0 : i32
        %dma_start3A_184 = tpu.memref_slice %arg5[%add3A_182, %dma_start3A_183] : memref<80x128xi32, #tpu.memory_space<vmem>> -> memref<1x128xi32, #tpu.memory_space<vmem>>
        %dma_start3A_185 = tpu.memref_squeeze %dma_start3A_184 : memref<1x128xi32, #tpu.memory_space<vmem>> -> memref<128xi32, #tpu.memory_space<vmem>>
        %dma_start3A_186 = arith.constant 0 : i32
        %dma_start3A_187 = arith.constant 0 : i32
        %dma_start3A_188 = tpu.memref_slice %arg2[%dma_start3A_186, %dma_start3A_187] : memref<10000x128xf32, #tpu.memory_space<hbm>> -> memref<10000x128xf32, #tpu.memory_space<hbm>>
        tpu.enqueue_indirect_dma source(%dma_start3A_188 : memref<10000x128xf32, #tpu.memory_space<hbm>>) target(%arg7 : memref<128x128xf32, #tpu.memory_space<vmem>>) offsets(%dma_start3A_185 : memref<128xi32, #tpu.memory_space<vmem>>) semaphore(%arg9 : memref<!tpu.dma_semaphore, #tpu.memory_space<semaphore_mem>>)
      } else {
      }
      %add3A_165 = arith.constant 1 : i32
      %add3A_166 = arith.addi %mul3A_155, %add3A_165 : i32
      %dma_wait3A_167 = arith.constant 0 : i32
      %dma_wait3A_168 = tpu.memref_slice %arg5[%add3A_166, %dma_wait3A_167] : memref<80x128xi32, #tpu.memory_space<vmem>> -> memref<1x128xi32, #tpu.memory_space<vmem>>
      %dma_wait3A_169 = tpu.memref_squeeze %dma_wait3A_168 : memref<1x128xi32, #tpu.memory_space<vmem>> -> memref<128xi32, #tpu.memory_space<vmem>>
      %dma_wait3A_170 = arith.constant 0 : i32
      %dma_wait3A_171 = arith.constant 0 : i32
      %dma_wait3A_172 = tpu.memref_slice %arg2[%dma_wait3A_170, %dma_wait3A_171] : memref<10000x128xf32, #tpu.memory_space<hbm>> -> memref<10000x128xf32, #tpu.memory_space<hbm>>
      tpu.wait_indirect_dma semaphore(%arg10 : memref<!tpu.dma_semaphore, #tpu.memory_space<semaphore_mem>>) src(%dma_wait3A_172 : memref<10000x128xf32, #tpu.memory_space<hbm>>) dst(%arg8 : memref<128x128xf32, #tpu.memory_space<vmem>>)
      "tpu.region"() ({
        %run_scoped3A_181 = tpu.sem_alloc : memref<!tpu.dma_semaphore, #tpu.memory_space<semaphore_mem>>
        %dma_start3A_182 = arith.constant 0 : i32
        %dma_start3A_183 = tpu.memref_slice %arg6[%add3A_166, %dma_start3A_182] : memref<80x128xi32, #tpu.memory_space<vmem>> -> memref<1x128xi32, #tpu.memory_space<vmem>>
        %dma_start3A_184 = tpu.memref_squeeze %dma_start3A_183 : memref<1x128xi32, #tpu.memory_space<vmem>> -> memref<128xi32, #tpu.memory_space<vmem>>
        %dma_start3A_185 = arith.constant 0 : i32
        %dma_start3A_186 = arith.constant 0 : i32
        %dma_start3A_187 = tpu.memref_slice %arg11[%dma_start3A_185, %dma_start3A_186] : memref<5248x128xf32, #tpu.memory_space<vmem_shared>> -> memref<5248x128xf32, #tpu.memory_space<vmem_shared>>
        tpu.enqueue_indirect_dma source(%arg8 : memref<128x128xf32, #tpu.memory_space<vmem>>) target(%dma_start3A_187 : memref<5248x128xf32, #tpu.memory_space<vmem_shared>>) offsets(%dma_start3A_184 : memref<128xi32, #tpu.memory_space<vmem>>) semaphore(%run_scoped3A_181 : memref<!tpu.dma_semaphore, #tpu.memory_space<semaphore_mem>>) {add = true}
        %dma_wait3A_188 = arith.constant 0 : i32
        %dma_wait3A_189 = tpu.memref_slice %arg6[%add3A_166, %dma_wait3A_188] : memref<80x128xi32, #tpu.memory_space<vmem>> -> memref<1x128xi32, #tpu.memory_space<vmem>>
        %dma_wait3A_190 = tpu.memref_squeeze %dma_wait3A_189 : memref<1x128xi32, #tpu.memory_space<vmem>> -> memref<128xi32, #tpu.memory_space<vmem>>
        %dma_wait3A_191 = arith.constant 0 : i32
        %dma_wait3A_192 = arith.constant 0 : i32
        %dma_wait3A_193 = tpu.memref_slice %arg11[%dma_wait3A_191, %dma_wait3A_192] : memref<5248x128xf32, #tpu.memory_space<vmem_shared>> -> memref<5248x128xf32, #tpu.memory_space<vmem_shared>>
        tpu.wait_indirect_dma semaphore(%run_scoped3A_181 : memref<!tpu.dma_semaphore, #tpu.memory_space<semaphore_mem>>) src(%arg8 : memref<128x128xf32, #tpu.memory_space<vmem>>) dst(%dma_wait3A_193 : memref<5248x128xf32, #tpu.memory_space<vmem_shared>>)
        tpu.yield
      }) : () -> ()
      %add3A_173 = arith.constant 2 : i32
      %add3A_174 = arith.addi %add3A_166, %add3A_173 : i32
      %lt3A_175 = arith.constant 80 : i32
      %lt3A_176 = arith.cmpi slt, %add3A_174, %lt3A_175 : i32
      %convert_element_type3A_177 = arith.extui %lt3A_176 : i1 to i32
      %cond3A_178 = arith.constant 0 : i32
      %cond3A_179 = arith.cmpi ne, %convert_element_type3A_177, %cond3A_178 : i32
      scf.if %cond3A_179 {
        %add3A_181 = arith.constant 2 : i32
        %add3A_182 = arith.addi %add3A_166, %add3A_181 : i32
        %dma_start3A_183 = arith.constant 0 : i32
        %dma_start3A_184 = tpu.memref_slice %arg5[%add3A_182, %dma_start3A_183] : memref<80x128xi32, #tpu.memory_space<vmem>> -> memref<1x128xi32, #tpu.memory_space<vmem>>
        %dma_start3A_185 = tpu.memref_squeeze %dma_start3A_184 : memref<1x128xi32, #tpu.memory_space<vmem>> -> memref<128xi32, #tpu.memory_space<vmem>>
        %dma_start3A_186 = arith.constant 0 : i32
        %dma_start3A_187 = arith.constant 0 : i32
        %dma_start3A_188 = tpu.memref_slice %arg2[%dma_start3A_186, %dma_start3A_187] : memref<10000x128xf32, #tpu.memory_space<hbm>> -> memref<10000x128xf32, #tpu.memory_space<hbm>>
        tpu.enqueue_indirect_dma source(%dma_start3A_188 : memref<10000x128xf32, #tpu.memory_space<hbm>>) target(%arg8 : memref<128x128xf32, #tpu.memory_space<vmem>>) offsets(%dma_start3A_185 : memref<128xi32, #tpu.memory_space<vmem>>) semaphore(%arg10 : memref<!tpu.dma_semaphore, #tpu.memory_space<semaphore_mem>>)
      } else {
      }
      %while3A_180 = arith.constant 0 : i64
      scf.yield %while3A_180 : i64
    }
    %while3A_73 = arith.constant 1 : i32
    %while3A_74 = scf.for %while3A_152 = %while3A_70 to %while3A_66 step %while3A_73 iter_args(%while3A_153 = %while3A_72) -> (i64)  : i32 {
      %mul3A_154 = arith.constant 2 : i32
      %mul3A_155 = arith.muli %mul3A_154, %while3A_152 : i32
      %dma_wait3A = arith.constant 0 : i32
      %dma_wait3A_156 = tpu.memref_slice %arg5[%mul3A_155, %dma_wait3A] : memref<80x128xi32, #tpu.memory_space<vmem>> -> memref<1x128xi32, #tpu.memory_space<vmem>>
      %dma_wait3A_157 = tpu.memref_squeeze %dma_wait3A_156 : memref<1x128xi32, #tpu.memory_space<vmem>> -> memref<128xi32, #tpu.memory_space<vmem>>
      %dma_wait3A_158 = arith.constant 0 : i32
      %dma_wait3A_159 = arith.constant 0 : i32
      %dma_wait3A_160 = tpu.memref_slice %arg2[%dma_wait3A_158, %dma_wait3A_159] : memref<10000x128xf32, #tpu.memory_space<hbm>> -> memref<10000x128xf32, #tpu.memory_space<hbm>>
      tpu.wait_indirect_dma semaphore(%arg9 : memref<!tpu.dma_semaphore, #tpu.memory_space<semaphore_mem>>) src(%dma_wait3A_160 : memref<10000x128xf32, #tpu.memory_space<hbm>>) dst(%arg7 : memref<128x128xf32, #tpu.memory_space<vmem>>)
      "tpu.region"() ({
        %run_scoped3A_181 = tpu.sem_alloc : memref<!tpu.dma_semaphore, #tpu.memory_space<semaphore_mem>>
        %dma_start3A_182 = arith.constant 0 : i32
        %dma_start3A_183 = tpu.memref_slice %arg6[%mul3A_155, %dma_start3A_182] : memref<80x128xi32, #tpu.memory_space<vmem>> -> memref<1x128xi32, #tpu.memory_space<vmem>>
        %dma_start3A_184 = tpu.memref_squeeze %dma_start3A_183 : memref<1x128xi32, #tpu.memory_space<vmem>> -> memref<128xi32, #tpu.memory_space<vmem>>
        %dma_start3A_185 = arith.constant 0 : i32
        %dma_start3A_186 = arith.constant 0 : i32
        %dma_start3A_187 = tpu.memref_slice %arg11[%dma_start3A_185, %dma_start3A_186] : memref<5248x128xf32, #tpu.memory_space<vmem_shared>> -> memref<5248x128xf32, #tpu.memory_space<vmem_shared>>
        tpu.enqueue_indirect_dma source(%arg7 : memref<128x128xf32, #tpu.memory_space<vmem>>) target(%dma_start3A_187 : memref<5248x128xf32, #tpu.memory_space<vmem_shared>>) offsets(%dma_start3A_184 : memref<128xi32, #tpu.memory_space<vmem>>) semaphore(%run_scoped3A_181 : memref<!tpu.dma_semaphore, #tpu.memory_space<semaphore_mem>>) {add = true}
        %dma_wait3A_188 = arith.constant 0 : i32
        %dma_wait3A_189 = tpu.memref_slice %arg6[%mul3A_155, %dma_wait3A_188] : memref<80x128xi32, #tpu.memory_space<vmem>> -> memref<1x128xi32, #tpu.memory_space<vmem>>
        %dma_wait3A_190 = tpu.memref_squeeze %dma_wait3A_189 : memref<1x128xi32, #tpu.memory_space<vmem>> -> memref<128xi32, #tpu.memory_space<vmem>>
        %dma_wait3A_191 = arith.constant 0 : i32
        %dma_wait3A_192 = arith.constant 0 : i32
        %dma_wait3A_193 = tpu.memref_slice %arg11[%dma_wait3A_191, %dma_wait3A_192] : memref<5248x128xf32, #tpu.memory_space<vmem_shared>> -> memref<5248x128xf32, #tpu.memory_space<vmem_shared>>
        tpu.wait_indirect_dma semaphore(%run_scoped3A_181 : memref<!tpu.dma_semaphore, #tpu.memory_space<semaphore_mem>>) src(%arg7 : memref<128x128xf32, #tpu.memory_space<vmem>>) dst(%dma_wait3A_193 : memref<5248x128xf32, #tpu.memory_space<vmem_shared>>)
        tpu.yield
      }) : () -> ()
      %add3A_161 = arith.constant 2 : i32
      %add3A_162 = arith.addi %mul3A_155, %add3A_161 : i32
      %lt3A = arith.constant 80 : i32
      %lt3A_163 = arith.cmpi slt, %add3A_162, %lt3A : i32
      %convert_element_type3A = arith.extui %lt3A_163 : i1 to i32
      %cond3A = arith.constant 0 : i32
      %cond3A_164 = arith.cmpi ne, %convert_element_type3A, %cond3A : i32
      scf.if %cond3A_164 {
        %add3A_181 = arith.constant 2 : i32
        %add3A_182 = arith.addi %mul3A_155, %add3A_181 : i32
        %dma_start3A_183 = arith.constant 0 : i32
        %dma_start3A_184 = tpu.memref_slice %arg5[%add3A_182, %dma_start3A_183] : memref<80x128xi32, #tpu.memory_space<vmem>> -> memref<1x128xi32, #tpu.memory_space<vmem>>
        %dma_start3A_185 = tpu.memref_squeeze %dma_start3A_184 : memref<1x128xi32, #tpu.memory_space<vmem>> -> memref<128xi32, #tpu.memory_space<vmem>>
        %dma_start3A_186 = arith.constant 0 : i32
        %dma_start3A_187 = arith.constant 0 : i32
        %dma_start3A_188 = tpu.memref_slice %arg2[%dma_start3A_186, %dma_start3A_187] : memref<10000x128xf32, #tpu.memory_space<hbm>> -> memref<10000x128xf32, #tpu.memory_space<hbm>>
        tpu.enqueue_indirect_dma source(%dma_start3A_188 : memref<10000x128xf32, #tpu.memory_space<hbm>>) target(%arg7 : memref<128x128xf32, #tpu.memory_space<vmem>>) offsets(%dma_start3A_185 : memref<128xi32, #tpu.memory_space<vmem>>) semaphore(%arg9 : memref<!tpu.dma_semaphore, #tpu.memory_space<semaphore_mem>>)
      } else {
      }
      %add3A_165 = arith.constant 1 : i32
      %add3A_166 = arith.addi %mul3A_155, %add3A_165 : i32
      %dma_wait3A_167 = arith.constant 0 : i32
      %dma_wait3A_168 = tpu.memref_slice %arg5[%add3A_166, %dma_wait3A_167] : memref<80x128xi32, #tpu.memory_space<vmem>> -> memref<1x128xi32, #tpu.memory_space<vmem>>
      %dma_wait3A_169 = tpu.memref_squeeze %dma_wait3A_168 : memref<1x128xi32, #tpu.memory_space<vmem>> -> memref<128xi32, #tpu.memory_space<vmem>>
      %dma_wait3A_170 = arith.constant 0 : i32
      %dma_wait3A_171 = arith.constant 0 : i32
      %dma_wait3A_172 = tpu.memref_slice %arg2[%dma_wait3A_170, %dma_wait3A_171] : memref<10000x128xf32, #tpu.memory_space<hbm>> -> memref<10000x128xf32, #tpu.memory_space<hbm>>
      tpu.wait_indirect_dma semaphore(%arg10 : memref<!tpu.dma_semaphore, #tpu.memory_space<semaphore_mem>>) src(%dma_wait3A_172 : memref<10000x128xf32, #tpu.memory_space<hbm>>) dst(%arg8 : memref<128x128xf32, #tpu.memory_space<vmem>>)
      "tpu.region"() ({
        %run_scoped3A_181 = tpu.sem_alloc : memref<!tpu.dma_semaphore, #tpu.memory_space<semaphore_mem>>
        %dma_start3A_182 = arith.constant 0 : i32
        %dma_start3A_183 = tpu.memref_slice %arg6[%add3A_166, %dma_start3A_182] : memref<80x128xi32, #tpu.memory_space<vmem>> -> memref<1x128xi32, #tpu.memory_space<vmem>>
        %dma_start3A_184 = tpu.memref_squeeze %dma_start3A_183 : memref<1x128xi32, #tpu.memory_space<vmem>> -> memref<128xi32, #tpu.memory_space<vmem>>
        %dma_start3A_185 = arith.constant 0 : i32
        %dma_start3A_186 = arith.constant 0 : i32
        %dma_start3A_187 = tpu.memref_slice %arg11[%dma_start3A_185, %dma_start3A_186] : memref<5248x128xf32, #tpu.memory_space<vmem_shared>> -> memref<5248x128xf32, #tpu.memory_space<vmem_shared>>
        tpu.enqueue_indirect_dma source(%arg8 : memref<128x128xf32, #tpu.memory_space<vmem>>) target(%dma_start3A_187 : memref<5248x128xf32, #tpu.memory_space<vmem_shared>>) offsets(%dma_start3A_184 : memref<128xi32, #tpu.memory_space<vmem>>) semaphore(%run_scoped3A_181 : memref<!tpu.dma_semaphore, #tpu.memory_space<semaphore_mem>>) {add = true}
        %dma_wait3A_188 = arith.constant 0 : i32
        %dma_wait3A_189 = tpu.memref_slice %arg6[%add3A_166, %dma_wait3A_188] : memref<80x128xi32, #tpu.memory_space<vmem>> -> memref<1x128xi32, #tpu.memory_space<vmem>>
        %dma_wait3A_190 = tpu.memref_squeeze %dma_wait3A_189 : memref<1x128xi32, #tpu.memory_space<vmem>> -> memref<128xi32, #tpu.memory_space<vmem>>
        %dma_wait3A_191 = arith.constant 0 : i32
        %dma_wait3A_192 = arith.constant 0 : i32
        %dma_wait3A_193 = tpu.memref_slice %arg11[%dma_wait3A_191, %dma_wait3A_192] : memref<5248x128xf32, #tpu.memory_space<vmem_shared>> -> memref<5248x128xf32, #tpu.memory_space<vmem_shared>>
        tpu.wait_indirect_dma semaphore(%run_scoped3A_181 : memref<!tpu.dma_semaphore, #tpu.memory_space<semaphore_mem>>) src(%arg8 : memref<128x128xf32, #tpu.memory_space<vmem>>) dst(%dma_wait3A_193 : memref<5248x128xf32, #tpu.memory_space<vmem_shared>>)
        tpu.yield
      }) : () -> ()
      %add3A_173 = arith.constant 2 : i32
      %add3A_174 = arith.addi %add3A_166, %add3A_173 : i32
      %lt3A_175 = arith.constant 80 : i32
      %lt3A_176 = arith.cmpi slt, %add3A_174, %lt3A_175 : i32
      %convert_element_type3A_177 = arith.extui %lt3A_176 : i1 to i32
      %cond3A_178 = arith.constant 0 : i32
      %cond3A_179 = arith.cmpi ne, %convert_element_type3A_177, %cond3A_178 : i32
      scf.if %cond3A_179 {
        %add3A_181 = arith.constant 2 : i32
        %add3A_182 = arith.addi %add3A_166, %add3A_181 : i32
        %dma_start3A_183 = arith.constant 0 : i32
        %dma_start3A_184 = tpu.memref_slice %arg5[%add3A_182, %dma_start3A_183] : memref<80x128xi32, #tpu.memory_space<vmem>> -> memref<1x128xi32, #tpu.memory_space<vmem>>
        %dma_start3A_185 = tpu.memref_squeeze %dma_start3A_184 : memref<1x128xi32, #tpu.memory_space<vmem>> -> memref<128xi32, #tpu.memory_space<vmem>>
        %dma_start3A_186 = arith.constant 0 : i32
        %dma_start3A_187 = arith.constant 0 : i32
        %dma_start3A_188 = tpu.memref_slice %arg2[%dma_start3A_186, %dma_start3A_187] : memref<10000x128xf32, #tpu.memory_space<hbm>> -> memref<10000x128xf32, #tpu.memory_space<hbm>>
        tpu.enqueue_indirect_dma source(%dma_start3A_188 : memref<10000x128xf32, #tpu.memory_space<hbm>>) target(%arg8 : memref<128x128xf32, #tpu.memory_space<vmem>>) offsets(%dma_start3A_185 : memref<128xi32, #tpu.memory_space<vmem>>) semaphore(%arg10 : memref<!tpu.dma_semaphore, #tpu.memory_space<semaphore_mem>>)
      } else {
      }
      %while3A_180 = arith.constant 0 : i64
      scf.yield %while3A_180 : i64
    }
    %barrier3A_75 = arith.constant 0 : index
    tpu.barrier barrier_id(%barrier3A_75)
    %mul3A_76 = arith.constant 328 : i32
    %mul3A_77 = arith.muli %arg1, %mul3A_76 : i32
    %mul3A_78 = arith.constant 328 : i32
    %mul3A_79 = arith.muli %arg1, %mul3A_78 : i32
    %run_scoped3A = arith.constant 0 : i32
    "tpu.region"() ({
      %run_scoped3A_152 = tpu.sem_alloc : memref<!tpu.dma_semaphore, #tpu.memory_space<semaphore_mem>>
      %dma_start3A_153 = arith.constant 0 : i32
      %dma_start3A_154 = tpu.memref_slice %arg4[%arg0, %run_scoped3A, %mul3A_79, %dma_start3A_153] : memref<2x2x5248x128xf32, #tpu.memory_space<hbm>> -> memref<1x1x328x128xf32, #tpu.memory_space<hbm>>
      %dma_start3A_155 = tpu.memref_squeeze %dma_start3A_154 : memref<1x1x328x128xf32, #tpu.memory_space<hbm>> -> memref<328x128xf32, #tpu.memory_space<hbm>>
      %dma_start3A_156 = arith.constant 0 : i32
      %dma_start3A_157 = tpu.memref_slice %arg11[%mul3A_77, %dma_start3A_156] : memref<5248x128xf32, #tpu.memory_space<vmem_shared>> -> memref<328x128xf32, #tpu.memory_space<vmem_shared>>
      tpu.enqueue_dma source(%dma_start3A_157 : memref<328x128xf32, #tpu.memory_space<vmem_shared>>) target(%dma_start3A_155 : memref<328x128xf32, #tpu.memory_space<hbm>>) target_semaphore(%run_scoped3A_152 : memref<!tpu.dma_semaphore, #tpu.memory_space<semaphore_mem>>)
      %dma_wait3A = arith.constant 0 : i32
      %dma_wait3A_158 = tpu.memref_slice %arg4[%arg0, %run_scoped3A, %mul3A_79, %dma_wait3A] : memref<2x2x5248x128xf32, #tpu.memory_space<hbm>> -> memref<1x1x328x128xf32, #tpu.memory_space<hbm>>
      %dma_wait3A_159 = tpu.memref_squeeze %dma_wait3A_158 : memref<1x1x328x128xf32, #tpu.memory_space<hbm>> -> memref<328x128xf32, #tpu.memory_space<hbm>>
      %dma_wait3A_160 = arith.constant 0 : i32
      %dma_wait3A_161 = tpu.memref_slice %arg11[%mul3A_77, %dma_wait3A_160] : memref<5248x128xf32, #tpu.memory_space<vmem_shared>> -> memref<328x128xf32, #tpu.memory_space<vmem_shared>>
      tpu.wait_dma2 semaphore(%run_scoped3A_152 : memref<!tpu.dma_semaphore, #tpu.memory_space<semaphore_mem>>) src(%dma_wait3A_161 : memref<328x128xf32, #tpu.memory_space<vmem_shared>>) dst(%dma_wait3A_159 : memref<328x128xf32, #tpu.memory_space<hbm>>)
      tpu.yield
    }) : () -> ()
    %barrier3A_80 = arith.constant 0 : index
    tpu.barrier barrier_id(%barrier3A_80)
    %while3A_81 = arith.constant 0 : i32
    %while3A_82 = arith.constant 128 : i32
    %while3A_83 = arith.constant 0 : i64
    %while3A_84 = arith.subi %while3A_82, %while3A_81 : i32
    %while3A_85 = arith.addi %while3A_81, %while3A_84 : i32
    %while3A_86 = arith.constant 1 : i32
    %while3A_87 = arith.divsi %while3A_84, %while3A_86 : i32
    %while3A_88 = arith.muli %while3A_87, %while3A_86 : i32
    %while3A_89 = arith.addi %while3A_81, %while3A_88 : i32
    %while3A_90 = arith.constant 1 : i32
    %while3A_91 = scf.for %while3A_152 = %while3A_81 to %while3A_89 step %while3A_90 iter_args(%while3A_153 = %while3A_83) -> (i64)  : i32 {
      %broadcast_in_dim3A = arith.constant 0.000000e+00 : f32
      %broadcast_in_dim3A_154 = vector.broadcast %broadcast_in_dim3A : f32 to vector<16xf32>
      %swap3A = arith.index_cast %while3A_152 : i32 to index
      %swap3A_155 = arith.constant 0 : index
      %swap3A_156 = tpu.vector_load %arg7[%swap3A, %swap3A_155] {strides = array<i32>} : memref<128x128xf32, #tpu.memory_space<vmem>>, vector<16xf32>,
      tpu.vector_store %arg7[%swap3A, %swap3A_155], %broadcast_in_dim3A_154 {strides = array<i32>} : memref<128x128xf32, #tpu.memory_space<vmem>>, vector<16xf32>,
      %broadcast_in_dim3A_157 = arith.constant 0.000000e+00 : f32
      %broadcast_in_dim3A_158 = vector.broadcast %broadcast_in_dim3A_157 : f32 to vector<16xf32>
      %swap3A_159 = arith.index_cast %while3A_152 : i32 to index
      %swap3A_160 = arith.constant 16 : index
      %swap3A_161 = tpu.vector_load %arg7[%swap3A_159, %swap3A_160] {strides = array<i32>} : memref<128x128xf32, #tpu.memory_space<vmem>>, vector<16xf32>,
      tpu.vector_store %arg7[%swap3A_159, %swap3A_160], %broadcast_in_dim3A_158 {strides = array<i32>} : memref<128x128xf32, #tpu.memory_space<vmem>>, vector<16xf32>,
      %broadcast_in_dim3A_162 = arith.constant 0.000000e+00 : f32
      %broadcast_in_dim3A_163 = vector.broadcast %broadcast_in_dim3A_162 : f32 to vector<16xf32>
      %swap3A_164 = arith.index_cast %while3A_152 : i32 to index
      %swap3A_165 = arith.constant 32 : index
      %swap3A_166 = tpu.vector_load %arg7[%swap3A_164, %swap3A_165] {strides = array<i32>} : memref<128x128xf32, #tpu.memory_space<vmem>>, vector<16xf32>,
      tpu.vector_store %arg7[%swap3A_164, %swap3A_165], %broadcast_in_dim3A_163 {strides = array<i32>} : memref<128x128xf32, #tpu.memory_space<vmem>>, vector<16xf32>,
      %broadcast_in_dim3A_167 = arith.constant 0.000000e+00 : f32
      %broadcast_in_dim3A_168 = vector.broadcast %broadcast_in_dim3A_167 : f32 to vector<16xf32>
      %swap3A_169 = arith.index_cast %while3A_152 : i32 to index
      %swap3A_170 = arith.constant 48 : index
      %swap3A_171 = tpu.vector_load %arg7[%swap3A_169, %swap3A_170] {strides = array<i32>} : memref<128x128xf32, #tpu.memory_space<vmem>>, vector<16xf32>,
      tpu.vector_store %arg7[%swap3A_169, %swap3A_170], %broadcast_in_dim3A_168 {strides = array<i32>} : memref<128x128xf32, #tpu.memory_space<vmem>>, vector<16xf32>,
      %broadcast_in_dim3A_172 = arith.constant 0.000000e+00 : f32
      %broadcast_in_dim3A_173 = vector.broadcast %broadcast_in_dim3A_172 : f32 to vector<16xf32>
      %swap3A_174 = arith.index_cast %while3A_152 : i32 to index
      %swap3A_175 = arith.constant 64 : index
      %swap3A_176 = tpu.vector_load %arg7[%swap3A_174, %swap3A_175] {strides = array<i32>} : memref<128x128xf32, #tpu.memory_space<vmem>>, vector<16xf32>,
      tpu.vector_store %arg7[%swap3A_174, %swap3A_175], %broadcast_in_dim3A_173 {strides = array<i32>} : memref<128x128xf32, #tpu.memory_space<vmem>>, vector<16xf32>,
      %broadcast_in_dim3A_177 = arith.constant 0.000000e+00 : f32
      %broadcast_in_dim3A_178 = vector.broadcast %broadcast_in_dim3A_177 : f32 to vector<16xf32>
      %swap3A_179 = arith.index_cast %while3A_152 : i32 to index
      %swap3A_180 = arith.constant 80 : index
      %swap3A_181 = tpu.vector_load %arg7[%swap3A_179, %swap3A_180] {strides = array<i32>} : memref<128x128xf32, #tpu.memory_space<vmem>>, vector<16xf32>,
      tpu.vector_store %arg7[%swap3A_179, %swap3A_180], %broadcast_in_dim3A_178 {strides = array<i32>} : memref<128x128xf32, #tpu.memory_space<vmem>>, vector<16xf32>,
      %broadcast_in_dim3A_182 = arith.constant 0.000000e+00 : f32
      %broadcast_in_dim3A_183 = vector.broadcast %broadcast_in_dim3A_182 : f32 to vector<16xf32>
      %swap3A_184 = arith.index_cast %while3A_152 : i32 to index
      %swap3A_185 = arith.constant 96 : index
      %swap3A_186 = tpu.vector_load %arg7[%swap3A_184, %swap3A_185] {strides = array<i32>} : memref<128x128xf32, #tpu.memory_space<vmem>>, vector<16xf32>,
      tpu.vector_store %arg7[%swap3A_184, %swap3A_185], %broadcast_in_dim3A_183 {strides = array<i32>} : memref<128x128xf32, #tpu.memory_space<vmem>>, vector<16xf32>,
      %broadcast_in_dim3A_187 = arith.constant 0.000000e+00 : f32
      %broadcast_in_dim3A_188 = vector.broadcast %broadcast_in_dim3A_187 : f32 to vector<16xf32>
      %swap3A_189 = arith.index_cast %while3A_152 : i32 to index
      %swap3A_190 = arith.constant 112 : index
      %swap3A_191 = tpu.vector_load %arg7[%swap3A_189, %swap3A_190] {strides = array<i32>} : memref<128x128xf32, #tpu.memory_space<vmem>>, vector<16xf32>,
      tpu.vector_store %arg7[%swap3A_189, %swap3A_190], %broadcast_in_dim3A_188 {strides = array<i32>} : memref<128x128xf32, #tpu.memory_space<vmem>>, vector<16xf32>,
      %while3A_192 = arith.constant 0 : i64
      scf.yield %while3A_192 : i64
    }
    %while3A_92 = arith.constant 1 : i32
    %while3A_93 = scf.for %while3A_152 = %while3A_89 to %while3A_85 step %while3A_92 iter_args(%while3A_153 = %while3A_91) -> (i64)  : i32 {
      %broadcast_in_dim3A = arith.constant 0.000000e+00 : f32
      %broadcast_in_dim3A_154 = vector.broadcast %broadcast_in_dim3A : f32 to vector<16xf32>
      %swap3A = arith.index_cast %while3A_152 : i32 to index
      %swap3A_155 = arith.constant 0 : index
      %swap3A_156 = tpu.vector_load %arg7[%swap3A, %swap3A_155] {strides = array<i32>} : memref<128x128xf32, #tpu.memory_space<vmem>>, vector<16xf32>,
      tpu.vector_store %arg7[%swap3A, %swap3A_155], %broadcast_in_dim3A_154 {strides = array<i32>} : memref<128x128xf32, #tpu.memory_space<vmem>>, vector<16xf32>,
      %broadcast_in_dim3A_157 = arith.constant 0.000000e+00 : f32
      %broadcast_in_dim3A_158 = vector.broadcast %broadcast_in_dim3A_157 : f32 to vector<16xf32>
      %swap3A_159 = arith.index_cast %while3A_152 : i32 to index
      %swap3A_160 = arith.constant 16 : index
      %swap3A_161 = tpu.vector_load %arg7[%swap3A_159, %swap3A_160] {strides = array<i32>} : memref<128x128xf32, #tpu.memory_space<vmem>>, vector<16xf32>,
      tpu.vector_store %arg7[%swap3A_159, %swap3A_160], %broadcast_in_dim3A_158 {strides = array<i32>} : memref<128x128xf32, #tpu.memory_space<vmem>>, vector<16xf32>,
      %broadcast_in_dim3A_162 = arith.constant 0.000000e+00 : f32
      %broadcast_in_dim3A_163 = vector.broadcast %broadcast_in_dim3A_162 : f32 to vector<16xf32>
      %swap3A_164 = arith.index_cast %while3A_152 : i32 to index
      %swap3A_165 = arith.constant 32 : index
      %swap3A_166 = tpu.vector_load %arg7[%swap3A_164, %swap3A_165] {strides = array<i32>} : memref<128x128xf32, #tpu.memory_space<vmem>>, vector<16xf32>,
      tpu.vector_store %arg7[%swap3A_164, %swap3A_165], %broadcast_in_dim3A_163 {strides = array<i32>} : memref<128x128xf32, #tpu.memory_space<vmem>>, vector<16xf32>,
      %broadcast_in_dim3A_167 = arith.constant 0.000000e+00 : f32
      %broadcast_in_dim3A_168 = vector.broadcast %broadcast_in_dim3A_167 : f32 to vector<16xf32>
      %swap3A_169 = arith.index_cast %while3A_152 : i32 to index
      %swap3A_170 = arith.constant 48 : index
      %swap3A_171 = tpu.vector_load %arg7[%swap3A_169, %swap3A_170] {strides = array<i32>} : memref<128x128xf32, #tpu.memory_space<vmem>>, vector<16xf32>,
      tpu.vector_store %arg7[%swap3A_169, %swap3A_170], %broadcast_in_dim3A_168 {strides = array<i32>} : memref<128x128xf32, #tpu.memory_space<vmem>>, vector<16xf32>,
      %broadcast_in_dim3A_172 = arith.constant 0.000000e+00 : f32
      %broadcast_in_dim3A_173 = vector.broadcast %broadcast_in_dim3A_172 : f32 to vector<16xf32>
      %swap3A_174 = arith.index_cast %while3A_152 : i32 to index
      %swap3A_175 = arith.constant 64 : index
      %swap3A_176 = tpu.vector_load %arg7[%swap3A_174, %swap3A_175] {strides = array<i32>} : memref<128x128xf32, #tpu.memory_space<vmem>>, vector<16xf32>,
      tpu.vector_store %arg7[%swap3A_174, %swap3A_175], %broadcast_in_dim3A_173 {strides = array<i32>} : memref<128x128xf32, #tpu.memory_space<vmem>>, vector<16xf32>,
      %broadcast_in_dim3A_177 = arith.constant 0.000000e+00 : f32
      %broadcast_in_dim3A_178 = vector.broadcast %broadcast_in_dim3A_177 : f32 to vector<16xf32>
      %swap3A_179 = arith.index_cast %while3A_152 : i32 to index
      %swap3A_180 = arith.constant 80 : index
      %swap3A_181 = tpu.vector_load %arg7[%swap3A_179, %swap3A_180] {strides = array<i32>} : memref<128x128xf32, #tpu.memory_space<vmem>>, vector<16xf32>,
      tpu.vector_store %arg7[%swap3A_179, %swap3A_180], %broadcast_in_dim3A_178 {strides = array<i32>} : memref<128x128xf32, #tpu.memory_space<vmem>>, vector<16xf32>,
      %broadcast_in_dim3A_182 = arith.constant 0.000000e+00 : f32
      %broadcast_in_dim3A_183 = vector.broadcast %broadcast_in_dim3A_182 : f32 to vector<16xf32>
      %swap3A_184 = arith.index_cast %while3A_152 : i32 to index
      %swap3A_185 = arith.constant 96 : index
      %swap3A_186 = tpu.vector_load %arg7[%swap3A_184, %swap3A_185] {strides = array<i32>} : memref<128x128xf32, #tpu.memory_space<vmem>>, vector<16xf32>,
      tpu.vector_store %arg7[%swap3A_184, %swap3A_185], %broadcast_in_dim3A_183 {strides = array<i32>} : memref<128x128xf32, #tpu.memory_space<vmem>>, vector<16xf32>,
      %broadcast_in_dim3A_187 = arith.constant 0.000000e+00 : f32
      %broadcast_in_dim3A_188 = vector.broadcast %broadcast_in_dim3A_187 : f32 to vector<16xf32>
      %swap3A_189 = arith.index_cast %while3A_152 : i32 to index
      %swap3A_190 = arith.constant 112 : index
      %swap3A_191 = tpu.vector_load %arg7[%swap3A_189, %swap3A_190] {strides = array<i32>} : memref<128x128xf32, #tpu.memory_space<vmem>>, vector<16xf32>,
      tpu.vector_store %arg7[%swap3A_189, %swap3A_190], %broadcast_in_dim3A_188 {strides = array<i32>} : memref<128x128xf32, #tpu.memory_space<vmem>>, vector<16xf32>,
      %while3A_192 = arith.constant 0 : i64
      scf.yield %while3A_192 : i64
    }
    %mul3A_94 = arith.constant 328 : i32
    %mul3A_95 = arith.muli %arg1, %mul3A_94 : i32
    "tpu.region"() ({
      %run_scoped3A_152 = tpu.sem_alloc : memref<!tpu.dma_semaphore, #tpu.memory_space<semaphore_mem>>
      %dma_start3A_153 = arith.constant 0 : i32
      %dma_start3A_154 = tpu.memref_slice %arg11[%mul3A_95, %dma_start3A_153] : memref<5248x128xf32, #tpu.memory_space<vmem_shared>> -> memref<128x128xf32, #tpu.memory_space<vmem_shared>>
      %dma_start3A_155 = arith.constant 0 : i32
      %dma_start3A_156 = tpu.memref_slice %arg11[%mul3A_95, %dma_start3A_155] : memref<5248x128xf32, #tpu.memory_space<vmem_shared>> -> memref<128x128xf32, #tpu.memory_space<vmem_shared>>
      tpu.enqueue_dma source(%arg7 : memref<128x128xf32, #tpu.memory_space<vmem>>) target(%dma_start3A_156 : memref<128x128xf32, #tpu.memory_space<vmem_shared>>) target_semaphore(%run_scoped3A_152 : memref<!tpu.dma_semaphore, #tpu.memory_space<semaphore_mem>>)
      %dma_wait3A = arith.constant 0 : i32
      %dma_wait3A_157 = tpu.memref_slice %arg11[%mul3A_95, %dma_wait3A] : memref<5248x128xf32, #tpu.memory_space<vmem_shared>> -> memref<128x128xf32, #tpu.memory_space<vmem_shared>>
      %dma_wait3A_158 = arith.constant 0 : i32
      %dma_wait3A_159 = tpu.memref_slice %arg11[%mul3A_95, %dma_wait3A_158] : memref<5248x128xf32, #tpu.memory_space<vmem_shared>> -> memref<128x128xf32, #tpu.memory_space<vmem_shared>>
      tpu.wait_dma2 semaphore(%run_scoped3A_152 : memref<!tpu.dma_semaphore, #tpu.memory_space<semaphore_mem>>) src(%arg7 : memref<128x128xf32, #tpu.memory_space<vmem>>) dst(%dma_wait3A_159 : memref<128x128xf32, #tpu.memory_space<vmem_shared>>)
      tpu.yield
    }) : () -> ()
    %mul3A_96 = arith.constant 328 : i32
    %mul3A_97 = arith.muli %arg1, %mul3A_96 : i32
    %add3A_98 = arith.constant 128 : i32
    %add3A_99 = arith.addi %mul3A_97, %add3A_98 : i32
    "tpu.region"() ({
      %run_scoped3A_152 = tpu.sem_alloc : memref<!tpu.dma_semaphore, #tpu.memory_space<semaphore_mem>>
      %dma_start3A_153 = arith.constant 0 : i32
      %dma_start3A_154 = tpu.memref_slice %arg11[%add3A_99, %dma_start3A_153] : memref<5248x128xf32, #tpu.memory_space<vmem_shared>> -> memref<128x128xf32, #tpu.memory_space<vmem_shared>>
      %dma_start3A_155 = arith.constant 0 : i32
      %dma_start3A_156 = tpu.memref_slice %arg11[%add3A_99, %dma_start3A_155] : memref<5248x128xf32, #tpu.memory_space<vmem_shared>> -> memref<128x128xf32, #tpu.memory_space<vmem_shared>>
      tpu.enqueue_dma source(%arg7 : memref<128x128xf32, #tpu.memory_space<vmem>>) target(%dma_start3A_156 : memref<128x128xf32, #tpu.memory_space<vmem_shared>>) target_semaphore(%run_scoped3A_152 : memref<!tpu.dma_semaphore, #tpu.memory_space<semaphore_mem>>)
      %dma_wait3A = arith.constant 0 : i32
      %dma_wait3A_157 = tpu.memref_slice %arg11[%add3A_99, %dma_wait3A] : memref<5248x128xf32, #tpu.memory_space<vmem_shared>> -> memref<128x128xf32, #tpu.memory_space<vmem_shared>>
      %dma_wait3A_158 = arith.constant 0 : i32
      %dma_wait3A_159 = tpu.memref_slice %arg11[%add3A_99, %dma_wait3A_158] : memref<5248x128xf32, #tpu.memory_space<vmem_shared>> -> memref<128x128xf32, #tpu.memory_space<vmem_shared>>
      tpu.wait_dma2 semaphore(%run_scoped3A_152 : memref<!tpu.dma_semaphore, #tpu.memory_space<semaphore_mem>>) src(%arg7 : memref<128x128xf32, #tpu.memory_space<vmem>>) dst(%dma_wait3A_159 : memref<128x128xf32, #tpu.memory_space<vmem_shared>>)
      tpu.yield
    }) : () -> ()
    %mul3A_100 = arith.constant 328 : i32
    %mul3A_101 = arith.muli %arg1, %mul3A_100 : i32
    %add3A_102 = arith.constant 256 : i32
    %add3A_103 = arith.addi %mul3A_101, %add3A_102 : i32
    "tpu.region"() ({
      %run_scoped3A_152 = tpu.sem_alloc : memref<!tpu.dma_semaphore, #tpu.memory_space<semaphore_mem>>
      %dma_start3A_153 = arith.constant 0 : i32
      %dma_start3A_154 = arith.constant 0 : i32
      %dma_start3A_155 = tpu.memref_slice %arg7[%dma_start3A_153, %dma_start3A_154] : memref<128x128xf32, #tpu.memory_space<vmem>> -> memref<72x128xf32, #tpu.memory_space<vmem>>
      %dma_start3A_156 = arith.constant 0 : i32
      %dma_start3A_157 = tpu.memref_slice %arg11[%add3A_103, %dma_start3A_156] : memref<5248x128xf32, #tpu.memory_space<vmem_shared>> -> memref<72x128xf32, #tpu.memory_space<vmem_shared>>
      %dma_start3A_158 = arith.constant 0 : i32
      %dma_start3A_159 = tpu.memref_slice %arg11[%add3A_103, %dma_start3A_158] : memref<5248x128xf32, #tpu.memory_space<vmem_shared>> -> memref<72x128xf32, #tpu.memory_space<vmem_shared>>
      %dma_start3A_160 = arith.constant 0 : i32
      %dma_start3A_161 = arith.constant 0 : i32
      %dma_start3A_162 = tpu.memref_slice %arg7[%dma_start3A_160, %dma_start3A_161] : memref<128x128xf32, #tpu.memory_space<vmem>> -> memref<72x128xf32, #tpu.memory_space<vmem>>
      tpu.enqueue_dma source(%dma_start3A_162 : memref<72x128xf32, #tpu.memory_space<vmem>>) target(%dma_start3A_159 : memref<72x128xf32, #tpu.memory_space<vmem_shared>>) target_semaphore(%run_scoped3A_152 : memref<!tpu.dma_semaphore, #tpu.memory_space<semaphore_mem>>)
      %dma_wait3A = arith.constant 0 : i32
      %dma_wait3A_163 = arith.constant 0 : i32
      %dma_wait3A_164 = tpu.memref_slice %arg7[%dma_wait3A, %dma_wait3A_163] : memref<128x128xf32, #tpu.memory_space<vmem>> -> memref<72x128xf32, #tpu.memory_space<vmem>>
      %dma_wait3A_165 = arith.constant 0 : i32
      %dma_wait3A_166 = tpu.memref_slice %arg11[%add3A_103, %dma_wait3A_165] : memref<5248x128xf32, #tpu.memory_space<vmem_shared>> -> memref<72x128xf32, #tpu.memory_space<vmem_shared>>
      %dma_wait3A_167 = arith.constant 0 : i32
      %dma_wait3A_168 = tpu.memref_slice %arg11[%add3A_103, %dma_wait3A_167] : memref<5248x128xf32, #tpu.memory_space<vmem_shared>> -> memref<72x128xf32, #tpu.memory_space<vmem_shared>>
      %dma_wait3A_169 = arith.constant 0 : i32
      %dma_wait3A_170 = arith.constant 0 : i32
      %dma_wait3A_171 = tpu.memref_slice %arg7[%dma_wait3A_169, %dma_wait3A_170] : memref<128x128xf32, #tpu.memory_space<vmem>> -> memref<72x128xf32, #tpu.memory_space<vmem>>
      tpu.wait_dma2 semaphore(%run_scoped3A_152 : memref<!tpu.dma_semaphore, #tpu.memory_space<semaphore_mem>>) src(%dma_wait3A_171 : memref<72x128xf32, #tpu.memory_space<vmem>>) dst(%dma_wait3A_168 : memref<72x128xf32, #tpu.memory_space<vmem_shared>>)
      tpu.yield
    }) : () -> ()
    "tpu.region"() ({
      %run_scoped3A_152 = tpu.sem_alloc : memref<!tpu.dma_semaphore, #tpu.memory_space<semaphore_mem>>
      %dma_start3A_153 = arith.constant 0 : i32
      %dma_start3A_154 = arith.constant 0 : i32
      %dma_start3A_155 = tpu.memref_slice %arg3[%add3A, %dma_start3A_153, %dma_start3A_154] : memref<32x80x128xi32, #tpu.memory_space<hbm>> -> memref<1x80x128xi32, #tpu.memory_space<hbm>>
      %dma_start3A_156 = tpu.memref_squeeze %dma_start3A_155 : memref<1x80x128xi32, #tpu.memory_space<hbm>> -> memref<80x128xi32, #tpu.memory_space<hbm>>
      %dma_start3A_157 = arith.constant 0 : i32
      %dma_start3A_158 = arith.constant 0 : i32
      %dma_start3A_159 = tpu.memref_slice %arg3[%add3A, %dma_start3A_157, %dma_start3A_158] : memref<32x80x128xi32, #tpu.memory_space<hbm>> -> memref<1x80x128xi32, #tpu.memory_space<hbm>>
      %dma_start3A_160 = tpu.memref_squeeze %dma_start3A_159 : memref<1x80x128xi32, #tpu.memory_space<hbm>> -> memref<80x128xi32, #tpu.memory_space<hbm>>
      tpu.enqueue_dma source(%dma_start3A_160 : memref<80x128xi32, #tpu.memory_space<hbm>>) target(%arg6 : memref<80x128xi32, #tpu.memory_space<vmem>>) target_semaphore(%run_scoped3A_152 : memref<!tpu.dma_semaphore, #tpu.memory_space<semaphore_mem>>)
      %dma_wait3A = arith.constant 0 : i32
      %dma_wait3A_161 = arith.constant 0 : i32
      %dma_wait3A_162 = tpu.memref_slice %arg3[%add3A, %dma_wait3A, %dma_wait3A_161] : memref<32x80x128xi32, #tpu.memory_space<hbm>> -> memref<1x80x128xi32, #tpu.memory_space<hbm>>
      %dma_wait3A_163 = tpu.memref_squeeze %dma_wait3A_162 : memref<1x80x128xi32, #tpu.memory_space<hbm>> -> memref<80x128xi32, #tpu.memory_space<hbm>>
      %dma_wait3A_164 = arith.constant 0 : i32
      %dma_wait3A_165 = arith.constant 0 : i32
      %dma_wait3A_166 = tpu.memref_slice %arg3[%add3A, %dma_wait3A_164, %dma_wait3A_165] : memref<32x80x128xi32, #tpu.memory_space<hbm>> -> memref<1x80x128xi32, #tpu.memory_space<hbm>>
      %dma_wait3A_167 = tpu.memref_squeeze %dma_wait3A_166 : memref<1x80x128xi32, #tpu.memory_space<hbm>> -> memref<80x128xi32, #tpu.memory_space<hbm>>
      tpu.wait_dma2 semaphore(%run_scoped3A_152 : memref<!tpu.dma_semaphore, #tpu.memory_space<semaphore_mem>>) src(%dma_wait3A_167 : memref<80x128xi32, #tpu.memory_space<hbm>>) dst(%arg6 : memref<80x128xi32, #tpu.memory_space<vmem>>)
      tpu.yield
    }) : () -> ()
    %while3A_104 = arith.constant 0 : i32
    %while3A_105 = arith.constant 80 : i32
    %while3A_106 = arith.constant 0 : i64
    %while3A_107 = arith.subi %while3A_105, %while3A_104 : i32
    %while3A_108 = arith.addi %while3A_104, %while3A_107 : i32
    %while3A_109 = arith.constant 1 : i32
    %while3A_110 = arith.divsi %while3A_107, %while3A_109 : i32
    %while3A_111 = arith.muli %while3A_110, %while3A_109 : i32
    %while3A_112 = arith.addi %while3A_104, %while3A_111 : i32
    %while3A_113 = arith.constant 1 : i32
    %while3A_114 = scf.for %while3A_152 = %while3A_104 to %while3A_112 step %while3A_113 iter_args(%while3A_153 = %while3A_106) -> (i64)  : i32 {
      %get3A = arith.index_cast %while3A_152 : i32 to index
      %get3A_154 = arith.constant 0 : index
      %get3A_155 = tpu.vector_load %arg6[%get3A, %get3A_154] {strides = array<i32>} : memref<80x128xi32, #tpu.memory_space<vmem>>, vector<16xi32>,
      %shift_right_arithmetic3A = arith.constant 16 : i32
      %shift_right_arithmetic3A_156 = vector.broadcast %shift_right_arithmetic3A : i32 to vector<16xi32>
      %shift_right_arithmetic3A_157 = arith.shrsi %get3A_155, %shift_right_arithmetic3A_156 : vector<16xi32>
      %sub3A = arith.constant 5200 : i32
      %sub3A_158 = vector.broadcast %sub3A : i32 to vector<16xi32>
      %sub3A_159 = arith.subi %shift_right_arithmetic3A_157, %sub3A_158 : vector<16xi32>
      %ge3A = arith.constant 0 : i32
      %ge3A_160 = vector.broadcast %ge3A : i32 to vector<16xi32>
      %ge3A_161 = arith.cmpi sge, %sub3A_159, %ge3A_160 : vector<16xi32>
      %lt3A = arith.constant 5200 : i32
      %lt3A_162 = vector.broadcast %lt3A : i32 to vector<16xi32>
      %lt3A_163 = arith.cmpi slt, %sub3A_159, %lt3A_162 : vector<16xi32>
      %and3A = arith.andi %ge3A_161, %lt3A_163 : vector<16xi1>
      %jit3A = arith.constant 5200 : i32
      %broadcast_in_dim3A = vector.broadcast %jit3A : i32 to vector<16xi32>
      %select_n3A = arith.select %and3A, %sub3A_159, %broadcast_in_dim3A : vector<16xi1>, vector<16xi32>
      %swap3A = arith.index_cast %while3A_152 : i32 to index
      %swap3A_164 = arith.constant 0 : index
      %swap3A_165 = tpu.vector_load %arg6[%swap3A, %swap3A_164] {strides = array<i32>} : memref<80x128xi32, #tpu.memory_space<vmem>>, vector<16xi32>,
      tpu.vector_store %arg6[%swap3A, %swap3A_164], %select_n3A {strides = array<i32>} : memref<80x128xi32, #tpu.memory_space<vmem>>, vector<16xi32>,
      %get3A_166 = arith.index_cast %while3A_152 : i32 to index
      %get3A_167 = arith.constant 16 : index
      %get3A_168 = tpu.vector_load %arg6[%get3A_166, %get3A_167] {strides = array<i32>} : memref<80x128xi32, #tpu.memory_space<vmem>>, vector<16xi32>,
      %shift_right_arithmetic3A_169 = arith.constant 16 : i32
      %shift_right_arithmetic3A_170 = vector.broadcast %shift_right_arithmetic3A_169 : i32 to vector<16xi32>
      %shift_right_arithmetic3A_171 = arith.shrsi %get3A_168, %shift_right_arithmetic3A_170 : vector<16xi32>
      %sub3A_172 = arith.constant 5200 : i32
      %sub3A_173 = vector.broadcast %sub3A_172 : i32 to vector<16xi32>
      %sub3A_174 = arith.subi %shift_right_arithmetic3A_171, %sub3A_173 : vector<16xi32>
      %ge3A_175 = arith.constant 0 : i32
      %ge3A_176 = vector.broadcast %ge3A_175 : i32 to vector<16xi32>
      %ge3A_177 = arith.cmpi sge, %sub3A_174, %ge3A_176 : vector<16xi32>
      %lt3A_178 = arith.constant 5200 : i32
      %lt3A_179 = vector.broadcast %lt3A_178 : i32 to vector<16xi32>
      %lt3A_180 = arith.cmpi slt, %sub3A_174, %lt3A_179 : vector<16xi32>
      %and3A_181 = arith.andi %ge3A_177, %lt3A_180 : vector<16xi1>
      %jit3A_182 = arith.constant 5200 : i32
      %broadcast_in_dim3A_183 = vector.broadcast %jit3A_182 : i32 to vector<16xi32>
      %select_n3A_184 = arith.select %and3A_181, %sub3A_174, %broadcast_in_dim3A_183 : vector<16xi1>, vector<16xi32>
      %swap3A_185 = arith.index_cast %while3A_152 : i32 to index
      %swap3A_186 = arith.constant 16 : index
      %swap3A_187 = tpu.vector_load %arg6[%swap3A_185, %swap3A_186] {strides = array<i32>} : memref<80x128xi32, #tpu.memory_space<vmem>>, vector<16xi32>,
      tpu.vector_store %arg6[%swap3A_185, %swap3A_186], %select_n3A_184 {strides = array<i32>} : memref<80x128xi32, #tpu.memory_space<vmem>>, vector<16xi32>,
      %get3A_188 = arith.index_cast %while3A_152 : i32 to index
      %get3A_189 = arith.constant 32 : index
      %get3A_190 = tpu.vector_load %arg6[%get3A_188, %get3A_189] {strides = array<i32>} : memref<80x128xi32, #tpu.memory_space<vmem>>, vector<16xi32>,
      %shift_right_arithmetic3A_191 = arith.constant 16 : i32
      %shift_right_arithmetic3A_192 = vector.broadcast %shift_right_arithmetic3A_191 : i32 to vector<16xi32>
      %shift_right_arithmetic3A_193 = arith.shrsi %get3A_190, %shift_right_arithmetic3A_192 : vector<16xi32>
      %sub3A_194 = arith.constant 5200 : i32
      %sub3A_195 = vector.broadcast %sub3A_194 : i32 to vector<16xi32>
      %sub3A_196 = arith.subi %shift_right_arithmetic3A_193, %sub3A_195 : vector<16xi32>
      %ge3A_197 = arith.constant 0 : i32
      %ge3A_198 = vector.broadcast %ge3A_197 : i32 to vector<16xi32>
      %ge3A_199 = arith.cmpi sge, %sub3A_196, %ge3A_198 : vector<16xi32>
      %lt3A_200 = arith.constant 5200 : i32
      %lt3A_201 = vector.broadcast %lt3A_200 : i32 to vector<16xi32>
      %lt3A_202 = arith.cmpi slt, %sub3A_196, %lt3A_201 : vector<16xi32>
      %and3A_203 = arith.andi %ge3A_199, %lt3A_202 : vector<16xi1>
      %jit3A_204 = arith.constant 5200 : i32
      %broadcast_in_dim3A_205 = vector.broadcast %jit3A_204 : i32 to vector<16xi32>
      %select_n3A_206 = arith.select %and3A_203, %sub3A_196, %broadcast_in_dim3A_205 : vector<16xi1>, vector<16xi32>
      %swap3A_207 = arith.index_cast %while3A_152 : i32 to index
      %swap3A_208 = arith.constant 32 : index
      %swap3A_209 = tpu.vector_load %arg6[%swap3A_207, %swap3A_208] {strides = array<i32>} : memref<80x128xi32, #tpu.memory_space<vmem>>, vector<16xi32>,
      tpu.vector_store %arg6[%swap3A_207, %swap3A_208], %select_n3A_206 {strides = array<i32>} : memref<80x128xi32, #tpu.memory_space<vmem>>, vector<16xi32>,
      %get3A_210 = arith.index_cast %while3A_152 : i32 to index
      %get3A_211 = arith.constant 48 : index
      %get3A_212 = tpu.vector_load %arg6[%get3A_210, %get3A_211] {strides = array<i32>} : memref<80x128xi32, #tpu.memory_space<vmem>>, vector<16xi32>,
      %shift_right_arithmetic3A_213 = arith.constant 16 : i32
      %shift_right_arithmetic3A_214 = vector.broadcast %shift_right_arithmetic3A_213 : i32 to vector<16xi32>
      %shift_right_arithmetic3A_215 = arith.shrsi %get3A_212, %shift_right_arithmetic3A_214 : vector<16xi32>
      %sub3A_216 = arith.constant 5200 : i32
      %sub3A_217 = vector.broadcast %sub3A_216 : i32 to vector<16xi32>
      %sub3A_218 = arith.subi %shift_right_arithmetic3A_215, %sub3A_217 : vector<16xi32>
      %ge3A_219 = arith.constant 0 : i32
      %ge3A_220 = vector.broadcast %ge3A_219 : i32 to vector<16xi32>
      %ge3A_221 = arith.cmpi sge, %sub3A_218, %ge3A_220 : vector<16xi32>
      %lt3A_222 = arith.constant 5200 : i32
      %lt3A_223 = vector.broadcast %lt3A_222 : i32 to vector<16xi32>
      %lt3A_224 = arith.cmpi slt, %sub3A_218, %lt3A_223 : vector<16xi32>
      %and3A_225 = arith.andi %ge3A_221, %lt3A_224 : vector<16xi1>
      %jit3A_226 = arith.constant 5200 : i32
      %broadcast_in_dim3A_227 = vector.broadcast %jit3A_226 : i32 to vector<16xi32>
      %select_n3A_228 = arith.select %and3A_225, %sub3A_218, %broadcast_in_dim3A_227 : vector<16xi1>, vector<16xi32>
      %swap3A_229 = arith.index_cast %while3A_152 : i32 to index
      %swap3A_230 = arith.constant 48 : index
      %swap3A_231 = tpu.vector_load %arg6[%swap3A_229, %swap3A_230] {strides = array<i32>} : memref<80x128xi32, #tpu.memory_space<vmem>>, vector<16xi32>,
      tpu.vector_store %arg6[%swap3A_229, %swap3A_230], %select_n3A_228 {strides = array<i32>} : memref<80x128xi32, #tpu.memory_space<vmem>>, vector<16xi32>,
      %get3A_232 = arith.index_cast %while3A_152 : i32 to index
      %get3A_233 = arith.constant 64 : index
      %get3A_234 = tpu.vector_load %arg6[%get3A_232, %get3A_233] {strides = array<i32>} : memref<80x128xi32, #tpu.memory_space<vmem>>, vector<16xi32>,
      %shift_right_arithmetic3A_235 = arith.constant 16 : i32
      %shift_right_arithmetic3A_236 = vector.broadcast %shift_right_arithmetic3A_235 : i32 to vector<16xi32>
      %shift_right_arithmetic3A_237 = arith.shrsi %get3A_234, %shift_right_arithmetic3A_236 : vector<16xi32>
      %sub3A_238 = arith.constant 5200 : i32
      %sub3A_239 = vector.broadcast %sub3A_238 : i32 to vector<16xi32>
      %sub3A_240 = arith.subi %shift_right_arithmetic3A_237, %sub3A_239 : vector<16xi32>
      %ge3A_241 = arith.constant 0 : i32
      %ge3A_242 = vector.broadcast %ge3A_241 : i32 to vector<16xi32>
      %ge3A_243 = arith.cmpi sge, %sub3A_240, %ge3A_242 : vector<16xi32>
      %lt3A_244 = arith.constant 5200 : i32
      %lt3A_245 = vector.broadcast %lt3A_244 : i32 to vector<16xi32>
      %lt3A_246 = arith.cmpi slt, %sub3A_240, %lt3A_245 : vector<16xi32>
      %and3A_247 = arith.andi %ge3A_243, %lt3A_246 : vector<16xi1>
      %jit3A_248 = arith.constant 5200 : i32
      %broadcast_in_dim3A_249 = vector.broadcast %jit3A_248 : i32 to vector<16xi32>
      %select_n3A_250 = arith.select %and3A_247, %sub3A_240, %broadcast_in_dim3A_249 : vector<16xi1>, vector<16xi32>
      %swap3A_251 = arith.index_cast %while3A_152 : i32 to index
      %swap3A_252 = arith.constant 64 : index
      %swap3A_253 = tpu.vector_load %arg6[%swap3A_251, %swap3A_252] {strides = array<i32>} : memref<80x128xi32, #tpu.memory_space<vmem>>, vector<16xi32>,
      tpu.vector_store %arg6[%swap3A_251, %swap3A_252], %select_n3A_250 {strides = array<i32>} : memref<80x128xi32, #tpu.memory_space<vmem>>, vector<16xi32>,
      %get3A_254 = arith.index_cast %while3A_152 : i32 to index
      %get3A_255 = arith.constant 80 : index
      %get3A_256 = tpu.vector_load %arg6[%get3A_254, %get3A_255] {strides = array<i32>} : memref<80x128xi32, #tpu.memory_space<vmem>>, vector<16xi32>,
      %shift_right_arithmetic3A_257 = arith.constant 16 : i32
      %shift_right_arithmetic3A_258 = vector.broadcast %shift_right_arithmetic3A_257 : i32 to vector<16xi32>
      %shift_right_arithmetic3A_259 = arith.shrsi %get3A_256, %shift_right_arithmetic3A_258 : vector<16xi32>
      %sub3A_260 = arith.constant 5200 : i32
      %sub3A_261 = vector.broadcast %sub3A_260 : i32 to vector<16xi32>
      %sub3A_262 = arith.subi %shift_right_arithmetic3A_259, %sub3A_261 : vector<16xi32>
      %ge3A_263 = arith.constant 0 : i32
      %ge3A_264 = vector.broadcast %ge3A_263 : i32 to vector<16xi32>
      %ge3A_265 = arith.cmpi sge, %sub3A_262, %ge3A_264 : vector<16xi32>
      %lt3A_266 = arith.constant 5200 : i32
      %lt3A_267 = vector.broadcast %lt3A_266 : i32 to vector<16xi32>
      %lt3A_268 = arith.cmpi slt, %sub3A_262, %lt3A_267 : vector<16xi32>
      %and3A_269 = arith.andi %ge3A_265, %lt3A_268 : vector<16xi1>
      %jit3A_270 = arith.constant 5200 : i32
      %broadcast_in_dim3A_271 = vector.broadcast %jit3A_270 : i32 to vector<16xi32>
      %select_n3A_272 = arith.select %and3A_269, %sub3A_262, %broadcast_in_dim3A_271 : vector<16xi1>, vector<16xi32>
      %swap3A_273 = arith.index_cast %while3A_152 : i32 to index
      %swap3A_274 = arith.constant 80 : index
      %swap3A_275 = tpu.vector_load %arg6[%swap3A_273, %swap3A_274] {strides = array<i32>} : memref<80x128xi32, #tpu.memory_space<vmem>>, vector<16xi32>,
      tpu.vector_store %arg6[%swap3A_273, %swap3A_274], %select_n3A_272 {strides = array<i32>} : memref<80x128xi32, #tpu.memory_space<vmem>>, vector<16xi32>,
      %get3A_276 = arith.index_cast %while3A_152 : i32 to index
      %get3A_277 = arith.constant 96 : index
      %get3A_278 = tpu.vector_load %arg6[%get3A_276, %get3A_277] {strides = array<i32>} : memref<80x128xi32, #tpu.memory_space<vmem>>, vector<16xi32>,
      %shift_right_arithmetic3A_279 = arith.constant 16 : i32
      %shift_right_arithmetic3A_280 = vector.broadcast %shift_right_arithmetic3A_279 : i32 to vector<16xi32>
      %shift_right_arithmetic3A_281 = arith.shrsi %get3A_278, %shift_right_arithmetic3A_280 : vector<16xi32>
      %sub3A_282 = arith.constant 5200 : i32
      %sub3A_283 = vector.broadcast %sub3A_282 : i32 to vector<16xi32>
      %sub3A_284 = arith.subi %shift_right_arithmetic3A_281, %sub3A_283 : vector<16xi32>
      %ge3A_285 = arith.constant 0 : i32
      %ge3A_286 = vector.broadcast %ge3A_285 : i32 to vector<16xi32>
      %ge3A_287 = arith.cmpi sge, %sub3A_284, %ge3A_286 : vector<16xi32>
      %lt3A_288 = arith.constant 5200 : i32
      %lt3A_289 = vector.broadcast %lt3A_288 : i32 to vector<16xi32>
      %lt3A_290 = arith.cmpi slt, %sub3A_284, %lt3A_289 : vector<16xi32>
      %and3A_291 = arith.andi %ge3A_287, %lt3A_290 : vector<16xi1>
      %jit3A_292 = arith.constant 5200 : i32
      %broadcast_in_dim3A_293 = vector.broadcast %jit3A_292 : i32 to vector<16xi32>
      %select_n3A_294 = arith.select %and3A_291, %sub3A_284, %broadcast_in_dim3A_293 : vector<16xi1>, vector<16xi32>
      %swap3A_295 = arith.index_cast %while3A_152 : i32 to index
      %swap3A_296 = arith.constant 96 : index
      %swap3A_297 = tpu.vector_load %arg6[%swap3A_295, %swap3A_296] {strides = array<i32>} : memref<80x128xi32, #tpu.memory_space<vmem>>, vector<16xi32>,
      tpu.vector_store %arg6[%swap3A_295, %swap3A_296], %select_n3A_294 {strides = array<i32>} : memref<80x128xi32, #tpu.memory_space<vmem>>, vector<16xi32>,
      %get3A_298 = arith.index_cast %while3A_152 : i32 to index
      %get3A_299 = arith.constant 112 : index
      %get3A_300 = tpu.vector_load %arg6[%get3A_298, %get3A_299] {strides = array<i32>} : memref<80x128xi32, #tpu.memory_space<vmem>>, vector<16xi32>,
      %shift_right_arithmetic3A_301 = arith.constant 16 : i32
      %shift_right_arithmetic3A_302 = vector.broadcast %shift_right_arithmetic3A_301 : i32 to vector<16xi32>
      %shift_right_arithmetic3A_303 = arith.shrsi %get3A_300, %shift_right_arithmetic3A_302 : vector<16xi32>
      %sub3A_304 = arith.constant 5200 : i32
      %sub3A_305 = vector.broadcast %sub3A_304 : i32 to vector<16xi32>
      %sub3A_306 = arith.subi %shift_right_arithmetic3A_303, %sub3A_305 : vector<16xi32>
      %ge3A_307 = arith.constant 0 : i32
      %ge3A_308 = vector.broadcast %ge3A_307 : i32 to vector<16xi32>
      %ge3A_309 = arith.cmpi sge, %sub3A_306, %ge3A_308 : vector<16xi32>
      %lt3A_310 = arith.constant 5200 : i32
      %lt3A_311 = vector.broadcast %lt3A_310 : i32 to vector<16xi32>
      %lt3A_312 = arith.cmpi slt, %sub3A_306, %lt3A_311 : vector<16xi32>
      %and3A_313 = arith.andi %ge3A_309, %lt3A_312 : vector<16xi1>
      %jit3A_314 = arith.constant 5200 : i32
      %broadcast_in_dim3A_315 = vector.broadcast %jit3A_314 : i32 to vector<16xi32>
      %select_n3A_316 = arith.select %and3A_313, %sub3A_306, %broadcast_in_dim3A_315 : vector<16xi1>, vector<16xi32>
      %swap3A_317 = arith.index_cast %while3A_152 : i32 to index
      %swap3A_318 = arith.constant 112 : index
      %swap3A_319 = tpu.vector_load %arg6[%swap3A_317, %swap3A_318] {strides = array<i32>} : memref<80x128xi32, #tpu.memory_space<vmem>>, vector<16xi32>,
      tpu.vector_store %arg6[%swap3A_317, %swap3A_318], %select_n3A_316 {strides = array<i32>} : memref<80x128xi32, #tpu.memory_space<vmem>>, vector<16xi32>,
      %while3A_320 = arith.constant 0 : i64
      scf.yield %while3A_320 : i64
    }
    %while3A_115 = arith.constant 1 : i32
    %while3A_116 = scf.for %while3A_152 = %while3A_112 to %while3A_108 step %while3A_115 iter_args(%while3A_153 = %while3A_114) -> (i64)  : i32 {
      %get3A = arith.index_cast %while3A_152 : i32 to index
      %get3A_154 = arith.constant 0 : index
      %get3A_155 = tpu.vector_load %arg6[%get3A, %get3A_154] {strides = array<i32>} : memref<80x128xi32, #tpu.memory_space<vmem>>, vector<16xi32>,
      %shift_right_arithmetic3A = arith.constant 16 : i32
      %shift_right_arithmetic3A_156 = vector.broadcast %shift_right_arithmetic3A : i32 to vector<16xi32>
      %shift_right_arithmetic3A_157 = arith.shrsi %get3A_155, %shift_right_arithmetic3A_156 : vector<16xi32>
      %sub3A = arith.constant 5200 : i32
      %sub3A_158 = vector.broadcast %sub3A : i32 to vector<16xi32>
      %sub3A_159 = arith.subi %shift_right_arithmetic3A_157, %sub3A_158 : vector<16xi32>
      %ge3A = arith.constant 0 : i32
      %ge3A_160 = vector.broadcast %ge3A : i32 to vector<16xi32>
      %ge3A_161 = arith.cmpi sge, %sub3A_159, %ge3A_160 : vector<16xi32>
      %lt3A = arith.constant 5200 : i32
      %lt3A_162 = vector.broadcast %lt3A : i32 to vector<16xi32>
      %lt3A_163 = arith.cmpi slt, %sub3A_159, %lt3A_162 : vector<16xi32>
      %and3A = arith.andi %ge3A_161, %lt3A_163 : vector<16xi1>
      %jit3A = arith.constant 5200 : i32
      %broadcast_in_dim3A = vector.broadcast %jit3A : i32 to vector<16xi32>
      %select_n3A = arith.select %and3A, %sub3A_159, %broadcast_in_dim3A : vector<16xi1>, vector<16xi32>
      %swap3A = arith.index_cast %while3A_152 : i32 to index
      %swap3A_164 = arith.constant 0 : index
      %swap3A_165 = tpu.vector_load %arg6[%swap3A, %swap3A_164] {strides = array<i32>} : memref<80x128xi32, #tpu.memory_space<vmem>>, vector<16xi32>,
      tpu.vector_store %arg6[%swap3A, %swap3A_164], %select_n3A {strides = array<i32>} : memref<80x128xi32, #tpu.memory_space<vmem>>, vector<16xi32>,
      %get3A_166 = arith.index_cast %while3A_152 : i32 to index
      %get3A_167 = arith.constant 16 : index
      %get3A_168 = tpu.vector_load %arg6[%get3A_166, %get3A_167] {strides = array<i32>} : memref<80x128xi32, #tpu.memory_space<vmem>>, vector<16xi32>,
      %shift_right_arithmetic3A_169 = arith.constant 16 : i32
      %shift_right_arithmetic3A_170 = vector.broadcast %shift_right_arithmetic3A_169 : i32 to vector<16xi32>
      %shift_right_arithmetic3A_171 = arith.shrsi %get3A_168, %shift_right_arithmetic3A_170 : vector<16xi32>
      %sub3A_172 = arith.constant 5200 : i32
      %sub3A_173 = vector.broadcast %sub3A_172 : i32 to vector<16xi32>
      %sub3A_174 = arith.subi %shift_right_arithmetic3A_171, %sub3A_173 : vector<16xi32>
      %ge3A_175 = arith.constant 0 : i32
      %ge3A_176 = vector.broadcast %ge3A_175 : i32 to vector<16xi32>
      %ge3A_177 = arith.cmpi sge, %sub3A_174, %ge3A_176 : vector<16xi32>
      %lt3A_178 = arith.constant 5200 : i32
      %lt3A_179 = vector.broadcast %lt3A_178 : i32 to vector<16xi32>
      %lt3A_180 = arith.cmpi slt, %sub3A_174, %lt3A_179 : vector<16xi32>
      %and3A_181 = arith.andi %ge3A_177, %lt3A_180 : vector<16xi1>
      %jit3A_182 = arith.constant 5200 : i32
      %broadcast_in_dim3A_183 = vector.broadcast %jit3A_182 : i32 to vector<16xi32>
      %select_n3A_184 = arith.select %and3A_181, %sub3A_174, %broadcast_in_dim3A_183 : vector<16xi1>, vector<16xi32>
      %swap3A_185 = arith.index_cast %while3A_152 : i32 to index
      %swap3A_186 = arith.constant 16 : index
      %swap3A_187 = tpu.vector_load %arg6[%swap3A_185, %swap3A_186] {strides = array<i32>} : memref<80x128xi32, #tpu.memory_space<vmem>>, vector<16xi32>,
      tpu.vector_store %arg6[%swap3A_185, %swap3A_186], %select_n3A_184 {strides = array<i32>} : memref<80x128xi32, #tpu.memory_space<vmem>>, vector<16xi32>,
      %get3A_188 = arith.index_cast %while3A_152 : i32 to index
      %get3A_189 = arith.constant 32 : index
      %get3A_190 = tpu.vector_load %arg6[%get3A_188, %get3A_189] {strides = array<i32>} : memref<80x128xi32, #tpu.memory_space<vmem>>, vector<16xi32>,
      %shift_right_arithmetic3A_191 = arith.constant 16 : i32
      %shift_right_arithmetic3A_192 = vector.broadcast %shift_right_arithmetic3A_191 : i32 to vector<16xi32>
      %shift_right_arithmetic3A_193 = arith.shrsi %get3A_190, %shift_right_arithmetic3A_192 : vector<16xi32>
      %sub3A_194 = arith.constant 5200 : i32
      %sub3A_195 = vector.broadcast %sub3A_194 : i32 to vector<16xi32>
      %sub3A_196 = arith.subi %shift_right_arithmetic3A_193, %sub3A_195 : vector<16xi32>
      %ge3A_197 = arith.constant 0 : i32
      %ge3A_198 = vector.broadcast %ge3A_197 : i32 to vector<16xi32>
      %ge3A_199 = arith.cmpi sge, %sub3A_196, %ge3A_198 : vector<16xi32>
      %lt3A_200 = arith.constant 5200 : i32
      %lt3A_201 = vector.broadcast %lt3A_200 : i32 to vector<16xi32>
      %lt3A_202 = arith.cmpi slt, %sub3A_196, %lt3A_201 : vector<16xi32>
      %and3A_203 = arith.andi %ge3A_199, %lt3A_202 : vector<16xi1>
      %jit3A_204 = arith.constant 5200 : i32
      %broadcast_in_dim3A_205 = vector.broadcast %jit3A_204 : i32 to vector<16xi32>
      %select_n3A_206 = arith.select %and3A_203, %sub3A_196, %broadcast_in_dim3A_205 : vector<16xi1>, vector<16xi32>
      %swap3A_207 = arith.index_cast %while3A_152 : i32 to index
      %swap3A_208 = arith.constant 32 : index
      %swap3A_209 = tpu.vector_load %arg6[%swap3A_207, %swap3A_208] {strides = array<i32>} : memref<80x128xi32, #tpu.memory_space<vmem>>, vector<16xi32>,
      tpu.vector_store %arg6[%swap3A_207, %swap3A_208], %select_n3A_206 {strides = array<i32>} : memref<80x128xi32, #tpu.memory_space<vmem>>, vector<16xi32>,
      %get3A_210 = arith.index_cast %while3A_152 : i32 to index
      %get3A_211 = arith.constant 48 : index
      %get3A_212 = tpu.vector_load %arg6[%get3A_210, %get3A_211] {strides = array<i32>} : memref<80x128xi32, #tpu.memory_space<vmem>>, vector<16xi32>,
      %shift_right_arithmetic3A_213 = arith.constant 16 : i32
      %shift_right_arithmetic3A_214 = vector.broadcast %shift_right_arithmetic3A_213 : i32 to vector<16xi32>
      %shift_right_arithmetic3A_215 = arith.shrsi %get3A_212, %shift_right_arithmetic3A_214 : vector<16xi32>
      %sub3A_216 = arith.constant 5200 : i32
      %sub3A_217 = vector.broadcast %sub3A_216 : i32 to vector<16xi32>
      %sub3A_218 = arith.subi %shift_right_arithmetic3A_215, %sub3A_217 : vector<16xi32>
      %ge3A_219 = arith.constant 0 : i32
      %ge3A_220 = vector.broadcast %ge3A_219 : i32 to vector<16xi32>
      %ge3A_221 = arith.cmpi sge, %sub3A_218, %ge3A_220 : vector<16xi32>
      %lt3A_222 = arith.constant 5200 : i32
      %lt3A_223 = vector.broadcast %lt3A_222 : i32 to vector<16xi32>
      %lt3A_224 = arith.cmpi slt, %sub3A_218, %lt3A_223 : vector<16xi32>
      %and3A_225 = arith.andi %ge3A_221, %lt3A_224 : vector<16xi1>
      %jit3A_226 = arith.constant 5200 : i32
      %broadcast_in_dim3A_227 = vector.broadcast %jit3A_226 : i32 to vector<16xi32>
      %select_n3A_228 = arith.select %and3A_225, %sub3A_218, %broadcast_in_dim3A_227 : vector<16xi1>, vector<16xi32>
      %swap3A_229 = arith.index_cast %while3A_152 : i32 to index
      %swap3A_230 = arith.constant 48 : index
      %swap3A_231 = tpu.vector_load %arg6[%swap3A_229, %swap3A_230] {strides = array<i32>} : memref<80x128xi32, #tpu.memory_space<vmem>>, vector<16xi32>,
      tpu.vector_store %arg6[%swap3A_229, %swap3A_230], %select_n3A_228 {strides = array<i32>} : memref<80x128xi32, #tpu.memory_space<vmem>>, vector<16xi32>,
      %get3A_232 = arith.index_cast %while3A_152 : i32 to index
      %get3A_233 = arith.constant 64 : index
      %get3A_234 = tpu.vector_load %arg6[%get3A_232, %get3A_233] {strides = array<i32>} : memref<80x128xi32, #tpu.memory_space<vmem>>, vector<16xi32>,
      %shift_right_arithmetic3A_235 = arith.constant 16 : i32
      %shift_right_arithmetic3A_236 = vector.broadcast %shift_right_arithmetic3A_235 : i32 to vector<16xi32>
      %shift_right_arithmetic3A_237 = arith.shrsi %get3A_234, %shift_right_arithmetic3A_236 : vector<16xi32>
      %sub3A_238 = arith.constant 5200 : i32
      %sub3A_239 = vector.broadcast %sub3A_238 : i32 to vector<16xi32>
      %sub3A_240 = arith.subi %shift_right_arithmetic3A_237, %sub3A_239 : vector<16xi32>
      %ge3A_241 = arith.constant 0 : i32
      %ge3A_242 = vector.broadcast %ge3A_241 : i32 to vector<16xi32>
      %ge3A_243 = arith.cmpi sge, %sub3A_240, %ge3A_242 : vector<16xi32>
      %lt3A_244 = arith.constant 5200 : i32
      %lt3A_245 = vector.broadcast %lt3A_244 : i32 to vector<16xi32>
      %lt3A_246 = arith.cmpi slt, %sub3A_240, %lt3A_245 : vector<16xi32>
      %and3A_247 = arith.andi %ge3A_243, %lt3A_246 : vector<16xi1>
      %jit3A_248 = arith.constant 5200 : i32
      %broadcast_in_dim3A_249 = vector.broadcast %jit3A_248 : i32 to vector<16xi32>
      %select_n3A_250 = arith.select %and3A_247, %sub3A_240, %broadcast_in_dim3A_249 : vector<16xi1>, vector<16xi32>
      %swap3A_251 = arith.index_cast %while3A_152 : i32 to index
      %swap3A_252 = arith.constant 64 : index
      %swap3A_253 = tpu.vector_load %arg6[%swap3A_251, %swap3A_252] {strides = array<i32>} : memref<80x128xi32, #tpu.memory_space<vmem>>, vector<16xi32>,
      tpu.vector_store %arg6[%swap3A_251, %swap3A_252], %select_n3A_250 {strides = array<i32>} : memref<80x128xi32, #tpu.memory_space<vmem>>, vector<16xi32>,
      %get3A_254 = arith.index_cast %while3A_152 : i32 to index
      %get3A_255 = arith.constant 80 : index
      %get3A_256 = tpu.vector_load %arg6[%get3A_254, %get3A_255] {strides = array<i32>} : memref<80x128xi32, #tpu.memory_space<vmem>>, vector<16xi32>,
      %shift_right_arithmetic3A_257 = arith.constant 16 : i32
      %shift_right_arithmetic3A_258 = vector.broadcast %shift_right_arithmetic3A_257 : i32 to vector<16xi32>
      %shift_right_arithmetic3A_259 = arith.shrsi %get3A_256, %shift_right_arithmetic3A_258 : vector<16xi32>
      %sub3A_260 = arith.constant 5200 : i32
      %sub3A_261 = vector.broadcast %sub3A_260 : i32 to vector<16xi32>
      %sub3A_262 = arith.subi %shift_right_arithmetic3A_259, %sub3A_261 : vector<16xi32>
      %ge3A_263 = arith.constant 0 : i32
      %ge3A_264 = vector.broadcast %ge3A_263 : i32 to vector<16xi32>
      %ge3A_265 = arith.cmpi sge, %sub3A_262, %ge3A_264 : vector<16xi32>
      %lt3A_266 = arith.constant 5200 : i32
      %lt3A_267 = vector.broadcast %lt3A_266 : i32 to vector<16xi32>
      %lt3A_268 = arith.cmpi slt, %sub3A_262, %lt3A_267 : vector<16xi32>
      %and3A_269 = arith.andi %ge3A_265, %lt3A_268 : vector<16xi1>
      %jit3A_270 = arith.constant 5200 : i32
      %broadcast_in_dim3A_271 = vector.broadcast %jit3A_270 : i32 to vector<16xi32>
      %select_n3A_272 = arith.select %and3A_269, %sub3A_262, %broadcast_in_dim3A_271 : vector<16xi1>, vector<16xi32>
      %swap3A_273 = arith.index_cast %while3A_152 : i32 to index
      %swap3A_274 = arith.constant 80 : index
      %swap3A_275 = tpu.vector_load %arg6[%swap3A_273, %swap3A_274] {strides = array<i32>} : memref<80x128xi32, #tpu.memory_space<vmem>>, vector<16xi32>,
      tpu.vector_store %arg6[%swap3A_273, %swap3A_274], %select_n3A_272 {strides = array<i32>} : memref<80x128xi32, #tpu.memory_space<vmem>>, vector<16xi32>,
      %get3A_276 = arith.index_cast %while3A_152 : i32 to index
      %get3A_277 = arith.constant 96 : index
      %get3A_278 = tpu.vector_load %arg6[%get3A_276, %get3A_277] {strides = array<i32>} : memref<80x128xi32, #tpu.memory_space<vmem>>, vector<16xi32>,
      %shift_right_arithmetic3A_279 = arith.constant 16 : i32
      %shift_right_arithmetic3A_280 = vector.broadcast %shift_right_arithmetic3A_279 : i32 to vector<16xi32>
      %shift_right_arithmetic3A_281 = arith.shrsi %get3A_278, %shift_right_arithmetic3A_280 : vector<16xi32>
      %sub3A_282 = arith.constant 5200 : i32
      %sub3A_283 = vector.broadcast %sub3A_282 : i32 to vector<16xi32>
      %sub3A_284 = arith.subi %shift_right_arithmetic3A_281, %sub3A_283 : vector<16xi32>
      %ge3A_285 = arith.constant 0 : i32
      %ge3A_286 = vector.broadcast %ge3A_285 : i32 to vector<16xi32>
      %ge3A_287 = arith.cmpi sge, %sub3A_284, %ge3A_286 : vector<16xi32>
      %lt3A_288 = arith.constant 5200 : i32
      %lt3A_289 = vector.broadcast %lt3A_288 : i32 to vector<16xi32>
      %lt3A_290 = arith.cmpi slt, %sub3A_284, %lt3A_289 : vector<16xi32>
      %and3A_291 = arith.andi %ge3A_287, %lt3A_290 : vector<16xi1>
      %jit3A_292 = arith.constant 5200 : i32
      %broadcast_in_dim3A_293 = vector.broadcast %jit3A_292 : i32 to vector<16xi32>
      %select_n3A_294 = arith.select %and3A_291, %sub3A_284, %broadcast_in_dim3A_293 : vector<16xi1>, vector<16xi32>
      %swap3A_295 = arith.index_cast %while3A_152 : i32 to index
      %swap3A_296 = arith.constant 96 : index
      %swap3A_297 = tpu.vector_load %arg6[%swap3A_295, %swap3A_296] {strides = array<i32>} : memref<80x128xi32, #tpu.memory_space<vmem>>, vector<16xi32>,
      tpu.vector_store %arg6[%swap3A_295, %swap3A_296], %select_n3A_294 {strides = array<i32>} : memref<80x128xi32, #tpu.memory_space<vmem>>, vector<16xi32>,
      %get3A_298 = arith.index_cast %while3A_152 : i32 to index
      %get3A_299 = arith.constant 112 : index
      %get3A_300 = tpu.vector_load %arg6[%get3A_298, %get3A_299] {strides = array<i32>} : memref<80x128xi32, #tpu.memory_space<vmem>>, vector<16xi32>,
      %shift_right_arithmetic3A_301 = arith.constant 16 : i32
      %shift_right_arithmetic3A_302 = vector.broadcast %shift_right_arithmetic3A_301 : i32 to vector<16xi32>
      %shift_right_arithmetic3A_303 = arith.shrsi %get3A_300, %shift_right_arithmetic3A_302 : vector<16xi32>
      %sub3A_304 = arith.constant 5200 : i32
      %sub3A_305 = vector.broadcast %sub3A_304 : i32 to vector<16xi32>
      %sub3A_306 = arith.subi %shift_right_arithmetic3A_303, %sub3A_305 : vector<16xi32>
      %ge3A_307 = arith.constant 0 : i32
      %ge3A_308 = vector.broadcast %ge3A_307 : i32 to vector<16xi32>
      %ge3A_309 = arith.cmpi sge, %sub3A_306, %ge3A_308 : vector<16xi32>
      %lt3A_310 = arith.constant 5200 : i32
      %lt3A_311 = vector.broadcast %lt3A_310 : i32 to vector<16xi32>
      %lt3A_312 = arith.cmpi slt, %sub3A_306, %lt3A_311 : vector<16xi32>
      %and3A_313 = arith.andi %ge3A_309, %lt3A_312 : vector<16xi1>
      %jit3A_314 = arith.constant 5200 : i32
      %broadcast_in_dim3A_315 = vector.broadcast %jit3A_314 : i32 to vector<16xi32>
      %select_n3A_316 = arith.select %and3A_313, %sub3A_306, %broadcast_in_dim3A_315 : vector<16xi1>, vector<16xi32>
      %swap3A_317 = arith.index_cast %while3A_152 : i32 to index
      %swap3A_318 = arith.constant 112 : index
      %swap3A_319 = tpu.vector_load %arg6[%swap3A_317, %swap3A_318] {strides = array<i32>} : memref<80x128xi32, #tpu.memory_space<vmem>>, vector<16xi32>,
      tpu.vector_store %arg6[%swap3A_317, %swap3A_318], %select_n3A_316 {strides = array<i32>} : memref<80x128xi32, #tpu.memory_space<vmem>>, vector<16xi32>,
      %while3A_320 = arith.constant 0 : i64
      scf.yield %while3A_320 : i64
    }
    %barrier3A_117 = arith.constant 0 : index
    tpu.barrier barrier_id(%barrier3A_117)
    %dma_start3A_118 = arith.constant 0 : i32
    %dma_start3A_119 = arith.constant 0 : i32
    %dma_start3A_120 = tpu.memref_slice %arg5[%dma_start3A_118, %dma_start3A_119] : memref<80x128xi32, #tpu.memory_space<vmem>> -> memref<1x128xi32, #tpu.memory_space<vmem>>
    %dma_start3A_121 = tpu.memref_squeeze %dma_start3A_120 : memref<1x128xi32, #tpu.memory_space<vmem>> -> memref<128xi32, #tpu.memory_space<vmem>>
    %dma_start3A_122 = arith.constant 0 : i32
    %dma_start3A_123 = arith.constant 0 : i32
    %dma_start3A_124 = tpu.memref_slice %arg2[%dma_start3A_122, %dma_start3A_123] : memref<10000x128xf32, #tpu.memory_space<hbm>> -> memref<10000x128xf32, #tpu.memory_space<hbm>>
    tpu.enqueue_indirect_dma source(%dma_start3A_124 : memref<10000x128xf32, #tpu.memory_space<hbm>>) target(%arg7 : memref<128x128xf32, #tpu.memory_space<vmem>>) offsets(%dma_start3A_121 : memref<128xi32, #tpu.memory_space<vmem>>) semaphore(%arg9 : memref<!tpu.dma_semaphore, #tpu.memory_space<semaphore_mem>>)
    %dma_start3A_125 = arith.constant 1 : i32
    %dma_start3A_126 = arith.constant 0 : i32
    %dma_start3A_127 = tpu.memref_slice %arg5[%dma_start3A_125, %dma_start3A_126] : memref<80x128xi32, #tpu.memory_space<vmem>> -> memref<1x128xi32, #tpu.memory_space<vmem>>
    %dma_start3A_128 = tpu.memref_squeeze %dma_start3A_127 : memref<1x128xi32, #tpu.memory_space<vmem>> -> memref<128xi32, #tpu.memory_space<vmem>>
    %dma_start3A_129 = arith.constant 0 : i32
    %dma_start3A_130 = arith.constant 0 : i32
    %dma_start3A_131 = tpu.memref_slice %arg2[%dma_start3A_129, %dma_start3A_130] : memref<10000x128xf32, #tpu.memory_space<hbm>> -> memref<10000x128xf32, #tpu.memory_space<hbm>>
    tpu.enqueue_indirect_dma source(%dma_start3A_131 : memref<10000x128xf32, #tpu.memory_space<hbm>>) target(%arg8 : memref<128x128xf32, #tpu.memory_space<vmem>>) offsets(%dma_start3A_128 : memref<128xi32, #tpu.memory_space<vmem>>) semaphore(%arg10 : memref<!tpu.dma_semaphore, #tpu.memory_space<semaphore_mem>>)
    %while3A_132 = arith.constant 0 : i32
    %while3A_133 = arith.constant 40 : i32
    %while3A_134 = arith.constant 0 : i64
    %while3A_135 = arith.subi %while3A_133, %while3A_132 : i32
    %while3A_136 = arith.addi %while3A_132, %while3A_135 : i32
    %while3A_137 = arith.constant 1 : i32
    %while3A_138 = arith.divsi %while3A_135, %while3A_137 : i32
    %while3A_139 = arith.muli %while3A_138, %while3A_137 : i32
    %while3A_140 = arith.addi %while3A_132, %while3A_139 : i32
    %while3A_141 = arith.constant 1 : i32
    %while3A_142 = scf.for %while3A_152 = %while3A_132 to %while3A_140 step %while3A_141 iter_args(%while3A_153 = %while3A_134) -> (i64)  : i32 {
      %mul3A_154 = arith.constant 2 : i32
      %mul3A_155 = arith.muli %mul3A_154, %while3A_152 : i32
      %dma_wait3A = arith.constant 0 : i32
      %dma_wait3A_156 = tpu.memref_slice %arg5[%mul3A_155, %dma_wait3A] : memref<80x128xi32, #tpu.memory_space<vmem>> -> memref<1x128xi32, #tpu.memory_space<vmem>>
      %dma_wait3A_157 = tpu.memref_squeeze %dma_wait3A_156 : memref<1x128xi32, #tpu.memory_space<vmem>> -> memref<128xi32, #tpu.memory_space<vmem>>
      %dma_wait3A_158 = arith.constant 0 : i32
      %dma_wait3A_159 = arith.constant 0 : i32
      %dma_wait3A_160 = tpu.memref_slice %arg2[%dma_wait3A_158, %dma_wait3A_159] : memref<10000x128xf32, #tpu.memory_space<hbm>> -> memref<10000x128xf32, #tpu.memory_space<hbm>>
      tpu.wait_indirect_dma semaphore(%arg9 : memref<!tpu.dma_semaphore, #tpu.memory_space<semaphore_mem>>) src(%dma_wait3A_160 : memref<10000x128xf32, #tpu.memory_space<hbm>>) dst(%arg7 : memref<128x128xf32, #tpu.memory_space<vmem>>)
      "tpu.region"() ({
        %run_scoped3A_181 = tpu.sem_alloc : memref<!tpu.dma_semaphore, #tpu.memory_space<semaphore_mem>>
        %dma_start3A_182 = arith.constant 0 : i32
        %dma_start3A_183 = tpu.memref_slice %arg6[%mul3A_155, %dma_start3A_182] : memref<80x128xi32, #tpu.memory_space<vmem>> -> memref<1x128xi32, #tpu.memory_space<vmem>>
        %dma_start3A_184 = tpu.memref_squeeze %dma_start3A_183 : memref<1x128xi32, #tpu.memory_space<vmem>> -> memref<128xi32, #tpu.memory_space<vmem>>
        %dma_start3A_185 = arith.constant 0 : i32
        %dma_start3A_186 = arith.constant 0 : i32
        %dma_start3A_187 = tpu.memref_slice %arg11[%dma_start3A_185, %dma_start3A_186] : memref<5248x128xf32, #tpu.memory_space<vmem_shared>> -> memref<5248x128xf32, #tpu.memory_space<vmem_shared>>
        tpu.enqueue_indirect_dma source(%arg7 : memref<128x128xf32, #tpu.memory_space<vmem>>) target(%dma_start3A_187 : memref<5248x128xf32, #tpu.memory_space<vmem_shared>>) offsets(%dma_start3A_184 : memref<128xi32, #tpu.memory_space<vmem>>) semaphore(%run_scoped3A_181 : memref<!tpu.dma_semaphore, #tpu.memory_space<semaphore_mem>>) {add = true}
        %dma_wait3A_188 = arith.constant 0 : i32
        %dma_wait3A_189 = tpu.memref_slice %arg6[%mul3A_155, %dma_wait3A_188] : memref<80x128xi32, #tpu.memory_space<vmem>> -> memref<1x128xi32, #tpu.memory_space<vmem>>
        %dma_wait3A_190 = tpu.memref_squeeze %dma_wait3A_189 : memref<1x128xi32, #tpu.memory_space<vmem>> -> memref<128xi32, #tpu.memory_space<vmem>>
        %dma_wait3A_191 = arith.constant 0 : i32
        %dma_wait3A_192 = arith.constant 0 : i32
        %dma_wait3A_193 = tpu.memref_slice %arg11[%dma_wait3A_191, %dma_wait3A_192] : memref<5248x128xf32, #tpu.memory_space<vmem_shared>> -> memref<5248x128xf32, #tpu.memory_space<vmem_shared>>
        tpu.wait_indirect_dma semaphore(%run_scoped3A_181 : memref<!tpu.dma_semaphore, #tpu.memory_space<semaphore_mem>>) src(%arg7 : memref<128x128xf32, #tpu.memory_space<vmem>>) dst(%dma_wait3A_193 : memref<5248x128xf32, #tpu.memory_space<vmem_shared>>)
        tpu.yield
      }) : () -> ()
      %add3A_161 = arith.constant 2 : i32
      %add3A_162 = arith.addi %mul3A_155, %add3A_161 : i32
      %lt3A = arith.constant 80 : i32
      %lt3A_163 = arith.cmpi slt, %add3A_162, %lt3A : i32
      %convert_element_type3A = arith.extui %lt3A_163 : i1 to i32
      %cond3A = arith.constant 0 : i32
      %cond3A_164 = arith.cmpi ne, %convert_element_type3A, %cond3A : i32
      scf.if %cond3A_164 {
        %add3A_181 = arith.constant 2 : i32
        %add3A_182 = arith.addi %mul3A_155, %add3A_181 : i32
        %dma_start3A_183 = arith.constant 0 : i32
        %dma_start3A_184 = tpu.memref_slice %arg5[%add3A_182, %dma_start3A_183] : memref<80x128xi32, #tpu.memory_space<vmem>> -> memref<1x128xi32, #tpu.memory_space<vmem>>
        %dma_start3A_185 = tpu.memref_squeeze %dma_start3A_184 : memref<1x128xi32, #tpu.memory_space<vmem>> -> memref<128xi32, #tpu.memory_space<vmem>>
        %dma_start3A_186 = arith.constant 0 : i32
        %dma_start3A_187 = arith.constant 0 : i32
        %dma_start3A_188 = tpu.memref_slice %arg2[%dma_start3A_186, %dma_start3A_187] : memref<10000x128xf32, #tpu.memory_space<hbm>> -> memref<10000x128xf32, #tpu.memory_space<hbm>>
        tpu.enqueue_indirect_dma source(%dma_start3A_188 : memref<10000x128xf32, #tpu.memory_space<hbm>>) target(%arg7 : memref<128x128xf32, #tpu.memory_space<vmem>>) offsets(%dma_start3A_185 : memref<128xi32, #tpu.memory_space<vmem>>) semaphore(%arg9 : memref<!tpu.dma_semaphore, #tpu.memory_space<semaphore_mem>>)
      } else {
      }
      %add3A_165 = arith.constant 1 : i32
      %add3A_166 = arith.addi %mul3A_155, %add3A_165 : i32
      %dma_wait3A_167 = arith.constant 0 : i32
      %dma_wait3A_168 = tpu.memref_slice %arg5[%add3A_166, %dma_wait3A_167] : memref<80x128xi32, #tpu.memory_space<vmem>> -> memref<1x128xi32, #tpu.memory_space<vmem>>
      %dma_wait3A_169 = tpu.memref_squeeze %dma_wait3A_168 : memref<1x128xi32, #tpu.memory_space<vmem>> -> memref<128xi32, #tpu.memory_space<vmem>>
      %dma_wait3A_170 = arith.constant 0 : i32
      %dma_wait3A_171 = arith.constant 0 : i32
      %dma_wait3A_172 = tpu.memref_slice %arg2[%dma_wait3A_170, %dma_wait3A_171] : memref<10000x128xf32, #tpu.memory_space<hbm>> -> memref<10000x128xf32, #tpu.memory_space<hbm>>
      tpu.wait_indirect_dma semaphore(%arg10 : memref<!tpu.dma_semaphore, #tpu.memory_space<semaphore_mem>>) src(%dma_wait3A_172 : memref<10000x128xf32, #tpu.memory_space<hbm>>) dst(%arg8 : memref<128x128xf32, #tpu.memory_space<vmem>>)
      "tpu.region"() ({
        %run_scoped3A_181 = tpu.sem_alloc : memref<!tpu.dma_semaphore, #tpu.memory_space<semaphore_mem>>
        %dma_start3A_182 = arith.constant 0 : i32
        %dma_start3A_183 = tpu.memref_slice %arg6[%add3A_166, %dma_start3A_182] : memref<80x128xi32, #tpu.memory_space<vmem>> -> memref<1x128xi32, #tpu.memory_space<vmem>>
        %dma_start3A_184 = tpu.memref_squeeze %dma_start3A_183 : memref<1x128xi32, #tpu.memory_space<vmem>> -> memref<128xi32, #tpu.memory_space<vmem>>
        %dma_start3A_185 = arith.constant 0 : i32
        %dma_start3A_186 = arith.constant 0 : i32
        %dma_start3A_187 = tpu.memref_slice %arg11[%dma_start3A_185, %dma_start3A_186] : memref<5248x128xf32, #tpu.memory_space<vmem_shared>> -> memref<5248x128xf32, #tpu.memory_space<vmem_shared>>
        tpu.enqueue_indirect_dma source(%arg8 : memref<128x128xf32, #tpu.memory_space<vmem>>) target(%dma_start3A_187 : memref<5248x128xf32, #tpu.memory_space<vmem_shared>>) offsets(%dma_start3A_184 : memref<128xi32, #tpu.memory_space<vmem>>) semaphore(%run_scoped3A_181 : memref<!tpu.dma_semaphore, #tpu.memory_space<semaphore_mem>>) {add = true}
        %dma_wait3A_188 = arith.constant 0 : i32
        %dma_wait3A_189 = tpu.memref_slice %arg6[%add3A_166, %dma_wait3A_188] : memref<80x128xi32, #tpu.memory_space<vmem>> -> memref<1x128xi32, #tpu.memory_space<vmem>>
        %dma_wait3A_190 = tpu.memref_squeeze %dma_wait3A_189 : memref<1x128xi32, #tpu.memory_space<vmem>> -> memref<128xi32, #tpu.memory_space<vmem>>
        %dma_wait3A_191 = arith.constant 0 : i32
        %dma_wait3A_192 = arith.constant 0 : i32
        %dma_wait3A_193 = tpu.memref_slice %arg11[%dma_wait3A_191, %dma_wait3A_192] : memref<5248x128xf32, #tpu.memory_space<vmem_shared>> -> memref<5248x128xf32, #tpu.memory_space<vmem_shared>>
        tpu.wait_indirect_dma semaphore(%run_scoped3A_181 : memref<!tpu.dma_semaphore, #tpu.memory_space<semaphore_mem>>) src(%arg8 : memref<128x128xf32, #tpu.memory_space<vmem>>) dst(%dma_wait3A_193 : memref<5248x128xf32, #tpu.memory_space<vmem_shared>>)
        tpu.yield
      }) : () -> ()
      %add3A_173 = arith.constant 2 : i32
      %add3A_174 = arith.addi %add3A_166, %add3A_173 : i32
      %lt3A_175 = arith.constant 80 : i32
      %lt3A_176 = arith.cmpi slt, %add3A_174, %lt3A_175 : i32
      %convert_element_type3A_177 = arith.extui %lt3A_176 : i1 to i32
      %cond3A_178 = arith.constant 0 : i32
      %cond3A_179 = arith.cmpi ne, %convert_element_type3A_177, %cond3A_178 : i32
      scf.if %cond3A_179 {
        %add3A_181 = arith.constant 2 : i32
        %add3A_182 = arith.addi %add3A_166, %add3A_181 : i32
        %dma_start3A_183 = arith.constant 0 : i32
        %dma_start3A_184 = tpu.memref_slice %arg5[%add3A_182, %dma_start3A_183] : memref<80x128xi32, #tpu.memory_space<vmem>> -> memref<1x128xi32, #tpu.memory_space<vmem>>
        %dma_start3A_185 = tpu.memref_squeeze %dma_start3A_184 : memref<1x128xi32, #tpu.memory_space<vmem>> -> memref<128xi32, #tpu.memory_space<vmem>>
        %dma_start3A_186 = arith.constant 0 : i32
        %dma_start3A_187 = arith.constant 0 : i32
        %dma_start3A_188 = tpu.memref_slice %arg2[%dma_start3A_186, %dma_start3A_187] : memref<10000x128xf32, #tpu.memory_space<hbm>> -> memref<10000x128xf32, #tpu.memory_space<hbm>>
        tpu.enqueue_indirect_dma source(%dma_start3A_188 : memref<10000x128xf32, #tpu.memory_space<hbm>>) target(%arg8 : memref<128x128xf32, #tpu.memory_space<vmem>>) offsets(%dma_start3A_185 : memref<128xi32, #tpu.memory_space<vmem>>) semaphore(%arg10 : memref<!tpu.dma_semaphore, #tpu.memory_space<semaphore_mem>>)
      } else {
      }
      %while3A_180 = arith.constant 0 : i64
      scf.yield %while3A_180 : i64
    }
    %while3A_143 = arith.constant 1 : i32
    %while3A_144 = scf.for %while3A_152 = %while3A_140 to %while3A_136 step %while3A_143 iter_args(%while3A_153 = %while3A_142) -> (i64)  : i32 {
      %mul3A_154 = arith.constant 2 : i32
      %mul3A_155 = arith.muli %mul3A_154, %while3A_152 : i32
      %dma_wait3A = arith.constant 0 : i32
      %dma_wait3A_156 = tpu.memref_slice %arg5[%mul3A_155, %dma_wait3A] : memref<80x128xi32, #tpu.memory_space<vmem>> -> memref<1x128xi32, #tpu.memory_space<vmem>>
      %dma_wait3A_157 = tpu.memref_squeeze %dma_wait3A_156 : memref<1x128xi32, #tpu.memory_space<vmem>> -> memref<128xi32, #tpu.memory_space<vmem>>
      %dma_wait3A_158 = arith.constant 0 : i32
      %dma_wait3A_159 = arith.constant 0 : i32
      %dma_wait3A_160 = tpu.memref_slice %arg2[%dma_wait3A_158, %dma_wait3A_159] : memref<10000x128xf32, #tpu.memory_space<hbm>> -> memref<10000x128xf32, #tpu.memory_space<hbm>>
      tpu.wait_indirect_dma semaphore(%arg9 : memref<!tpu.dma_semaphore, #tpu.memory_space<semaphore_mem>>) src(%dma_wait3A_160 : memref<10000x128xf32, #tpu.memory_space<hbm>>) dst(%arg7 : memref<128x128xf32, #tpu.memory_space<vmem>>)
      "tpu.region"() ({
        %run_scoped3A_181 = tpu.sem_alloc : memref<!tpu.dma_semaphore, #tpu.memory_space<semaphore_mem>>
        %dma_start3A_182 = arith.constant 0 : i32
        %dma_start3A_183 = tpu.memref_slice %arg6[%mul3A_155, %dma_start3A_182] : memref<80x128xi32, #tpu.memory_space<vmem>> -> memref<1x128xi32, #tpu.memory_space<vmem>>
        %dma_start3A_184 = tpu.memref_squeeze %dma_start3A_183 : memref<1x128xi32, #tpu.memory_space<vmem>> -> memref<128xi32, #tpu.memory_space<vmem>>
        %dma_start3A_185 = arith.constant 0 : i32
        %dma_start3A_186 = arith.constant 0 : i32
        %dma_start3A_187 = tpu.memref_slice %arg11[%dma_start3A_185, %dma_start3A_186] : memref<5248x128xf32, #tpu.memory_space<vmem_shared>> -> memref<5248x128xf32, #tpu.memory_space<vmem_shared>>
        tpu.enqueue_indirect_dma source(%arg7 : memref<128x128xf32, #tpu.memory_space<vmem>>) target(%dma_start3A_187 : memref<5248x128xf32, #tpu.memory_space<vmem_shared>>) offsets(%dma_start3A_184 : memref<128xi32, #tpu.memory_space<vmem>>) semaphore(%run_scoped3A_181 : memref<!tpu.dma_semaphore, #tpu.memory_space<semaphore_mem>>) {add = true}
        %dma_wait3A_188 = arith.constant 0 : i32
        %dma_wait3A_189 = tpu.memref_slice %arg6[%mul3A_155, %dma_wait3A_188] : memref<80x128xi32, #tpu.memory_space<vmem>> -> memref<1x128xi32, #tpu.memory_space<vmem>>
        %dma_wait3A_190 = tpu.memref_squeeze %dma_wait3A_189 : memref<1x128xi32, #tpu.memory_space<vmem>> -> memref<128xi32, #tpu.memory_space<vmem>>
        %dma_wait3A_191 = arith.constant 0 : i32
        %dma_wait3A_192 = arith.constant 0 : i32
        %dma_wait3A_193 = tpu.memref_slice %arg11[%dma_wait3A_191, %dma_wait3A_192] : memref<5248x128xf32, #tpu.memory_space<vmem_shared>> -> memref<5248x128xf32, #tpu.memory_space<vmem_shared>>
        tpu.wait_indirect_dma semaphore(%run_scoped3A_181 : memref<!tpu.dma_semaphore, #tpu.memory_space<semaphore_mem>>) src(%arg7 : memref<128x128xf32, #tpu.memory_space<vmem>>) dst(%dma_wait3A_193 : memref<5248x128xf32, #tpu.memory_space<vmem_shared>>)
        tpu.yield
      }) : () -> ()
      %add3A_161 = arith.constant 2 : i32
      %add3A_162 = arith.addi %mul3A_155, %add3A_161 : i32
      %lt3A = arith.constant 80 : i32
      %lt3A_163 = arith.cmpi slt, %add3A_162, %lt3A : i32
      %convert_element_type3A = arith.extui %lt3A_163 : i1 to i32
      %cond3A = arith.constant 0 : i32
      %cond3A_164 = arith.cmpi ne, %convert_element_type3A, %cond3A : i32
      scf.if %cond3A_164 {
        %add3A_181 = arith.constant 2 : i32
        %add3A_182 = arith.addi %mul3A_155, %add3A_181 : i32
        %dma_start3A_183 = arith.constant 0 : i32
        %dma_start3A_184 = tpu.memref_slice %arg5[%add3A_182, %dma_start3A_183] : memref<80x128xi32, #tpu.memory_space<vmem>> -> memref<1x128xi32, #tpu.memory_space<vmem>>
        %dma_start3A_185 = tpu.memref_squeeze %dma_start3A_184 : memref<1x128xi32, #tpu.memory_space<vmem>> -> memref<128xi32, #tpu.memory_space<vmem>>
        %dma_start3A_186 = arith.constant 0 : i32
        %dma_start3A_187 = arith.constant 0 : i32
        %dma_start3A_188 = tpu.memref_slice %arg2[%dma_start3A_186, %dma_start3A_187] : memref<10000x128xf32, #tpu.memory_space<hbm>> -> memref<10000x128xf32, #tpu.memory_space<hbm>>
        tpu.enqueue_indirect_dma source(%dma_start3A_188 : memref<10000x128xf32, #tpu.memory_space<hbm>>) target(%arg7 : memref<128x128xf32, #tpu.memory_space<vmem>>) offsets(%dma_start3A_185 : memref<128xi32, #tpu.memory_space<vmem>>) semaphore(%arg9 : memref<!tpu.dma_semaphore, #tpu.memory_space<semaphore_mem>>)
      } else {
      }
      %add3A_165 = arith.constant 1 : i32
      %add3A_166 = arith.addi %mul3A_155, %add3A_165 : i32
      %dma_wait3A_167 = arith.constant 0 : i32
      %dma_wait3A_168 = tpu.memref_slice %arg5[%add3A_166, %dma_wait3A_167] : memref<80x128xi32, #tpu.memory_space<vmem>> -> memref<1x128xi32, #tpu.memory_space<vmem>>
      %dma_wait3A_169 = tpu.memref_squeeze %dma_wait3A_168 : memref<1x128xi32, #tpu.memory_space<vmem>> -> memref<128xi32, #tpu.memory_space<vmem>>
      %dma_wait3A_170 = arith.constant 0 : i32
      %dma_wait3A_171 = arith.constant 0 : i32
      %dma_wait3A_172 = tpu.memref_slice %arg2[%dma_wait3A_170, %dma_wait3A_171] : memref<10000x128xf32, #tpu.memory_space<hbm>> -> memref<10000x128xf32, #tpu.memory_space<hbm>>
      tpu.wait_indirect_dma semaphore(%arg10 : memref<!tpu.dma_semaphore, #tpu.memory_space<semaphore_mem>>) src(%dma_wait3A_172 : memref<10000x128xf32, #tpu.memory_space<hbm>>) dst(%arg8 : memref<128x128xf32, #tpu.memory_space<vmem>>)
      "tpu.region"() ({
        %run_scoped3A_181 = tpu.sem_alloc : memref<!tpu.dma_semaphore, #tpu.memory_space<semaphore_mem>>
        %dma_start3A_182 = arith.constant 0 : i32
        %dma_start3A_183 = tpu.memref_slice %arg6[%add3A_166, %dma_start3A_182] : memref<80x128xi32, #tpu.memory_space<vmem>> -> memref<1x128xi32, #tpu.memory_space<vmem>>
        %dma_start3A_184 = tpu.memref_squeeze %dma_start3A_183 : memref<1x128xi32, #tpu.memory_space<vmem>> -> memref<128xi32, #tpu.memory_space<vmem>>
        %dma_start3A_185 = arith.constant 0 : i32
        %dma_start3A_186 = arith.constant 0 : i32
        %dma_start3A_187 = tpu.memref_slice %arg11[%dma_start3A_185, %dma_start3A_186] : memref<5248x128xf32, #tpu.memory_space<vmem_shared>> -> memref<5248x128xf32, #tpu.memory_space<vmem_shared>>
        tpu.enqueue_indirect_dma source(%arg8 : memref<128x128xf32, #tpu.memory_space<vmem>>) target(%dma_start3A_187 : memref<5248x128xf32, #tpu.memory_space<vmem_shared>>) offsets(%dma_start3A_184 : memref<128xi32, #tpu.memory_space<vmem>>) semaphore(%run_scoped3A_181 : memref<!tpu.dma_semaphore, #tpu.memory_space<semaphore_mem>>) {add = true}
        %dma_wait3A_188 = arith.constant 0 : i32
        %dma_wait3A_189 = tpu.memref_slice %arg6[%add3A_166, %dma_wait3A_188] : memref<80x128xi32, #tpu.memory_space<vmem>> -> memref<1x128xi32, #tpu.memory_space<vmem>>
        %dma_wait3A_190 = tpu.memref_squeeze %dma_wait3A_189 : memref<1x128xi32, #tpu.memory_space<vmem>> -> memref<128xi32, #tpu.memory_space<vmem>>
        %dma_wait3A_191 = arith.constant 0 : i32
        %dma_wait3A_192 = arith.constant 0 : i32
        %dma_wait3A_193 = tpu.memref_slice %arg11[%dma_wait3A_191, %dma_wait3A_192] : memref<5248x128xf32, #tpu.memory_space<vmem_shared>> -> memref<5248x128xf32, #tpu.memory_space<vmem_shared>>
        tpu.wait_indirect_dma semaphore(%run_scoped3A_181 : memref<!tpu.dma_semaphore, #tpu.memory_space<semaphore_mem>>) src(%arg8 : memref<128x128xf32, #tpu.memory_space<vmem>>) dst(%dma_wait3A_193 : memref<5248x128xf32, #tpu.memory_space<vmem_shared>>)
        tpu.yield
      }) : () -> ()
      %add3A_173 = arith.constant 2 : i32
      %add3A_174 = arith.addi %add3A_166, %add3A_173 : i32
      %lt3A_175 = arith.constant 80 : i32
      %lt3A_176 = arith.cmpi slt, %add3A_174, %lt3A_175 : i32
      %convert_element_type3A_177 = arith.extui %lt3A_176 : i1 to i32
      %cond3A_178 = arith.constant 0 : i32
      %cond3A_179 = arith.cmpi ne, %convert_element_type3A_177, %cond3A_178 : i32
      scf.if %cond3A_179 {
        %add3A_181 = arith.constant 2 : i32
        %add3A_182 = arith.addi %add3A_166, %add3A_181 : i32
        %dma_start3A_183 = arith.constant 0 : i32
        %dma_start3A_184 = tpu.memref_slice %arg5[%add3A_182, %dma_start3A_183] : memref<80x128xi32, #tpu.memory_space<vmem>> -> memref<1x128xi32, #tpu.memory_space<vmem>>
        %dma_start3A_185 = tpu.memref_squeeze %dma_start3A_184 : memref<1x128xi32, #tpu.memory_space<vmem>> -> memref<128xi32, #tpu.memory_space<vmem>>
        %dma_start3A_186 = arith.constant 0 : i32
        %dma_start3A_187 = arith.constant 0 : i32
        %dma_start3A_188 = tpu.memref_slice %arg2[%dma_start3A_186, %dma_start3A_187] : memref<10000x128xf32, #tpu.memory_space<hbm>> -> memref<10000x128xf32, #tpu.memory_space<hbm>>
        tpu.enqueue_indirect_dma source(%dma_start3A_188 : memref<10000x128xf32, #tpu.memory_space<hbm>>) target(%arg8 : memref<128x128xf32, #tpu.memory_space<vmem>>) offsets(%dma_start3A_185 : memref<128xi32, #tpu.memory_space<vmem>>) semaphore(%arg10 : memref<!tpu.dma_semaphore, #tpu.memory_space<semaphore_mem>>)
      } else {
      }
      %while3A_180 = arith.constant 0 : i64
      scf.yield %while3A_180 : i64
    }
    %barrier3A_145 = arith.constant 0 : index
    tpu.barrier barrier_id(%barrier3A_145)
    %mul3A_146 = arith.constant 328 : i32
    %mul3A_147 = arith.muli %arg1, %mul3A_146 : i32
    %mul3A_148 = arith.constant 328 : i32
    %mul3A_149 = arith.muli %arg1, %mul3A_148 : i32
    %run_scoped3A_150 = arith.constant 1 : i32
    "tpu.region"() ({
      %run_scoped3A_152 = tpu.sem_alloc : memref<!tpu.dma_semaphore, #tpu.memory_space<semaphore_mem>>
      %dma_start3A_153 = arith.constant 0 : i32
      %dma_start3A_154 = tpu.memref_slice %arg4[%arg0, %run_scoped3A_150, %mul3A_149, %dma_start3A_153] : memref<2x2x5248x128xf32, #tpu.memory_space<hbm>> -> memref<1x1x328x128xf32, #tpu.memory_space<hbm>>
      %dma_start3A_155 = tpu.memref_squeeze %dma_start3A_154 : memref<1x1x328x128xf32, #tpu.memory_space<hbm>> -> memref<328x128xf32, #tpu.memory_space<hbm>>
      %dma_start3A_156 = arith.constant 0 : i32
      %dma_start3A_157 = tpu.memref_slice %arg11[%mul3A_147, %dma_start3A_156] : memref<5248x128xf32, #tpu.memory_space<vmem_shared>> -> memref<328x128xf32, #tpu.memory_space<vmem_shared>>
      tpu.enqueue_dma source(%dma_start3A_157 : memref<328x128xf32, #tpu.memory_space<vmem_shared>>) target(%dma_start3A_155 : memref<328x128xf32, #tpu.memory_space<hbm>>) target_semaphore(%run_scoped3A_152 : memref<!tpu.dma_semaphore, #tpu.memory_space<semaphore_mem>>)
      %dma_wait3A = arith.constant 0 : i32
      %dma_wait3A_158 = tpu.memref_slice %arg4[%arg0, %run_scoped3A_150, %mul3A_149, %dma_wait3A] : memref<2x2x5248x128xf32, #tpu.memory_space<hbm>> -> memref<1x1x328x128xf32, #tpu.memory_space<hbm>>
      %dma_wait3A_159 = tpu.memref_squeeze %dma_wait3A_158 : memref<1x1x328x128xf32, #tpu.memory_space<hbm>> -> memref<328x128xf32, #tpu.memory_space<hbm>>
      %dma_wait3A_160 = arith.constant 0 : i32
      %dma_wait3A_161 = tpu.memref_slice %arg11[%mul3A_147, %dma_wait3A_160] : memref<5248x128xf32, #tpu.memory_space<vmem_shared>> -> memref<328x128xf32, #tpu.memory_space<vmem_shared>>
      tpu.wait_dma2 semaphore(%run_scoped3A_152 : memref<!tpu.dma_semaphore, #tpu.memory_space<semaphore_mem>>) src(%dma_wait3A_161 : memref<328x128xf32, #tpu.memory_space<vmem_shared>>) dst(%dma_wait3A_159 : memref<328x128xf32, #tpu.memory_space<hbm>>)
      tpu.yield
    }) : () -> ()
    %barrier3A_151 = arith.constant 0 : index
    tpu.barrier barrier_id(%barrier3A_151)
    return
  }
}

#map = affine_map<(d0, d1) -> (0, 0, 0)>
#map1 = affine_map<(d0, d1) -> (0, 0)>
module attributes {stable_mosaic.version = 14 : i64} {
  func.func @_sc_degree(%arg0: i32, %arg1: i32, %arg2: memref<32x80x128xi32, #tpu.memory_space<hbm>>, %arg3: memref<32x10240xf32, #tpu.memory_space<hbm>>, %arg4: memref<80x128xi32, #tpu.memory_space<vmem>>, %arg5: memref<10240xf32, #tpu.memory_space<vmem>>) attributes {dimension_semantics = [#tpu.dimension_semantics<core_parallel>, #tpu.dimension_semantics<subcore_parallel>], iteration_bounds = array<i64: 2, 16>, scalar_prefetch = 0 : i64, scratch_operands = 2 : i64, tpu.core_type = #tpu.core_type<sc_vector_subcore>, window_params = [{transform_indices = #map}, {transform_indices = #map1}]} {
    %mul3A = arith.constant 2 : i32
    %mul3A_0 = arith.muli %arg1, %mul3A : i32
    %add3A = arith.addi %mul3A_0, %arg0 : i32
    %while3A = arith.constant 0 : i32
    %while3A_1 = arith.constant 640 : i32
    %while3A_2 = arith.constant 0 : i64
    %while3A_3 = arith.subi %while3A_1, %while3A : i32
    %while3A_4 = arith.addi %while3A, %while3A_3 : i32
    %while3A_5 = arith.constant 1 : i32
    %while3A_6 = arith.divsi %while3A_3, %while3A_5 : i32
    %while3A_7 = arith.muli %while3A_6, %while3A_5 : i32
    %while3A_8 = arith.addi %while3A, %while3A_7 : i32
    %while3A_9 = arith.constant 1 : i32
    %while3A_10 = scf.for %while3A_27 = %while3A to %while3A_8 step %while3A_9 iter_args(%while3A_28 = %while3A_2) -> (i64)  : i32 {
      %broadcast_in_dim3A_29 = arith.constant 0.000000e+00 : f32
      %broadcast_in_dim3A_30 = vector.broadcast %broadcast_in_dim3A_29 : f32 to vector<16xf32>
      %mul3A_31 = arith.constant 16 : i32
      %mul3A_32 = arith.muli %while3A_27, %mul3A_31 : i32
      %swap3A = arith.index_cast %mul3A_32 : i32 to index
      %swap3A_33 = tpu.vector_load %arg5[%swap3A] {strides = array<i32>} : memref<10240xf32, #tpu.memory_space<vmem>>, vector<16xf32>,
      tpu.vector_store %arg5[%swap3A], %broadcast_in_dim3A_30 {strides = array<i32>} : memref<10240xf32, #tpu.memory_space<vmem>>, vector<16xf32>,
      %while3A_34 = arith.constant 0 : i64
      scf.yield %while3A_34 : i64
    }
    %while3A_11 = arith.constant 1 : i32
    %while3A_12 = scf.for %while3A_27 = %while3A_8 to %while3A_4 step %while3A_11 iter_args(%while3A_28 = %while3A_10) -> (i64)  : i32 {
      %broadcast_in_dim3A_29 = arith.constant 0.000000e+00 : f32
      %broadcast_in_dim3A_30 = vector.broadcast %broadcast_in_dim3A_29 : f32 to vector<16xf32>
      %mul3A_31 = arith.constant 16 : i32
      %mul3A_32 = arith.muli %while3A_27, %mul3A_31 : i32
      %swap3A = arith.index_cast %mul3A_32 : i32 to index
      %swap3A_33 = tpu.vector_load %arg5[%swap3A] {strides = array<i32>} : memref<10240xf32, #tpu.memory_space<vmem>>, vector<16xf32>,
      tpu.vector_store %arg5[%swap3A], %broadcast_in_dim3A_30 {strides = array<i32>} : memref<10240xf32, #tpu.memory_space<vmem>>, vector<16xf32>,
      %while3A_34 = arith.constant 0 : i64
      scf.yield %while3A_34 : i64
    }
    "tpu.region"() ({
      %run_scoped3A = tpu.sem_alloc : memref<!tpu.dma_semaphore, #tpu.memory_space<semaphore_mem>>
      %dma_start3A = arith.constant 0 : i32
      %dma_start3A_27 = arith.constant 0 : i32
      %dma_start3A_28 = tpu.memref_slice %arg2[%add3A, %dma_start3A, %dma_start3A_27] : memref<32x80x128xi32, #tpu.memory_space<hbm>> -> memref<1x80x128xi32, #tpu.memory_space<hbm>>
      %dma_start3A_29 = tpu.memref_squeeze %dma_start3A_28 : memref<1x80x128xi32, #tpu.memory_space<hbm>> -> memref<80x128xi32, #tpu.memory_space<hbm>>
      %dma_start3A_30 = arith.constant 0 : i32
      %dma_start3A_31 = arith.constant 0 : i32
      %dma_start3A_32 = tpu.memref_slice %arg2[%add3A, %dma_start3A_30, %dma_start3A_31] : memref<32x80x128xi32, #tpu.memory_space<hbm>> -> memref<1x80x128xi32, #tpu.memory_space<hbm>>
      %dma_start3A_33 = tpu.memref_squeeze %dma_start3A_32 : memref<1x80x128xi32, #tpu.memory_space<hbm>> -> memref<80x128xi32, #tpu.memory_space<hbm>>
      tpu.enqueue_dma source(%dma_start3A_33 : memref<80x128xi32, #tpu.memory_space<hbm>>) target(%arg4 : memref<80x128xi32, #tpu.memory_space<vmem>>) target_semaphore(%run_scoped3A : memref<!tpu.dma_semaphore, #tpu.memory_space<semaphore_mem>>)
      %dma_wait3A = arith.constant 0 : i32
      %dma_wait3A_34 = arith.constant 0 : i32
      %dma_wait3A_35 = tpu.memref_slice %arg2[%add3A, %dma_wait3A, %dma_wait3A_34] : memref<32x80x128xi32, #tpu.memory_space<hbm>> -> memref<1x80x128xi32, #tpu.memory_space<hbm>>
      %dma_wait3A_36 = tpu.memref_squeeze %dma_wait3A_35 : memref<1x80x128xi32, #tpu.memory_space<hbm>> -> memref<80x128xi32, #tpu.memory_space<hbm>>
      %dma_wait3A_37 = arith.constant 0 : i32
      %dma_wait3A_38 = arith.constant 0 : i32
      %dma_wait3A_39 = tpu.memref_slice %arg2[%add3A, %dma_wait3A_37, %dma_wait3A_38] : memref<32x80x128xi32, #tpu.memory_space<hbm>> -> memref<1x80x128xi32, #tpu.memory_space<hbm>>
      %dma_wait3A_40 = tpu.memref_squeeze %dma_wait3A_39 : memref<1x80x128xi32, #tpu.memory_space<hbm>> -> memref<80x128xi32, #tpu.memory_space<hbm>>
      tpu.wait_dma2 semaphore(%run_scoped3A : memref<!tpu.dma_semaphore, #tpu.memory_space<semaphore_mem>>) src(%dma_wait3A_40 : memref<80x128xi32, #tpu.memory_space<hbm>>) dst(%arg4 : memref<80x128xi32, #tpu.memory_space<vmem>>)
      tpu.yield
    }) : () -> ()
    %broadcast_in_dim3A = arith.constant 1.000000e+00 : f32
    %broadcast_in_dim3A_13 = vector.broadcast %broadcast_in_dim3A : f32 to vector<16xf32>
    %while3A_14 = arith.constant 0 : i32
    %while3A_15 = arith.constant 80 : i32
    %while3A_16 = arith.constant 0 : i64
    %while3A_17 = arith.subi %while3A_15, %while3A_14 : i32
    %while3A_18 = arith.addi %while3A_14, %while3A_17 : i32
    %while3A_19 = arith.constant 1 : i32
    %while3A_20 = arith.divsi %while3A_17, %while3A_19 : i32
    %while3A_21 = arith.muli %while3A_20, %while3A_19 : i32
    %while3A_22 = arith.addi %while3A_14, %while3A_21 : i32
    %while3A_23 = arith.constant 1 : i32
    %while3A_24 = scf.for %while3A_27 = %while3A_14 to %while3A_22 step %while3A_23 iter_args(%while3A_28 = %while3A_16) -> (i64)  : i32 {
      %get3A = arith.index_cast %while3A_27 : i32 to index
      %get3A_29 = arith.constant 0 : index
      %get3A_30 = tpu.vector_load %arg4[%get3A, %get3A_29] {strides = array<i32>} : memref<80x128xi32, #tpu.memory_space<vmem>>, vector<16xi32>,
      %shift_right_arithmetic3A = arith.constant 16 : i32
      %shift_right_arithmetic3A_31 = vector.broadcast %shift_right_arithmetic3A : i32 to vector<16xi32>
      %shift_right_arithmetic3A_32 = arith.shrsi %get3A_30, %shift_right_arithmetic3A_31 : vector<16xi32>
      tpu.vector_store_idx %arg5[%shift_right_arithmetic3A_32], %broadcast_in_dim3A_13 {add = true} : memref<10240xf32, #tpu.memory_space<vmem>>[vector<16xi32>], vector<16xf32>,
      %get3A_33 = arith.index_cast %while3A_27 : i32 to index
      %get3A_34 = arith.constant 16 : index
      %get3A_35 = tpu.vector_load %arg4[%get3A_33, %get3A_34] {strides = array<i32>} : memref<80x128xi32, #tpu.memory_space<vmem>>, vector<16xi32>,
      %shift_right_arithmetic3A_36 = arith.constant 16 : i32
      %shift_right_arithmetic3A_37 = vector.broadcast %shift_right_arithmetic3A_36 : i32 to vector<16xi32>
      %shift_right_arithmetic3A_38 = arith.shrsi %get3A_35, %shift_right_arithmetic3A_37 : vector<16xi32>
      tpu.vector_store_idx %arg5[%shift_right_arithmetic3A_38], %broadcast_in_dim3A_13 {add = true} : memref<10240xf32, #tpu.memory_space<vmem>>[vector<16xi32>], vector<16xf32>,
      %get3A_39 = arith.index_cast %while3A_27 : i32 to index
      %get3A_40 = arith.constant 32 : index
      %get3A_41 = tpu.vector_load %arg4[%get3A_39, %get3A_40] {strides = array<i32>} : memref<80x128xi32, #tpu.memory_space<vmem>>, vector<16xi32>,
      %shift_right_arithmetic3A_42 = arith.constant 16 : i32
      %shift_right_arithmetic3A_43 = vector.broadcast %shift_right_arithmetic3A_42 : i32 to vector<16xi32>
      %shift_right_arithmetic3A_44 = arith.shrsi %get3A_41, %shift_right_arithmetic3A_43 : vector<16xi32>
      tpu.vector_store_idx %arg5[%shift_right_arithmetic3A_44], %broadcast_in_dim3A_13 {add = true} : memref<10240xf32, #tpu.memory_space<vmem>>[vector<16xi32>], vector<16xf32>,
      %get3A_45 = arith.index_cast %while3A_27 : i32 to index
      %get3A_46 = arith.constant 48 : index
      %get3A_47 = tpu.vector_load %arg4[%get3A_45, %get3A_46] {strides = array<i32>} : memref<80x128xi32, #tpu.memory_space<vmem>>, vector<16xi32>,
      %shift_right_arithmetic3A_48 = arith.constant 16 : i32
      %shift_right_arithmetic3A_49 = vector.broadcast %shift_right_arithmetic3A_48 : i32 to vector<16xi32>
      %shift_right_arithmetic3A_50 = arith.shrsi %get3A_47, %shift_right_arithmetic3A_49 : vector<16xi32>
      tpu.vector_store_idx %arg5[%shift_right_arithmetic3A_50], %broadcast_in_dim3A_13 {add = true} : memref<10240xf32, #tpu.memory_space<vmem>>[vector<16xi32>], vector<16xf32>,
      %get3A_51 = arith.index_cast %while3A_27 : i32 to index
      %get3A_52 = arith.constant 64 : index
      %get3A_53 = tpu.vector_load %arg4[%get3A_51, %get3A_52] {strides = array<i32>} : memref<80x128xi32, #tpu.memory_space<vmem>>, vector<16xi32>,
      %shift_right_arithmetic3A_54 = arith.constant 16 : i32
      %shift_right_arithmetic3A_55 = vector.broadcast %shift_right_arithmetic3A_54 : i32 to vector<16xi32>
      %shift_right_arithmetic3A_56 = arith.shrsi %get3A_53, %shift_right_arithmetic3A_55 : vector<16xi32>
      tpu.vector_store_idx %arg5[%shift_right_arithmetic3A_56], %broadcast_in_dim3A_13 {add = true} : memref<10240xf32, #tpu.memory_space<vmem>>[vector<16xi32>], vector<16xf32>,
      %get3A_57 = arith.index_cast %while3A_27 : i32 to index
      %get3A_58 = arith.constant 80 : index
      %get3A_59 = tpu.vector_load %arg4[%get3A_57, %get3A_58] {strides = array<i32>} : memref<80x128xi32, #tpu.memory_space<vmem>>, vector<16xi32>,
      %shift_right_arithmetic3A_60 = arith.constant 16 : i32
      %shift_right_arithmetic3A_61 = vector.broadcast %shift_right_arithmetic3A_60 : i32 to vector<16xi32>
      %shift_right_arithmetic3A_62 = arith.shrsi %get3A_59, %shift_right_arithmetic3A_61 : vector<16xi32>
      tpu.vector_store_idx %arg5[%shift_right_arithmetic3A_62], %broadcast_in_dim3A_13 {add = true} : memref<10240xf32, #tpu.memory_space<vmem>>[vector<16xi32>], vector<16xf32>,
      %get3A_63 = arith.index_cast %while3A_27 : i32 to index
      %get3A_64 = arith.constant 96 : index
      %get3A_65 = tpu.vector_load %arg4[%get3A_63, %get3A_64] {strides = array<i32>} : memref<80x128xi32, #tpu.memory_space<vmem>>, vector<16xi32>,
      %shift_right_arithmetic3A_66 = arith.constant 16 : i32
      %shift_right_arithmetic3A_67 = vector.broadcast %shift_right_arithmetic3A_66 : i32 to vector<16xi32>
      %shift_right_arithmetic3A_68 = arith.shrsi %get3A_65, %shift_right_arithmetic3A_67 : vector<16xi32>
      tpu.vector_store_idx %arg5[%shift_right_arithmetic3A_68], %broadcast_in_dim3A_13 {add = true} : memref<10240xf32, #tpu.memory_space<vmem>>[vector<16xi32>], vector<16xf32>,
      %get3A_69 = arith.index_cast %while3A_27 : i32 to index
      %get3A_70 = arith.constant 112 : index
      %get3A_71 = tpu.vector_load %arg4[%get3A_69, %get3A_70] {strides = array<i32>} : memref<80x128xi32, #tpu.memory_space<vmem>>, vector<16xi32>,
      %shift_right_arithmetic3A_72 = arith.constant 16 : i32
      %shift_right_arithmetic3A_73 = vector.broadcast %shift_right_arithmetic3A_72 : i32 to vector<16xi32>
      %shift_right_arithmetic3A_74 = arith.shrsi %get3A_71, %shift_right_arithmetic3A_73 : vector<16xi32>
      tpu.vector_store_idx %arg5[%shift_right_arithmetic3A_74], %broadcast_in_dim3A_13 {add = true} : memref<10240xf32, #tpu.memory_space<vmem>>[vector<16xi32>], vector<16xf32>,
      %while3A_75 = arith.constant 0 : i64
      scf.yield %while3A_75 : i64
    }
    %while3A_25 = arith.constant 1 : i32
    %while3A_26 = scf.for %while3A_27 = %while3A_22 to %while3A_18 step %while3A_25 iter_args(%while3A_28 = %while3A_24) -> (i64)  : i32 {
      %get3A = arith.index_cast %while3A_27 : i32 to index
      %get3A_29 = arith.constant 0 : index
      %get3A_30 = tpu.vector_load %arg4[%get3A, %get3A_29] {strides = array<i32>} : memref<80x128xi32, #tpu.memory_space<vmem>>, vector<16xi32>,
      %shift_right_arithmetic3A = arith.constant 16 : i32
      %shift_right_arithmetic3A_31 = vector.broadcast %shift_right_arithmetic3A : i32 to vector<16xi32>
      %shift_right_arithmetic3A_32 = arith.shrsi %get3A_30, %shift_right_arithmetic3A_31 : vector<16xi32>
      tpu.vector_store_idx %arg5[%shift_right_arithmetic3A_32], %broadcast_in_dim3A_13 {add = true} : memref<10240xf32, #tpu.memory_space<vmem>>[vector<16xi32>], vector<16xf32>,
      %get3A_33 = arith.index_cast %while3A_27 : i32 to index
      %get3A_34 = arith.constant 16 : index
      %get3A_35 = tpu.vector_load %arg4[%get3A_33, %get3A_34] {strides = array<i32>} : memref<80x128xi32, #tpu.memory_space<vmem>>, vector<16xi32>,
      %shift_right_arithmetic3A_36 = arith.constant 16 : i32
      %shift_right_arithmetic3A_37 = vector.broadcast %shift_right_arithmetic3A_36 : i32 to vector<16xi32>
      %shift_right_arithmetic3A_38 = arith.shrsi %get3A_35, %shift_right_arithmetic3A_37 : vector<16xi32>
      tpu.vector_store_idx %arg5[%shift_right_arithmetic3A_38], %broadcast_in_dim3A_13 {add = true} : memref<10240xf32, #tpu.memory_space<vmem>>[vector<16xi32>], vector<16xf32>,
      %get3A_39 = arith.index_cast %while3A_27 : i32 to index
      %get3A_40 = arith.constant 32 : index
      %get3A_41 = tpu.vector_load %arg4[%get3A_39, %get3A_40] {strides = array<i32>} : memref<80x128xi32, #tpu.memory_space<vmem>>, vector<16xi32>,
      %shift_right_arithmetic3A_42 = arith.constant 16 : i32
      %shift_right_arithmetic3A_43 = vector.broadcast %shift_right_arithmetic3A_42 : i32 to vector<16xi32>
      %shift_right_arithmetic3A_44 = arith.shrsi %get3A_41, %shift_right_arithmetic3A_43 : vector<16xi32>
      tpu.vector_store_idx %arg5[%shift_right_arithmetic3A_44], %broadcast_in_dim3A_13 {add = true} : memref<10240xf32, #tpu.memory_space<vmem>>[vector<16xi32>], vector<16xf32>,
      %get3A_45 = arith.index_cast %while3A_27 : i32 to index
      %get3A_46 = arith.constant 48 : index
      %get3A_47 = tpu.vector_load %arg4[%get3A_45, %get3A_46] {strides = array<i32>} : memref<80x128xi32, #tpu.memory_space<vmem>>, vector<16xi32>,
      %shift_right_arithmetic3A_48 = arith.constant 16 : i32
      %shift_right_arithmetic3A_49 = vector.broadcast %shift_right_arithmetic3A_48 : i32 to vector<16xi32>
      %shift_right_arithmetic3A_50 = arith.shrsi %get3A_47, %shift_right_arithmetic3A_49 : vector<16xi32>
      tpu.vector_store_idx %arg5[%shift_right_arithmetic3A_50], %broadcast_in_dim3A_13 {add = true} : memref<10240xf32, #tpu.memory_space<vmem>>[vector<16xi32>], vector<16xf32>,
      %get3A_51 = arith.index_cast %while3A_27 : i32 to index
      %get3A_52 = arith.constant 64 : index
      %get3A_53 = tpu.vector_load %arg4[%get3A_51, %get3A_52] {strides = array<i32>} : memref<80x128xi32, #tpu.memory_space<vmem>>, vector<16xi32>,
      %shift_right_arithmetic3A_54 = arith.constant 16 : i32
      %shift_right_arithmetic3A_55 = vector.broadcast %shift_right_arithmetic3A_54 : i32 to vector<16xi32>
      %shift_right_arithmetic3A_56 = arith.shrsi %get3A_53, %shift_right_arithmetic3A_55 : vector<16xi32>
      tpu.vector_store_idx %arg5[%shift_right_arithmetic3A_56], %broadcast_in_dim3A_13 {add = true} : memref<10240xf32, #tpu.memory_space<vmem>>[vector<16xi32>], vector<16xf32>,
      %get3A_57 = arith.index_cast %while3A_27 : i32 to index
      %get3A_58 = arith.constant 80 : index
      %get3A_59 = tpu.vector_load %arg4[%get3A_57, %get3A_58] {strides = array<i32>} : memref<80x128xi32, #tpu.memory_space<vmem>>, vector<16xi32>,
      %shift_right_arithmetic3A_60 = arith.constant 16 : i32
      %shift_right_arithmetic3A_61 = vector.broadcast %shift_right_arithmetic3A_60 : i32 to vector<16xi32>
      %shift_right_arithmetic3A_62 = arith.shrsi %get3A_59, %shift_right_arithmetic3A_61 : vector<16xi32>
      tpu.vector_store_idx %arg5[%shift_right_arithmetic3A_62], %broadcast_in_dim3A_13 {add = true} : memref<10240xf32, #tpu.memory_space<vmem>>[vector<16xi32>], vector<16xf32>,
      %get3A_63 = arith.index_cast %while3A_27 : i32 to index
      %get3A_64 = arith.constant 96 : index
      %get3A_65 = tpu.vector_load %arg4[%get3A_63, %get3A_64] {strides = array<i32>} : memref<80x128xi32, #tpu.memory_space<vmem>>, vector<16xi32>,
      %shift_right_arithmetic3A_66 = arith.constant 16 : i32
      %shift_right_arithmetic3A_67 = vector.broadcast %shift_right_arithmetic3A_66 : i32 to vector<16xi32>
      %shift_right_arithmetic3A_68 = arith.shrsi %get3A_65, %shift_right_arithmetic3A_67 : vector<16xi32>
      tpu.vector_store_idx %arg5[%shift_right_arithmetic3A_68], %broadcast_in_dim3A_13 {add = true} : memref<10240xf32, #tpu.memory_space<vmem>>[vector<16xi32>], vector<16xf32>,
      %get3A_69 = arith.index_cast %while3A_27 : i32 to index
      %get3A_70 = arith.constant 112 : index
      %get3A_71 = tpu.vector_load %arg4[%get3A_69, %get3A_70] {strides = array<i32>} : memref<80x128xi32, #tpu.memory_space<vmem>>, vector<16xi32>,
      %shift_right_arithmetic3A_72 = arith.constant 16 : i32
      %shift_right_arithmetic3A_73 = vector.broadcast %shift_right_arithmetic3A_72 : i32 to vector<16xi32>
      %shift_right_arithmetic3A_74 = arith.shrsi %get3A_71, %shift_right_arithmetic3A_73 : vector<16xi32>
      tpu.vector_store_idx %arg5[%shift_right_arithmetic3A_74], %broadcast_in_dim3A_13 {add = true} : memref<10240xf32, #tpu.memory_space<vmem>>[vector<16xi32>], vector<16xf32>,
      %while3A_75 = arith.constant 0 : i64
      scf.yield %while3A_75 : i64
    }
    "tpu.region"() ({
      %run_scoped3A = tpu.sem_alloc : memref<!tpu.dma_semaphore, #tpu.memory_space<semaphore_mem>>
      %dma_start3A = arith.constant 0 : i32
      %dma_start3A_27 = tpu.memref_slice %arg3[%add3A, %dma_start3A] : memref<32x10240xf32, #tpu.memory_space<hbm>> -> memref<1x10240xf32, #tpu.memory_space<hbm>>
      %dma_start3A_28 = tpu.memref_squeeze %dma_start3A_27 : memref<1x10240xf32, #tpu.memory_space<hbm>> -> memref<10240xf32, #tpu.memory_space<hbm>>
      %dma_start3A_29 = arith.constant 0 : i32
      %dma_start3A_30 = tpu.memref_slice %arg3[%add3A, %dma_start3A_29] : memref<32x10240xf32, #tpu.memory_space<hbm>> -> memref<1x10240xf32, #tpu.memory_space<hbm>>
      %dma_start3A_31 = tpu.memref_squeeze %dma_start3A_30 : memref<1x10240xf32, #tpu.memory_space<hbm>> -> memref<10240xf32, #tpu.memory_space<hbm>>
      tpu.enqueue_dma source(%arg5 : memref<10240xf32, #tpu.memory_space<vmem>>) target(%dma_start3A_31 : memref<10240xf32, #tpu.memory_space<hbm>>) target_semaphore(%run_scoped3A : memref<!tpu.dma_semaphore, #tpu.memory_space<semaphore_mem>>)
      %dma_wait3A = arith.constant 0 : i32
      %dma_wait3A_32 = tpu.memref_slice %arg3[%add3A, %dma_wait3A] : memref<32x10240xf32, #tpu.memory_space<hbm>> -> memref<1x10240xf32, #tpu.memory_space<hbm>>
      %dma_wait3A_33 = tpu.memref_squeeze %dma_wait3A_32 : memref<1x10240xf32, #tpu.memory_space<hbm>> -> memref<10240xf32, #tpu.memory_space<hbm>>
      %dma_wait3A_34 = arith.constant 0 : i32
      %dma_wait3A_35 = tpu.memref_slice %arg3[%add3A, %dma_wait3A_34] : memref<32x10240xf32, #tpu.memory_space<hbm>> -> memref<1x10240xf32, #tpu.memory_space<hbm>>
      %dma_wait3A_36 = tpu.memref_squeeze %dma_wait3A_35 : memref<1x10240xf32, #tpu.memory_space<hbm>> -> memref<10240xf32, #tpu.memory_space<hbm>>
      tpu.wait_dma2 semaphore(%run_scoped3A : memref<!tpu.dma_semaphore, #tpu.memory_space<semaphore_mem>>) src(%arg5 : memref<10240xf32, #tpu.memory_space<vmem>>) dst(%dma_wait3A_36 : memref<10240xf32, #tpu.memory_space<hbm>>)
      tpu.yield
    }) : () -> ()
    return
  }
}

module attributes {stable_mosaic.version = 14 : i64} {
  func.func @_tc_dinv_body(%arg0: i32, %arg1: memref<32x512xf32, #tpu.memory_space<vmem>>, %arg2: memref<512x128xf32, #tpu.memory_space<vmem>>) attributes {dimension_semantics = [#tpu.dimension_semantics<arbitrary>], iteration_bounds = array<i64: 20>, scalar_prefetch = 0 : i64, scratch_operands = 0 : i64, tpu.core_type = #tpu.core_type<tc>, window_params = [{transform_indices = @transform_0, window_bounds = array<i64: 32, 512>}, {transform_indices = @transform_1, window_bounds = array<i64: 512, 128>}]} {
    %get3A = arith.constant 0 : index
    %get3A_0 = arith.constant 0 : index
    %get3A_1 = vector.load %arg1[%get3A, %get3A_0] : memref<32x512xf32, #tpu.memory_space<vmem>>, vector<32x512xf32>
    %broadcast_in_dim3A = arith.constant 1.000000e+00 : f32
    %broadcast_in_dim3A_2 = vector.broadcast %broadcast_in_dim3A : f32 to vector<32x128xf32>
    %dot_general3A = arith.constant dense<0.000000e+00> : vector<512x128xf32>
    %dot_general3A_3 = tpu.matmul %get3A_1, %broadcast_in_dim3A_2, %dot_general3A {dimension_numbers = #tpu.dot_dimension_numbers<[0], [0], [1], [1], [0, 1, 1, 1], [], []>, transpose_lhs_hint = false} : vector<32x512xf32>, vector<32x128xf32>, vector<512x128xf32> -> vector<512x128xf32>
    %add3A = arith.constant 1.000000e+00 : f32
    %add3A_4 = vector.broadcast %add3A : f32 to vector<512x128xf32>
    %add3A_5 = arith.addf %dot_general3A_3, %add3A_4 : vector<512x128xf32>
    %rsqrt3A = math.rsqrt %add3A_5 : vector<512x128xf32>
    %swap3A = arith.constant 0 : index
    %swap3A_6 = arith.constant 0 : index
    %swap3A_7 = vector.load %arg2[%swap3A, %swap3A_6] : memref<512x128xf32, #tpu.memory_space<vmem>>, vector<512x128xf32>
    tpu.vector_store %arg2[%swap3A, %swap3A_6], %rsqrt3A {strides = array<i32>} : memref<512x128xf32, #tpu.memory_space<vmem>>, vector<512x128xf32>,
    return
  }
  func.func @transform_0(%arg0: i32) -> (i32, i32) {
    %c0_i32 = arith.constant 0 : i32
    %c0_i32_0 = arith.constant 0 : i32
    return %c0_i32, %arg0 : i32, i32
  }
  func.func @transform_1(%arg0: i32) -> (i32, i32) {
    %c0_i32 = arith.constant 0 : i32
    %c0_i32_0 = arith.constant 0 : i32
    return %arg0, %c0_i32 : i32, i32
  }
}

module attributes {stable_mosaic.version = 14 : i64} {
  func.func @_tc_first_body(%arg0: i32, %arg1: memref<400x128xf32, #tpu.memory_space<vmem>>, %arg2: memref<128x128xf32, #tpu.memory_space<vmem>>, %arg3: memref<400x128xf32, #tpu.memory_space<vmem>>, %arg4: memref<400x128xf32, #tpu.memory_space<vmem>>) attributes {dimension_semantics = [#tpu.dimension_semantics<arbitrary>], iteration_bounds = array<i64: 25>, scalar_prefetch = 0 : i64, scratch_operands = 0 : i64, tpu.core_type = #tpu.core_type<tc>, window_params = [{transform_indices = @transform_0, window_bounds = array<i64: 400, 128>}, {pipeline_mode = #tpu.pipeline_mode<synchronous>, transform_indices = @transform_1, window_bounds = array<i64: 128, 128>}, {transform_indices = @transform_2, window_bounds = array<i64: 400, 128>}, {transform_indices = @transform_3, window_bounds = array<i64: 400, 128>}]} {
    %get3A = arith.constant 0 : index
    %get3A_0 = arith.constant 0 : index
    %get3A_1 = vector.load %arg3[%get3A, %get3A_0] : memref<400x128xf32, #tpu.memory_space<vmem>>, vector<400x128xf32>
    %get3A_2 = arith.constant 0 : index
    %get3A_3 = arith.constant 0 : index
    %get3A_4 = vector.load %arg1[%get3A_2, %get3A_3] : memref<400x128xf32, #tpu.memory_space<vmem>>, vector<400x128xf32>
    %get3A_5 = arith.constant 0 : index
    %get3A_6 = arith.constant 0 : index
    %get3A_7 = vector.load %arg2[%get3A_5, %get3A_6] : memref<128x128xf32, #tpu.memory_space<vmem>>, vector<128x128xf32>
    %dot_general3A = arith.constant dense<0.000000e+00> : vector<400x128xf32>
    %dot_general3A_8 = tpu.matmul %get3A_4, %get3A_7, %dot_general3A {dimension_numbers = #tpu.dot_dimension_numbers<[1], [0], [0], [1], [0, 0, 1, 1], [], []>, transpose_lhs_hint = false} : vector<400x128xf32>, vector<128x128xf32>, vector<400x128xf32> -> vector<400x128xf32>
    %mul3A = arith.mulf %get3A_1, %dot_general3A_8 : vector<400x128xf32>
    %swap3A = arith.constant 0 : index
    %swap3A_9 = arith.constant 0 : index
    %swap3A_10 = vector.load %arg4[%swap3A, %swap3A_9] : memref<400x128xf32, #tpu.memory_space<vmem>>, vector<400x128xf32>
    tpu.vector_store %arg4[%swap3A, %swap3A_9], %mul3A {strides = array<i32>} : memref<400x128xf32, #tpu.memory_space<vmem>>, vector<400x128xf32>,
    return
  }
  func.func @transform_0(%arg0: i32) -> (i32, i32) {
    %c0_i32 = arith.constant 0 : i32
    %c0_i32_0 = arith.constant 0 : i32
    return %arg0, %c0_i32 : i32, i32
  }
  func.func @transform_1(%arg0: i32) -> (i32, i32) {
    %c0_i32 = arith.constant 0 : i32
    %c0_i32_0 = arith.constant 0 : i32
    %c0_i32_1 = arith.constant 0 : i32
    return %c0_i32, %c0_i32_0 : i32, i32
  }
  func.func @transform_2(%arg0: i32) -> (i32, i32) {
    %c0_i32 = arith.constant 0 : i32
    %c0_i32_0 = arith.constant 0 : i32
    return %arg0, %c0_i32 : i32, i32
  }
  func.func @transform_3(%arg0: i32) -> (i32, i32) {
    %c0_i32 = arith.constant 0 : i32
    %c0_i32_0 = arith.constant 0 : i32
    return %arg0, %c0_i32 : i32, i32
  }
}

module attributes {stable_mosaic.version = 14 : i64} {
  func.func @_tc_mid_body(%arg0: i32, %arg1: memref<2x1x400x128xf32, #tpu.memory_space<vmem>>, %arg2: memref<400x128xf32, #tpu.memory_space<vmem>>, %arg3: memref<400x128xf32, #tpu.memory_space<vmem>>, %arg4: memref<1x128xf32, #tpu.memory_space<vmem>>, %arg5: memref<128x128xf32, #tpu.memory_space<vmem>>, %arg6: memref<400x128xf32, #tpu.memory_space<vmem>>) attributes {dimension_semantics = [#tpu.dimension_semantics<arbitrary>], iteration_bounds = array<i64: 25>, scalar_prefetch = 0 : i64, scratch_operands = 0 : i64, tpu.core_type = #tpu.core_type<tc>, window_params = [{transform_indices = @transform_0, window_bounds = array<i64: 2, 1, 400, 128>}, {transform_indices = @transform_1, window_bounds = array<i64: 400, 128>}, {transform_indices = @transform_2, window_bounds = array<i64: 400, 128>}, {pipeline_mode = #tpu.pipeline_mode<synchronous>, transform_indices = @transform_3, window_bounds = array<i64: 1, 128>}, {pipeline_mode = #tpu.pipeline_mode<synchronous>, transform_indices = @transform_4, window_bounds = array<i64: 128, 128>}, {transform_indices = @transform_5, window_bounds = array<i64: 400, 128>}]} {
    %get3A = arith.constant 0 : index
    %get3A_0 = arith.constant 0 : index
    %get3A_1 = vector.load %arg3[%get3A, %get3A_0] : memref<400x128xf32, #tpu.memory_space<vmem>>, vector<400x128xf32>
    %get3A_2 = arith.constant 0 : index
    %get3A_3 = arith.constant 0 : index
    %get3A_4 = arith.constant 0 : index
    %get3A_5 = arith.constant 0 : index
    %get3A_6 = vector.load %arg1[%get3A_2, %get3A_3, %get3A_4, %get3A_5] : memref<2x1x400x128xf32, #tpu.memory_space<vmem>>, vector<1x1x400x128xf32>
    %get3A_7 = vector.shape_cast %get3A_6 : vector<1x1x400x128xf32> to vector<400x128xf32>
    %get3A_8 = arith.constant 1 : index
    %get3A_9 = arith.constant 0 : index
    %get3A_10 = arith.constant 0 : index
    %get3A_11 = arith.constant 0 : index
    %get3A_12 = vector.load %arg1[%get3A_8, %get3A_9, %get3A_10, %get3A_11] : memref<2x1x400x128xf32, #tpu.memory_space<vmem>>, vector<1x1x400x128xf32>
    %get3A_13 = vector.shape_cast %get3A_12 : vector<1x1x400x128xf32> to vector<400x128xf32>
    %add3A = arith.addf %get3A_7, %get3A_13 : vector<400x128xf32>
    %get3A_14 = arith.constant 0 : index
    %get3A_15 = arith.constant 0 : index
    %get3A_16 = vector.load %arg2[%get3A_14, %get3A_15] : memref<400x128xf32, #tpu.memory_space<vmem>>, vector<400x128xf32>
    %add3A_17 = arith.addf %add3A, %get3A_16 : vector<400x128xf32>
    %mul3A = arith.mulf %get3A_1, %add3A_17 : vector<400x128xf32>
    %get3A_18 = arith.constant 0 : index
    %get3A_19 = arith.constant 0 : index
    %get3A_20 = vector.load %arg4[%get3A_18, %get3A_19] : memref<1x128xf32, #tpu.memory_space<vmem>>, vector<1x128xf32>
    %add3A_21 = vector.broadcast %get3A_20 : vector<1x128xf32> to vector<400x128xf32>
    %add3A_22 = arith.addf %mul3A, %add3A_21 : vector<400x128xf32>
    %max3A = arith.constant 0.000000e+00 : f32
    %max3A_23 = vector.broadcast %max3A : f32 to vector<400x128xf32>
    %max3A_24 = arith.maximumf %add3A_22, %max3A_23 : vector<400x128xf32>
    %get3A_25 = arith.constant 0 : index
    %get3A_26 = arith.constant 0 : index
    %get3A_27 = vector.load %arg5[%get3A_25, %get3A_26] : memref<128x128xf32, #tpu.memory_space<vmem>>, vector<128x128xf32>
    %dot_general3A = arith.constant dense<0.000000e+00> : vector<400x128xf32>
    %dot_general3A_28 = tpu.matmul %max3A_24, %get3A_27, %dot_general3A {dimension_numbers = #tpu.dot_dimension_numbers<[1], [0], [0], [1], [0, 0, 1, 1], [], []>, transpose_lhs_hint = false} : vector<400x128xf32>, vector<128x128xf32>, vector<400x128xf32> -> vector<400x128xf32>
    %mul3A_29 = arith.mulf %get3A_1, %dot_general3A_28 : vector<400x128xf32>
    %swap3A = arith.constant 0 : index
    %swap3A_30 = arith.constant 0 : index
    %swap3A_31 = vector.load %arg6[%swap3A, %swap3A_30] : memref<400x128xf32, #tpu.memory_space<vmem>>, vector<400x128xf32>
    tpu.vector_store %arg6[%swap3A, %swap3A_30], %mul3A_29 {strides = array<i32>} : memref<400x128xf32, #tpu.memory_space<vmem>>, vector<400x128xf32>,
    return
  }
  func.func @transform_0(%arg0: i32) -> (i32, i32, i32, i32) {
    %jit3A = arith.constant 13 : i64
    %convert_element_type3A = arith.trunci %jit3A : i64 to i32
    %div3A = arith.divsi %arg0, %convert_element_type3A : i32
    %sign3A = arith.constant 0 : i32
    %sign3A_0 = arith.cmpi sgt, %arg0, %sign3A : i32
    %sign3A_1 = arith.extui %sign3A_0 : i1 to i32
    %sign3A_2 = arith.constant 0 : i32
    %sign3A_3 = arith.cmpi slt, %arg0, %sign3A_2 : i32
    %sign3A_4 = arith.extui %sign3A_3 : i1 to i32
    %sign3A_5 = arith.subi %sign3A_1, %sign3A_4 : i32
    %sign3A_6 = arith.constant 0 : i32
    %sign3A_7 = arith.cmpi sgt, %convert_element_type3A, %sign3A_6 : i32
    %sign3A_8 = arith.extui %sign3A_7 : i1 to i32
    %sign3A_9 = arith.constant 0 : i32
    %sign3A_10 = arith.cmpi slt, %convert_element_type3A, %sign3A_9 : i32
    %sign3A_11 = arith.extui %sign3A_10 : i1 to i32
    %sign3A_12 = arith.subi %sign3A_8, %sign3A_11 : i32
    %ne3A = arith.cmpi ne, %sign3A_5, %sign3A_12 : i32
    %rem3A = arith.remsi %arg0, %convert_element_type3A : i32
    %ne3A_13 = arith.constant 0 : i32
    %ne3A_14 = arith.cmpi ne, %rem3A, %ne3A_13 : i32
    %and3A = arith.andi %ne3A, %ne3A_14 : i1
    %sub3A = arith.constant 1 : i32
    %sub3A_15 = arith.subi %div3A, %sub3A : i32
    %select_n3A = arith.select %and3A, %sub3A_15, %div3A : i32
    %jit3A_16 = arith.constant 13 : i64
    %convert_element_type3A_17 = arith.trunci %jit3A_16 : i64 to i32
    %eq3A = arith.constant 0 : i32
    %eq3A_18 = arith.cmpi eq, %convert_element_type3A_17, %eq3A : i32
    %jit3A_19 = arith.constant 1 : i32
    %select_n3A_20 = arith.select %eq3A_18, %jit3A_19, %convert_element_type3A_17 : i32
    %rem3A_21 = arith.remsi %arg0, %select_n3A_20 : i32
    %ne3A_22 = arith.constant 0 : i32
    %ne3A_23 = arith.cmpi ne, %rem3A_21, %ne3A_22 : i32
    %lt3A = arith.constant 0 : i32
    %lt3A_24 = arith.cmpi slt, %rem3A_21, %lt3A : i32
    %lt3A_25 = arith.constant 0 : i32
    %lt3A_26 = arith.cmpi slt, %select_n3A_20, %lt3A_25 : i32
    %ne3A_27 = arith.xori %lt3A_24, %lt3A_26 : i1
    %and3A_28 = arith.andi %ne3A_27, %ne3A_23 : i1
    %add3A = arith.addi %rem3A_21, %select_n3A_20 : i32
    %select_n3A_29 = arith.select %and3A_28, %add3A, %rem3A_21 : i32
    %c0_i32 = arith.constant 0 : i32
    %c0_i32_30 = arith.constant 0 : i32
    %c0_i32_31 = arith.constant 0 : i32
    return %c0_i32, %select_n3A, %select_n3A_29, %c0_i32_30 : i32, i32, i32, i32
  }
  func.func @transform_1(%arg0: i32) -> (i32, i32) {
    %c0_i32 = arith.constant 0 : i32
    %c0_i32_0 = arith.constant 0 : i32
    return %arg0, %c0_i32 : i32, i32
  }
  func.func @transform_2(%arg0: i32) -> (i32, i32) {
    %c0_i32 = arith.constant 0 : i32
    %c0_i32_0 = arith.constant 0 : i32
    return %arg0, %c0_i32 : i32, i32
  }
  func.func @transform_3(%arg0: i32) -> (i32, i32) {
    %c0_i32 = arith.constant 0 : i32
    %c0_i32_0 = arith.constant 0 : i32
    %c0_i32_1 = arith.constant 0 : i32
    return %c0_i32, %c0_i32_0 : i32, i32
  }
  func.func @transform_4(%arg0: i32) -> (i32, i32) {
    %c0_i32 = arith.constant 0 : i32
    %c0_i32_0 = arith.constant 0 : i32
    %c0_i32_1 = arith.constant 0 : i32
    return %c0_i32, %c0_i32_0 : i32, i32
  }
  func.func @transform_5(%arg0: i32) -> (i32, i32) {
    %c0_i32 = arith.constant 0 : i32
    %c0_i32_0 = arith.constant 0 : i32
    return %arg0, %c0_i32 : i32, i32
  }
}

module attributes {stable_mosaic.version = 14 : i64} {
  func.func @_tc_pool_body(%arg0: i32, %arg1: memref<400x128xf32, #tpu.memory_space<vmem>>, %arg2: memref<400x128xf32, #tpu.memory_space<vmem>>, %arg3: memref<1x400x1xi32, #tpu.memory_space<vmem>>, %arg4: memref<128x10xf32, #tpu.memory_space<vmem>>, %arg5: memref<1x10xf32, #tpu.memory_space<vmem>>, %arg6: memref<128x10xf32, #tpu.memory_space<vmem>>, %arg7: memref<128x128xf32, #tpu.memory_space<vmem>>, %arg8: memref<128x1xf32, #tpu.memory_space<vmem>>) attributes {dimension_semantics = [#tpu.dimension_semantics<arbitrary>], iteration_bounds = array<i64: 25>, scalar_prefetch = 0 : i64, scratch_operands = 2 : i64, tpu.core_type = #tpu.core_type<tc>, window_params = [{transform_indices = @transform_0, window_bounds = array<i64: 400, 128>}, {transform_indices = @transform_1, window_bounds = array<i64: 400, 128>}, {transform_indices = @transform_2, window_bounds = array<i64: 1, 400, 1>}, {pipeline_mode = #tpu.pipeline_mode<synchronous>, transform_indices = @transform_3, window_bounds = array<i64: 128, 10>}, {pipeline_mode = #tpu.pipeline_mode<synchronous>, transform_indices = @transform_4, window_bounds = array<i64: 1, 10>}, {pipeline_mode = #tpu.pipeline_mode<synchronous>, transform_indices = @transform_5, window_bounds = array<i64: 128, 10>}]} {
    %eq3A = arith.constant 0 : i32
    %eq3A_0 = arith.cmpi eq, %arg0, %eq3A : i32
    %convert_element_type3A = arith.extui %eq3A_0 : i1 to i32
    %cond3A = arith.constant 0 : i32
    %cond3A_1 = arith.cmpi ne, %convert_element_type3A, %cond3A : i32
    scf.if %cond3A_1 {
      %broadcast_in_dim3A_37 = arith.constant 0.000000e+00 : f32
      %broadcast_in_dim3A_38 = vector.broadcast %broadcast_in_dim3A_37 : f32 to vector<128x128xf32>
      %swap3A_39 = arith.constant 0 : index
      %swap3A_40 = arith.constant 0 : index
      %swap3A_41 = vector.load %arg7[%swap3A_39, %swap3A_40] : memref<128x128xf32, #tpu.memory_space<vmem>>, vector<128x128xf32>
      tpu.vector_store %arg7[%swap3A_39, %swap3A_40], %broadcast_in_dim3A_38 {strides = array<i32>} : memref<128x128xf32, #tpu.memory_space<vmem>>, vector<128x128xf32>,
      %broadcast_in_dim3A_42 = arith.constant 0.000000e+00 : f32
      %broadcast_in_dim3A_43 = vector.broadcast %broadcast_in_dim3A_42 : f32 to vector<128x1xf32>
      %swap3A_44 = arith.constant 0 : index
      %swap3A_45 = arith.constant 0 : index
      %swap3A_46 = vector.load %arg8[%swap3A_44, %swap3A_45] : memref<128x1xf32, #tpu.memory_space<vmem>>, vector<128x1xf32>
      tpu.vector_store %arg8[%swap3A_44, %swap3A_45], %broadcast_in_dim3A_43 {strides = array<i32>} : memref<128x1xf32, #tpu.memory_space<vmem>>, vector<128x1xf32>,
    } else {
    }
    %get3A = arith.constant 0 : index
    %get3A_2 = arith.constant 0 : index
    %get3A_3 = vector.load %arg1[%get3A, %get3A_2] : memref<400x128xf32, #tpu.memory_space<vmem>>, vector<400x128xf32>
    %get3A_4 = arith.constant 0 : index
    %get3A_5 = arith.constant 0 : index
    %get3A_6 = vector.load %arg2[%get3A_4, %get3A_5] : memref<400x128xf32, #tpu.memory_space<vmem>>, vector<400x128xf32>
    %div3A = arith.divf %get3A_3, %get3A_6 : vector<400x128xf32>
    %iota3A = tpu.iota {dimensions = array<i32: 1>} : vector<400x128xi32>
    %get3A_7 = arith.constant 0 : index
    %get3A_8 = arith.constant 0 : index
    %get3A_9 = arith.constant 0 : index
    %get3A_10 = vector.load %arg3[%get3A_7, %get3A_8, %get3A_9] : memref<1x400x1xi32, #tpu.memory_space<vmem>>, vector<1x400x1xi32>
    %get3A_11 = vector.shape_cast %get3A_10 : vector<1x400x1xi32> to vector<400x1xi32>
    %eq3A_12 = vector.broadcast %get3A_11 : vector<400x1xi32> to vector<400x128xi32>
    %eq3A_13 = arith.cmpi eq, %eq3A_12, %iota3A : vector<400x128xi32>
    %convert_element_type3A_14 = arith.extui %eq3A_13 : vector<400x128xi1> to vector<400x128xi32>
    %convert_element_type3A_15 = arith.sitofp %convert_element_type3A_14 : vector<400x128xi32> to vector<400x128xf32>
    %get3A_16 = arith.constant 0 : index
    %get3A_17 = arith.constant 0 : index
    %get3A_18 = vector.load %arg7[%get3A_16, %get3A_17] : memref<128x128xf32, #tpu.memory_space<vmem>>, vector<128x128xf32>
    %dot_general3A = arith.constant dense<0.000000e+00> : vector<128x128xf32>
    %dot_general3A_19 = tpu.matmul %convert_element_type3A_15, %div3A, %dot_general3A {dimension_numbers = #tpu.dot_dimension_numbers<[0], [0], [1], [1], [0, 1, 1, 1], [], []>, transpose_lhs_hint = false} : vector<400x128xf32>, vector<400x128xf32>, vector<128x128xf32> -> vector<128x128xf32>
    %add3A = arith.addf %get3A_18, %dot_general3A_19 : vector<128x128xf32>
    %swap3A = arith.constant 0 : index
    %swap3A_20 = arith.constant 0 : index
    %swap3A_21 = vector.load %arg7[%swap3A, %swap3A_20] : memref<128x128xf32, #tpu.memory_space<vmem>>, vector<128x128xf32>
    tpu.vector_store %arg7[%swap3A, %swap3A_20], %add3A {strides = array<i32>} : memref<128x128xf32, #tpu.memory_space<vmem>>, vector<128x128xf32>,
    %get3A_22 = arith.constant 0 : index
    %get3A_23 = arith.constant 0 : index
    %get3A_24 = vector.load %arg8[%get3A_22, %get3A_23] : memref<128x1xf32, #tpu.memory_space<vmem>>, vector<128x1xf32>
    %broadcast_in_dim3A = arith.constant 1.000000e+00 : f32
    %broadcast_in_dim3A_25 = vector.broadcast %broadcast_in_dim3A : f32 to vector<400x1xf32>
    %dot_general3A_26 = arith.constant dense<0.000000e+00> : vector<128x1xf32>
    %dot_general3A_27 = tpu.matmul %convert_element_type3A_15, %broadcast_in_dim3A_25, %dot_general3A_26 {dimension_numbers = #tpu.dot_dimension_numbers<[0], [0], [1], [1], [0, 1, 1, 1], [], []>, transpose_lhs_hint = false} : vector<400x128xf32>, vector<400x1xf32>, vector<128x1xf32> -> vector<128x1xf32>
    %add3A_28 = arith.addf %get3A_24, %dot_general3A_27 : vector<128x1xf32>
    %swap3A_29 = arith.constant 0 : index
    %swap3A_30 = arith.constant 0 : index
    %swap3A_31 = vector.load %arg8[%swap3A_29, %swap3A_30] : memref<128x1xf32, #tpu.memory_space<vmem>>, vector<128x1xf32>
    tpu.vector_store %arg8[%swap3A_29, %swap3A_30], %add3A_28 {strides = array<i32>} : memref<128x1xf32, #tpu.memory_space<vmem>>, vector<128x1xf32>,
    %eq3A_32 = arith.constant 24 : i32
    %eq3A_33 = arith.cmpi eq, %arg0, %eq3A_32 : i32
    %convert_element_type3A_34 = arith.extui %eq3A_33 : i1 to i32
    %cond3A_35 = arith.constant 0 : i32
    %cond3A_36 = arith.cmpi ne, %convert_element_type3A_34, %cond3A_35 : i32
    scf.if %cond3A_36 {
      %get3A_37 = arith.constant 0 : index
      %get3A_38 = arith.constant 0 : index
      %get3A_39 = vector.load %arg7[%get3A_37, %get3A_38] : memref<128x128xf32, #tpu.memory_space<vmem>>, vector<128x128xf32>
      %get3A_40 = arith.constant 0 : index
      %get3A_41 = arith.constant 0 : index
      %get3A_42 = vector.load %arg8[%get3A_40, %get3A_41] : memref<128x1xf32, #tpu.memory_space<vmem>>, vector<128x1xf32>
      %max3A = arith.constant 1.000000e+00 : f32
      %max3A_43 = vector.broadcast %max3A : f32 to vector<128x1xf32>
      %max3A_44 = arith.maximumf %get3A_42, %max3A_43 : vector<128x1xf32>
      %div3A_45 = vector.broadcast %max3A_44 : vector<128x1xf32> to vector<128x128xf32>
      %div3A_46 = arith.divf %get3A_39, %div3A_45 : vector<128x128xf32>
      %get3A_47 = arith.constant 0 : index
      %get3A_48 = arith.constant 0 : index
      %get3A_49 = vector.load %arg4[%get3A_47, %get3A_48] : memref<128x10xf32, #tpu.memory_space<vmem>>, vector<128x10xf32>
      %dot_general3A_50 = arith.constant dense<0.000000e+00> : vector<128x10xf32>
      %dot_general3A_51 = tpu.matmul %div3A_46, %get3A_49, %dot_general3A_50 {dimension_numbers = #tpu.dot_dimension_numbers<[1], [0], [0], [1], [0, 0, 1, 1], [], []>, transpose_lhs_hint = false} : vector<128x128xf32>, vector<128x10xf32>, vector<128x10xf32> -> vector<128x10xf32>
      %get3A_52 = arith.constant 0 : index
      %get3A_53 = arith.constant 0 : index
      %get3A_54 = vector.load %arg5[%get3A_52, %get3A_53] : memref<1x10xf32, #tpu.memory_space<vmem>>, vector<1x10xf32>
      %add3A_55 = vector.broadcast %get3A_54 : vector<1x10xf32> to vector<128x10xf32>
      %add3A_56 = arith.addf %dot_general3A_51, %add3A_55 : vector<128x10xf32>
      %swap3A_57 = arith.constant 0 : index
      %swap3A_58 = arith.constant 0 : index
      %swap3A_59 = vector.load %arg6[%swap3A_57, %swap3A_58] : memref<128x10xf32, #tpu.memory_space<vmem>>, vector<128x10xf32>
      tpu.vector_store %arg6[%swap3A_57, %swap3A_58], %add3A_56 {strides = array<i32>} : memref<128x10xf32, #tpu.memory_space<vmem>>, vector<128x10xf32>,
    } else {
    }
    return
  }
  func.func @transform_0(%arg0: i32) -> (i32, i32) {
    %c0_i32 = arith.constant 0 : i32
    %c0_i32_0 = arith.constant 0 : i32
    return %arg0, %c0_i32 : i32, i32
  }
  func.func @transform_1(%arg0: i32) -> (i32, i32) {
    %c0_i32 = arith.constant 0 : i32
    %c0_i32_0 = arith.constant 0 : i32
    return %arg0, %c0_i32 : i32, i32
  }
  func.func @transform_2(%arg0: i32) -> (i32, i32, i32) {
    %c0_i32 = arith.constant 0 : i32
    %c0_i32_0 = arith.constant 0 : i32
    %c0_i32_1 = arith.constant 0 : i32
    return %arg0, %c0_i32, %c0_i32_0 : i32, i32, i32
  }
  func.func @transform_3(%arg0: i32) -> (i32, i32) {
    %c0_i32 = arith.constant 0 : i32
    %c0_i32_0 = arith.constant 0 : i32
    %c0_i32_1 = arith.constant 0 : i32
    return %c0_i32, %c0_i32_0 : i32, i32
  }
  func.func @transform_4(%arg0: i32) -> (i32, i32) {
    %c0_i32 = arith.constant 0 : i32
    %c0_i32_0 = arith.constant 0 : i32
    %c0_i32_1 = arith.constant 0 : i32
    return %c0_i32, %c0_i32_0 : i32, i32
  }
  func.func @transform_5(%arg0: i32) -> (i32, i32) {
    %c0_i32 = arith.constant 0 : i32
    %c0_i32_0 = arith.constant 0 : i32
    %c0_i32_1 = arith.constant 0 : i32
    return %c0_i32, %c0_i32_0 : i32, i32
  }
}

</mosaic_0001>

<sc_bundles>
// kernel: closed_call.10.cloned.1.call-start
scs
__scs_entry_jumppad:
0x0: {  	(pc) =	sbr.rel $0x88, $3  }
0x1: {  	(tag) =	ssettag $0x0;
	lr =	simm.s32 $0x1  }
0x2: {  	[smem:$0x3F96] =	sst lr;
	_ =	strace $0xD0000000  }
0x3: {  	_ = 	snop  }
0x4: {  	_ = 	snop  }
0x5: {  	_ = 	snop  }
0x6: {  	_ = 	snop  }
0x7: {  	_ = 	snop  }
__scs_overlays_trampoline_lowered:
0x8: {  	[smem:$0x3FA5] =	sst s0  }
0x9: {  	[smem:$0x3FA6] =	sst s1  }
0xa: {  	[smem:$0x3FA7] =	sst s2  }
0xb: {  	[smem:$0x3FA8] =	sst s3  }
0xc: {  	[smem:$0x3FA9] =	sst s4  }
0xd: {  	[smem:$0x3FAA] =	sst s5  }
0xe: {  	[smem:$0x3FAB] =	sst s6  }
0xf: {  	[smem:$0x3FAC] =	sst s7  }
0x10: {  	[smem:$0x3FAD] =	sst s8  }
0x11: {  	[smem:$0x3FAE] =	sst s9;
	s0 =	simm.s32 @!p0 $0x0  }
0x12: {  	s1 =	sld [smem:$0x3F94];
	s0 =	simm.s32 @p0 $0x1  }
0x13: {  	[smem:$0x3FAF] =	sst s0;
	s0 =	simm.s32 @!p1 $0x0  }
0x14: {  	s2 =	sld [smem:$0x3F93];
	s0 =	simm.s32 @p1 $0x1  }
0x15: {  	[smem:$0x3FB0] =	sst s0;
	s0 =	simm.s32 @!p2 $0x0  }
0x16: {  	s3 =	sld [smem:$0x3FDB];
	s0 =	simm.s32 @p2 $0x1  }
0x17: {  	s4 =	simm.s32 $0x1BF5;
	[smem:$0x3FB2] =	sst s0  }
0x18: {  	s0 =	sld [smem:$0x3F95];
	_ =	swait.ge [sflag:s4], $0x0  }
0x19: {  	s7 =	sld [smem:$0x3F96]  }
0x1a: {  	s8 =	sadd.s32 $0xFFFFE003, lr  }
0x1b: {  	s9 =	sadd.s32 $0xFFFFFEF7, lr;
	s5 =	simm.s32 $0xFFFFFFFF;
	p2 =	slt.u32 s8, $0xFFFFF086  }
0x1c: {  	p1 =	slt.u32 s9, $0xF7A;
	s5 =	simm.s32 @!p2 $0x0  }
0x1d: {  	s5 =	simm.s32 @p1 $0x1;
	p0 =	seq.s32 s7, s2  }
0x1e: {  	s7 =	smul.u32 @!p0 $0xF7A, s2;
	p2 =	seq.s32 @!p0 s5, $0x0  }
0x1f: {  	s9 =	smul.u32 $0xF7A, s1;
	s8 =	simm.s32 @!p0 $0x1BF5;
	p2 =	por !p2, p0  }
0x20: {  	[sflag:s8] =	ssyncset.s32 @!p0 $0xFFFFF086;
	s6 =	sadd.s32 @!p0 s3, s7;
	s7 =	simm.s32 @!p0 $0x108  }
0x21: {  	s3 =	sadd.s32 s3, s9;
	s6 =	sadd.s32 @!p0 $0x88, s6;
	s7 =	simm.s32 @p2 $0x1082  }
0x22: {  	[simem:s7], [sflag:s8] =	dma.local @!p0 [hbm:s6], $0xF7A  }
0x23: {  	s9 =	sor.u32 $0xD0000000, s2;
	s6 =	simm.s32 $0x108;
	_ =	swait.ge @!p0 [sflag:s8], $0x0  }
0x24: {  	s3 =	sadd.s32 $0x88, s3;
	s6 =	simm.s32 @!p1 $0x1082;
	[sflag:s4] =	ssyncset.s32 $0xFFFFF086  }
0x25: {  	[simem:s6], [sflag:s4] =	dma.local [hbm:s3], $0xF7A  }
0x26: {  	[smem:$0x3F96] =	sst s1;
	(tag) =	ssettag s2;
	_ =	strace s9  }
0x27: {  	s1 =	sld [smem:$0x3FA6]  }
0x28: {  	s2 =	sld [smem:$0x3FA7]  }
0x29: {  	s4 =	sld [smem:$0x3FA9]  }
0x2a: {  	p0 =	seq.s32 s5, $0x0;
	s5 =	sld [smem:$0x3FAA]  }
0x2b: {  	s6 =	sld [smem:$0x3FAB]  }
0x2c: {  	s7 =	sld [smem:$0x3FAC]  }
0x2d: {  	s3 =	simm.s32 $0x108;
	s8 =	sld [smem:$0x3FAD]  }
0x2e: {  	s3 =	simm.s32 @!p0 $0x1082;
	s9 =	sld [smem:$0x3FAE]  }
0x2f: {  	lr =	sadd.s32 s0, s3;
	s0 =	sld [smem:$0x3FA5]  }
0x30: {  	s3 =	sld [smem:$0x3FA8]  }
0x31: {  	[smem:$0x3FB1] =	sst s10  }
0x32: {  	s10 =	sld [smem:$0x3FAF];
	_ =	sdelay $0x3  }
0x33: {  	p0 =	seq.s32 s10, $0x1;
	s10 =	sld [smem:$0x3FB1];
	_ =	sdelay $0x3  }
0x34: {  	[smem:$0x3FB1] =	sst s10  }
0x35: {  	s10 =	sld [smem:$0x3FB0];
	_ =	sdelay $0x3  }
0x36: {  	p1 =	seq.s32 s10, $0x1;
	s10 =	sld [smem:$0x3FB1];
	_ =	sdelay $0x3  }
0x37: {  	[smem:$0x3FB1] =	sst s10  }
0x38: {  	s10 =	sld [smem:$0x3FB2]  }
0x39: {  	_ = 	snop;
	(pc) =	sbr.ind lr, $3  }
0x3a: {  	_ = 	snop  }
0x3b: {  	_ = 	snop  }
0x3c: {  	p2 =	seq.s32 s10, $0x1;
	s10 =	sld [smem:$0x3FB1]  }
0x3d: {  	_ =	shalt  }
0x3e: {  	_ =	shalt  }
0x3f: {  	_ =	shalt  }
0x40: {  	_ =	shalt  }
0x41: {  	_ =	shalt  }
0x42: {  	_ =	shalt  }
0x43: {  	_ =	shalt  }
0x44: {  	_ =	shalt  }
0x45: {  	_ =	shalt  }
0x46: {  	_ =	shalt  }
0x47: {  	_ =	shalt  }
0x48: {  	_ =	shalt  }
0x49: {  	_ =	shalt  }
0x4a: {  	_ =	shalt  }
0x4b: {  	_ =	shalt  }
0x4c: {  	_ =	shalt  }
0x4d: {  	_ =	shalt  }
0x4e: {  	_ =	shalt  }
0x4f: {  	_ =	shalt  }
0x50: {  	_ =	shalt  }
0x51: {  	_ =	shalt  }
0x52: {  	_ =	shalt  }
0x53: {  	_ =	shalt  }
0x54: {  	_ =	shalt  }
0x55: {  	_ =	shalt  }
0x56: {  	_ =	shalt  }
0x57: {  	_ =	shalt  }
0x58: {  	_ =	shalt  }
0x59: {  	_ =	shalt  }
0x5a: {  	_ =	shalt  }
0x5b: {  	_ =	shalt  }
0x5c: {  	_ =	shalt  }
0x5d: {  	_ =	shalt  }
0x5e: {  	_ =	shalt  }
0x5f: {  	_ =	shalt  }
0x60: {  	_ =	shalt  }
0x61: {  	_ =	shalt  }
0x62: {  	_ =	shalt  }
0x63: {  	_ =	shalt  }
0x64: {  	_ =	shalt  }
0x65: {  	_ =	shalt  }
0x66: {  	_ =	shalt  }
0x67: {  	_ =	shalt  }
0x68: {  	_ =	shalt  }
0x69: {  	_ =	shalt  }
0x6a: {  	_ =	shalt  }
0x6b: {  	_ =	shalt  }
0x6c: {  	_ =	shalt  }
0x6d: {  	_ =	shalt  }
0x6e: {  	_ =	shalt  }
0x6f: {  	_ =	shalt  }
0x70: {  	_ =	shalt  }
0x71: {  	_ =	shalt  }
0x72: {  	_ =	shalt  }
0x73: {  	_ =	shalt  }
0x74: {  	_ =	shalt  }
0x75: {  	_ =	shalt  }
0x76: {  	_ =	shalt  }
0x77: {  	_ =	shalt  }
0x78: {  	_ =	shalt  }
0x79: {  	_ =	shalt  }
0x7a: {  	_ =	shalt  }
0x7b: {  	_ =	shalt  }
0x7c: {  	_ =	shalt  }
0x7d: {  	_ =	shalt  }
0x7e: {  	_ =	shalt  }
0x7f: {  	_ =	shalt  }
0x80: {  	_ =	shalt  }
0x81: {  	_ =	shalt  }
0x82: {  	_ =	shalt  }
0x83: {  	_ =	shalt  }
0x84: {  	_ =	shalt  }
0x85: {  	_ =	shalt  }
0x86: {  	_ =	shalt  }
0x87: {  	_ =	shalt  }
.Lfunc_end0:
.L_simem_size_0:
called_computation_lowered:
.L_overlay_start_0:
0x88: {  	s2 =	sld [smem:$0x3FD9]  }
0x89: {  	s3 =	sld [smem:$0x3FFE];
	_ =	sdelay $0x1  }
0x8a: {  	s1 =	srdreg.scid  }
0x8b: {  	s0 =	sand.u32 $0x1, s1  }
0x8c: {  	s16 =	sshll.u32 s0, $0xA;
	s2 =	sadd.s32 s3, s2  }
0x8d: {  	s2 =	sadd.s32 s2, s16  }
0x8e: {  	[smem:$0x3FBD] =	sst s2  }
0x8f: {  	_ = 	snop  }
0x90: {  	(tm) =	ssettm $0x1  }
0x91: {  	s17 =	sld [smem:$0x3FFB];
	_ =	sdelay $0x3  }
0x92: {  	_ =	strace s17  }
0x93: {  	s2 =	sld [smem:$0x3FFC];
	_ =	sdelay $0x3  }
0x94: {  	_ =	strace s2  }
0x95: {  	s2 =	sld [smem:$0x3FFD];
	_ =	sdelay $0x3  }
0x96: {  	_ =	strace s2  }
0x97: {  	_ =	strace $0x8FFFFFFF  }
0x98: {  	s18 =	sld [smem:$0x3FDB];
	_ =	sdelay $0x1  }
0x99: {  	s19 =	simm.s32 $_scs_section_size  }
0x9a: {  	s4 =	simm.s32 $_size__tile_overlayer_lowered;
	s5 =	simm.s32 $_tile_overlayer_lowered  }
0x9b: {  	s22 =	simm.s32 $0x1BFF;
	s21 =	sshll.u32 s5, $0x1;
	s2 =	sadd.s32 s19, s18  }
0x9c: {  	s6 =	simm.s32 $0x0;
	s20 =	sshll.u32 s4, $0x1;
	s4 =	sadd.s32 s21, s2  }
0x9d: {  	[timem:s6], [sflag:s22] =	dma.local [hbm:s4], s20  }
0x9e: {  	_ =	swait.ge [sflag:s22], s20  }
0x9f: {  	s3 =	ssub.s32 $0x0, s20;
	[sflag:s22] =	ssyncset.done $0x0  }
0xa0: {  	[sflag:s22] =	ssyncadd.s32 s3;
	_ =	sdelay $0x1  }
0xa1: {  	s23 =	simm.s32 $0x1B8B  }
0xa2: {  	_ =	swait.ge [sflag:s23], $0x1  }
0xa3: {  	[sflag:s23] =	ssyncset.done $0x0  }
0xa4: {  	s25 =	simm.s32 $0x1B8E;
	s24 =	sld [smem:$0x3FFE];
	[sflag:s23] =	ssyncadd.s32 $0xFFFFFFFF  }
0xa5: {  	s26 =	simm.s32 $execute0_lowered;
	[smem:$0x3FD2] =	sst s25  }
0xa6: {  	s4 =	sshll.u32 s26, $0x1;
	_ =	strace $0x80000049;
	[dreg:$0x1] =	wrdreg $0xFFFFFFFF  }
0xa7: {  	s28 =	simm.s32 $_size_execute0_lowered;
	s2 =	sadd.s32 s2, s4;
	[dreg:$0x0] =	wrdreg $0x0  }
0xa8: {  	s4 =	sshll.u32 s28, $0x1;
	[dreg:$0x2] =	wrdreg s2  }
0xa9: {  	[dreg:$0x3] =	wrdreg s4  }
0xaa: {  	[dreg:$0x4] =	wrdreg $0xC0  }
0xab: {  	_ =	task [dreg:s6], $0x5FFFF  }
0xac: {  	[dreg:$0x1] =	wrdreg $0xFFFFFFFF  }
0xad: {  	[dreg:$0x0] =	wrdreg $0x60  }
0xae: {  	[dreg:$0x2] =	wrdreg s24  }
0xaf: {  	[dreg:$0x3] =	wrdreg $0xD0000  }
0xb0: {  	[dreg:$0x4] =	wrdreg $0x9  }
0xb1: {  	_ =	task.clear_ibuf [dreg:s6], $0x5FFFF;
	_ =	strace $0x90000049  }
0xb2: {  	s29 =	simm.s32 $0x9;
	_ =	strace $0x8000004B  }
0xb3: {  	_ =	swait.ge [sflag:s29], $0x1  }
0xb4: {  	[sflag:s29] =	ssyncadd.s32 $0xFFFFFFFF  }
0xb5: {  	_ =	strace $0x9000004B  }
0xb6: {  	_ =	sfence  }
0xb7: {  	s30 =	sld [smem:$0x0];
	_ =	sdelay $0x2  }
0xb8: {  	s31 =	sshll.u32 s1, $0xD;
	s1 =	sshrl.u32 s1, $0x2  }
0xb9: {  	s3 =	sand.u32 $0x4000, s31;
	s1 =	sadd.s32 s1, s30  }
0xba: {  	s0 =	sor.u32 s3, s0;
	s1 =	sshll.u32 s1, $0x11  }
0xbb: {  	s0 =	sor.u32 s1, s0  }
0xbc: {  	s0 =	sadd.s32 $0x8F2B, s0  }
0xbd: {  	[sflag:s0] =	ssyncadd.remote.s32 $0x1  }
0xbe: {  	_ =	sfence.sel $0xFFFF  }
0xbf: {  	[dreg:$0x0] =	wrdreg $0xFFFFFFFF;
	(pc) =	sbr.abs _section_cstart, $3  }
0xc0: {  	[dreg:$0x1] =	wrdreg $0xFFFFFFFF  }
0xc1: {  	_ =	task.clear_ibuf [dreg:s6], $0x2FFFF;
	_ =	strace $0x9FFFFFFF  }
0xc2: {  	(tm) =	ssettm $0x7FFFFFFF  }
0xc3: {  	_ =	shalt  }
tec
execute0_lowered:
.L_overlay_start_1:
0x0: {  	(tag) =	ssettag $0x1  }
0x1: {  	s5 =	rddreg [dreg:$0x0]  }
0x2: {  	s2 =	rddreg [dreg:$0x1];
	s3 =	srdreg.scid  }
0x3: {  	s0 =	rddreg [dreg:$0x2];
	s1 =	stileid.u32  }
0x4: {  	s12 =	simm.s32 $0x3;
	s13 =	simm.s32 $0x5000;
	s14 =	simm.s32 $0x2800  }
0x5: {  	s15 =	simm.s32 $0x80;
	s16 =	simm.s32 $0x9000;
	s17 =	simm.s32 $0x1  }
0x6: {  	s18 =	simm.s32 $0x2;
	s19 =	simm.s32 $0x4F00;
	s20 =	simm.s32 $0x4F80  }
0x7: {  	s21 =	simm.s32 $0x0;
	s6 =	sand.u32 $0x1, s3;
	s8 =	smul.u32 $0xA400, s1  }
0x8: {  	s3 =	simm.s32 $0x0;
	s4 =	sshll.u32 s1, $0x1;
	s29 =	smul.u32 $0x29000, s1  }
0x9: {  	s7 =	smul.u32 $0x148000, s6;
	[smem:$0x7FF] =	sst s3;
	s4 =	sor.u32 s6, s4  }
0xa: {  	s6 =	ssub.s32 $0x2, s6;
	_ =	strace $0x8000004A;
	s9 =	smul.u32 $0x500, s4  }
0xb: {  	s4 =	sadd.s32 $0x16C00, s5;
	s30 =	sshrl.u32 s6, $0x1;
	s31 =	sshrl.u32 s29, $0x2  }
0xc: {  	s7 =	sadd.s32 s8, s7;
	s11 =	ssub.s32 s6, s30;
	s6 =	sadd.s32 s31, s2  }
0xd: {  	s9 =	sadd.s32 s9, s5;
	s7 =	sshrl.u32 s7, $0x3;
	s8 =	sadd.s32 $0x8000, s6  }
0xe: {  	s11 =	smax.u32 s11, $0x1;
	s10 =	sadd.s32 s7, s5;
	s5 =	sadd.s32 $0x2A00, s9  }
0xf: {  	v0 =	vimm.f32 $0.0e+00;
	s7 =	sadd.s32 $0x4000, s6;
	s9 =	sadd.s32 $0x3DE00, s10;
	s10 =	sadd.s32 $0x52600, s10  }
.LBB2_1:
0x10: {  	[tilespmem:s3], [sflag:$0x3] =	stream.linear.gather [hbm4b:s5+s3], $0x2800, $0x38;
	[tilespmem:$0x17400] =	vst v63  }
0x11: {  	_ =	swait.ge [sflag:s12], $0x2800  }
0x12: {  	[sflag:s12] =	ssyncset.done $0x0  }
0x13: {  	s22 =	simm.s32 $0x0;
	[sflag:s12] =	ssyncadd.s32 $0xFFFFD800  }
0x14: {  	v3 =	vld [tilespmem:s22+$0x0]  }
0x15: {  	v5 =	vld [tilespmem:s22+$0x10]  }
0x16: {  	v4 =	vld [tilespmem:s22+$0x20]  }
0x17: {  	v2 =	vld [tilespmem:s22+$0x30]  }
0x18: {  	v1 =	vld [tilespmem:s22+$0x40]  }
0x19: {  	v6 =	vand.u32 $0xFFFF, v3;
	v3 =	vld [tilespmem:s22+$0x50]  }
0x1a: {  	s23 =	simm.s32 $0x200;
	[tilespmem:s22+$0x0] =	vst v6;
	v6 =	vand.u32 $0xFFFF, v5;
	v5 =	vld [tilespmem:s22+$0x60]  }
.LBB2_2:
0x1b: {  	s24 =	sshra.s32 s23, $0x2;
	p0 =	sne.s32 s23, $0x9E00;
	[tilespmem:s22+$0x10] =	vst v6;
	v4 =	vand.u32 $0xFFFF, v4;
	v6 =	vld [tilespmem:s22+$0x70]  }
0x1c: {  	v7 =	vld [tilespmem:s24+$0x0];
	[tilespmem:s22+$0x20] =	vst v4;
	v2 =	vand.u32 $0xFFFF, v2  }
0x1d: {  	v8 =	vld [tilespmem:s24+$0x10];
	[tilespmem:s22+$0x30] =	vst v2;
	v1 =	vand.u32 $0xFFFF, v1  }
.Ltmp0:
0x1e: {  	v4 =	vld [tilespmem:s24+$0x20];
	[tilespmem:s22+$0x40] =	vst v1;
	v1 =	vand.u32 $0xFFFF, v3;
	(pc) =	sbr.rel @p0 .LBB2_2-.Ltmp0, $4  }
0x1f: {  	v2 =	vld [tilespmem:s24+$0x30];
	[tilespmem:s22+$0x50] =	vst v1;
	v3 =	vand.u32 $0xFFFF, v5  }
0x20: {  	v1 =	vld [tilespmem:s24+$0x40];
	[tilespmem:s22+$0x60] =	vst v3;
	v5 =	vand.u32 $0xFFFF, v6  }
0x21: {  	v6 =	vand.u32 $0xFFFF, v7;
	v3 =	vld [tilespmem:s24+$0x50];
	[tilespmem:s22+$0x70] =	vst v5;
	s22 =	smov.u32 s24  }
0x22: {  	s23 =	sadd.s32 $0x200, s23;
	[tilespmem:s22+$0x0] =	vst v6;
	v6 =	vand.u32 $0xFFFF, v8;
	v5 =	vld [tilespmem:s22+$0x60]  }
0x23: {  	[tilespmem:s22+$0x10] =	vst v6;
	v4 =	vand.u32 $0xFFFF, v4;
	v63 =	vld [tilespmem:s22+$0x70]  }
0x24: {  	[tilespmem:s22+$0x20] =	vst v4;
	v2 =	vand.u32 $0xFFFF, v2  }
0x25: {  	[tilespmem:s22+$0x30] =	vst v2;
	v1 =	vand.u32 $0xFFFF, v1  }
0x26: {  	[tilespmem:s22+$0x40] =	vst v1;
	v1 =	vand.u32 $0xFFFF, v3  }
0x27: {  	[tilespmem:s22+$0x50] =	vst v1;
	v1 =	vand.u32 $0xFFFF, v5  }
0x28: {  	[tilespmem:s22+$0x60] =	vst v1;
	v1 =	vand.u32 $0xFFFF, v63  }
0x29: {  	s23 =	simm.s32 $0x200;
	[tilespmem:s22+$0x70] =	vst v1;
	s22 =	simm.s32 $0x0  }
.LBB2_4:
0x2a: {  	p0 =	sne.s32 s23, $0xFE00;
	[tilespmem:s22+$0x5070] =	vst v0  }
0x2b: {  	[tilespmem:s22+$0x5000] =	vst v0  }
0x2c: {  	[tilespmem:s22+$0x5010] =	vst v0  }
.Ltmp1:
0x2d: {  	[tilespmem:s22+$0x5020] =	vst v0;
	(pc) =	sbr.rel @p0 .LBB2_4-.Ltmp1, $4  }
0x2e: {  	[tilespmem:s22+$0x5030] =	vst v0  }
0x2f: {  	[tilespmem:s22+$0x5040] =	vst v0  }
0x30: {  	[tilespmem:s22+$0x5050] =	vst v0  }
0x31: {  	[tilespmem:s22+$0x5060] =	vst v0;
	s22 =	sshra.s32 s23, $0x2;
	s23 =	sadd.s32 $0x200, s23  }
0x32: {  	[tilespmem:s22+$0x5070] =	vst v0  }
0x33: {  	[tilespmem:s22+$0x5000] =	vst v0  }
0x34: {  	[tilespmem:s22+$0x5010] =	vst v0  }
0x35: {  	[tilespmem:s22+$0x5020] =	vst v0  }
0x36: {  	[tilespmem:s22+$0x5030] =	vst v0  }
0x37: {  	[tilespmem:s22+$0x5040] =	vst v0  }
0x38: {  	[tilespmem:s22+$0x5050] =	vst v0  }
0x39: {  	[tilespmem:s22+$0x5060] =	vst v0  }
0x3a: {  	[spmem:s6] =	stream.linear.scatter [tilespmem:s13], [sflag:$0x3], $0x4000, $0x38;
	[tilespmem:$0x17400] =	vst v63  }
0x3b: {  	_ =	swait.ge [sflag:s12], $0x4000  }
0x3c: {  	[sflag:s12] =	ssyncset.done $0x0  }
0x3d: {  	[sflag:s12] =	ssyncadd.s32 $0xFFFFC000  }
0x3e: {  	[spmem:s7] =	stream.linear.scatter [tilespmem:s13], [sflag:$0x3], $0x4000, $0x38;
	[tilespmem:$0x17400] =	vst v63  }
0x3f: {  	_ =	swait.ge [sflag:s12], $0x4000  }
0x40: {  	[sflag:s12] =	ssyncset.done $0x0  }
0x41: {  	[sflag:s12] =	ssyncadd.s32 $0xFFFFC000  }
0x42: {  	[spmem:s8] =	stream.linear.scatter [tilespmem:s13], [sflag:$0x3], $0x2400, $0x38;
	[tilespmem:$0x17400] =	vst v63  }
0x43: {  	_ =	swait.ge [sflag:s12], $0x2400  }
0x44: {  	[sflag:s12] =	ssyncset.done $0x0  }
0x45: {  	s31 =	simm.s32 $0x0;
	[sflag:s12] =	ssyncadd.s32 $0xFFFFDC00  }
0x46: {  	[tilespmem:s14], [sflag:$0x3] =	stream.linear.gather [hbm4b:s5+s31], $0x2800, $0x38;
	[tilespmem:$0x17400] =	vst v63  }
0x47: {  	_ =	swait.ge [sflag:s12], $0x2800  }
0x48: {  	[sflag:s12] =	ssyncset.done $0x0  }
0x49: {  	s22 =	simm.s32 $0x0;
	[sflag:s12] =	ssyncadd.s32 $0xFFFFD800  }
0x4a: {  	v2 =	vld [tilespmem:s22+$0x2800]  }
0x4b: {  	v3 =	vld [tilespmem:s22+$0x2810]  }
0x4c: {  	v5 =	vld [tilespmem:s22+$0x2820]  }
0x4d: {  	v4 =	vld [tilespmem:s22+$0x2830]  }
0x4e: {  	v1 =	vld [tilespmem:s22+$0x2840]  }
0x4f: {  	v6 =	vshra.s32 v2, $0x10;
	v2 =	vld [tilespmem:s22+$0x2850]  }
0x50: {  	s23 =	simm.s32 $0x200;
	v7 =	vshra.s32 v3, $0x10;
	v3 =	vld [tilespmem:s22+$0x2860];
	v6 =	vmin.u32 v6, $0x1450  }
.LBB2_6:
0x51: {  	s24 =	sshra.s32 s23, $0x2;
	p0 =	sne.s32 s23, $0x9E00;
	[tilespmem:s22+$0x2800] =	vst v6;
	v6 =	vmin.u32 v7, $0x1450;
	v5 =	vshra.s32 v5, $0x10;
	v7 =	vld [tilespmem:s22+$0x2870]  }
0x52: {  	v8 =	vld [tilespmem:s24+$0x2800];
	[tilespmem:s22+$0x2810] =	vst v6;
	v5 =	vmin.u32 v5, $0x1450;
	v4 =	vshra.s32 v4, $0x10  }
0x53: {  	v9 =	vld [tilespmem:s24+$0x2810];
	[tilespmem:s22+$0x2820] =	vst v5;
	v4 =	vmin.u32 v4, $0x1450;
	v1 =	vshra.s32 v1, $0x10  }
.Ltmp2:
0x54: {  	v5 =	vld [tilespmem:s24+$0x2820];
	[tilespmem:s22+$0x2830] =	vst v4;
	v1 =	vmin.u32 v1, $0x1450;
	v2 =	vshra.s32 v2, $0x10;
	(pc) =	sbr.rel @p0 .LBB2_6-.Ltmp2, $4  }
0x55: {  	v4 =	vld [tilespmem:s24+$0x2830];
	[tilespmem:s22+$0x2840] =	vst v1;
	v2 =	vmin.u32 v2, $0x1450;
	v3 =	vshra.s32 v3, $0x10  }
0x56: {  	v1 =	vld [tilespmem:s24+$0x2840];
	[tilespmem:s22+$0x2850] =	vst v2;
	v3 =	vmin.u32 v3, $0x1450;
	v6 =	vshra.s32 v7, $0x10  }
0x57: {  	v7 =	vshra.s32 v8, $0x10;
	v2 =	vld [tilespmem:s24+$0x2850];
	[tilespmem:s22+$0x2860] =	vst v3;
	v8 =	vmin.u32 v6, $0x1450  }
0x58: {  	s23 =	sadd.s32 $0x200, s23;
	v6 =	vmin.u32 v7, $0x1450;
	v7 =	vshra.s32 v9, $0x10;
	v3 =	vld [tilespmem:s24+$0x2860];
	[tilespmem:s22+$0x2870] =	vst v8;
	s22 =	smov.u32 s24  }
0x59: {  	[tilespmem:s22+$0x2800] =	vst v6;
	v62 =	vmin.u32 v7, $0x1450;
	v5 =	vshra.s32 v5, $0x10;
	v63 =	vld [tilespmem:s22+$0x2870]  }
0x5a: {  	[tilespmem:s22+$0x2810] =	vst v62;
	v5 =	vmin.u32 v5, $0x1450;
	v4 =	vshra.s32 v4, $0x10  }
0x5b: {  	[tilespmem:s22+$0x2820] =	vst v5;
	v4 =	vmin.u32 v4, $0x1450;
	v1 =	vshra.s32 v1, $0x10  }
0x5c: {  	[tilespmem:s22+$0x2830] =	vst v4;
	v1 =	vmin.u32 v1, $0x1450;
	v2 =	vshra.s32 v2, $0x10  }
0x5d: {  	[tilespmem:s22+$0x2840] =	vst v1;
	v1 =	vmin.u32 v2, $0x1450;
	v2 =	vshra.s32 v3, $0x10  }
0x5e: {  	[tilespmem:s22+$0x2850] =	vst v1;
	v1 =	vmin.u32 v2, $0x1450;
	v2 =	vshra.s32 v63, $0x10  }
0x5f: {  	[tilespmem:s22+$0x2860] =	vst v1;
	v1 =	vmin.u32 v2, $0x1450  }
0x60: {  	[tilespmem:s22+$0x2870] =	vst v1  }
0x61: {  	s28 =	simm.s32 $0x0;
	[bflag:$0x0] =	sbarrier.arrive $0xFFFF  }
0x62: {  	[tilespmem:s13], [sflag:$0x1] =	stream.indirect.gather [hbm4b:s4+s15], $0x80, s28, s15, $0xb8;
	[tilespmem:$0x17400] =	vst v63  }
0x63: {  	_ = 	snop  }
0x64: {  	[tilespmem:s16], [sflag:$0x2] =	stream.indirect.gather [hbm4b:s4+s15], $0x80, s15, s15, $0xb8;
	[tilespmem:$0x17400] =	vst v63  }
0x65: {  	_ =	swait.ge [sflag:s17], $0x4000  }
0x66: {  	[sflag:s17] =	ssyncset.done $0x0  }
0x67: {  	s29 =	simm.s32 $0x2800;
	[sflag:s17] =	ssyncadd.s32 $0xFFFFC000  }
0x68: {  	[spmem:s2] =	stream.indirect.scatter.add.f32 [tilespmem:s13], [sflag:$0x3], $0x80, s29, s15, $0xb8;
	[tilespmem:$0x17400] =	vst v63  }
0x69: {  	_ =	swait.ge [sflag:s12], $0x4000  }
0x6a: {  	[sflag:s12] =	ssyncset.done $0x0  }
0x6b: {  	s30 =	simm.s32 $0x100;
	[sflag:s12] =	ssyncadd.s32 $0xFFFFC000  }
0x6c: {  	[tilespmem:s13], [sflag:$0x1] =	stream.indirect.gather [hbm4b:s4+s15], $0x80, s30, s15, $0xb8;
	[tilespmem:$0x17400] =	vst v63  }
0x6d: {  	_ =	swait.ge [sflag:s18], $0x4000  }
0x6e: {  	[sflag:s18] =	ssyncset.done $0x0  }
0x6f: {  	s31 =	simm.s32 $0x2880;
	[sflag:s18] =	ssyncadd.s32 $0xFFFFC000  }
0x70: {  	[spmem:s2] =	stream.indirect.scatter.add.f32 [tilespmem:s16], [sflag:$0x3], $0x80, s31, s15, $0xb8;
	[tilespmem:$0x17400] =	vst v63  }
0x71: {  	_ =	swait.ge [sflag:s12], $0x4000  }
0x72: {  	[sflag:s12] =	ssyncset.done $0x0  }
0x73: {  	s23 =	simm.s32 $0x180;
	s22 =	simm.s32 $0x400;
	[sflag:s12] =	ssyncadd.s32 $0xFFFFC000  }
.LBB2_8:
0x74: {  	[tilespmem:s16], [sflag:$0x2] =	stream.indirect.gather [hbm4b:s4+s15], $0x80, s23, s15, $0xb8;
	[tilespmem:$0x17400] =	vst v63  }
0x75: {  	s23 =	smov.u32 s22  }
0x76: {  	p0 =	sne.s32 s22, $0x9800;
	s22 =	sadd.s32 $0x400, s22;
	_ =	swait.ge [sflag:s17], $0x4000  }
0x77: {  	s23 =	sshra.s32 s23, $0x2;
	[sflag:s17] =	ssyncset.done $0x0  }
0x78: {  	s24 =	sadd.s32 $0x2800, s23;
	[sflag:s17] =	ssyncadd.s32 $0xFFFFC000  }
0x79: {  	[spmem:s2] =	stream.indirect.scatter.add.f32 [tilespmem:s13], [sflag:$0x3], $0x80, s24, s15, $0xb8;
	[tilespmem:$0x17400] =	vst v63  }
0x7a: {  	_ =	swait.ge [sflag:s12], $0x4000  }
0x7b: {  	[sflag:s12] =	ssyncset.done $0x0  }
0x7c: {  	s24 =	sadd.s32 $0x100, s23;
	[sflag:s12] =	ssyncadd.s32 $0xFFFFC000  }
0x7d: {  	[tilespmem:s13], [sflag:$0x1] =	stream.indirect.gather [hbm4b:s4+s15], $0x80, s24, s15, $0xb8;
	[tilespmem:$0x17400] =	vst v63  }
0x7e: {  	_ =	swait.ge [sflag:s18], $0x4000  }
0x7f: {  	[sflag:s18] =	ssyncset.done $0x0  }
.Ltmp3:
0x80: {  	s24 =	sadd.s32 $0x2880, s23;
	[sflag:s18] =	ssyncadd.s32 $0xFFFFC000;
	(pc) =	sbr.rel @p0 .LBB2_8-.Ltmp3, $4  }
0x81: {  	[spmem:s2] =	stream.indirect.scatter.add.f32 [tilespmem:s16], [sflag:$0x3], $0x80, s24, s15, $0xb8;
	[tilespmem:$0x17400] =	vst v63  }
0x82: {  	_ =	swait.ge [sflag:s12], $0x4000  }
0x83: {  	[sflag:s12] =	ssyncset.done $0x0  }
0x84: {  	s23 =	sadd.s32 $0x180, s23;
	[sflag:s12] =	ssyncadd.s32 $0xFFFFC000  }
0x85: {  	[tilespmem:s16], [sflag:$0x2] =	stream.indirect.gather [hbm4b:s4+s15], $0x80, s23, s15, $0xb8;
	[tilespmem:$0x17400] =	vst v63  }
0x86: {  	_ =	swait.ge [sflag:s17], $0x4000  }
0x87: {  	[sflag:s17] =	ssyncset.done $0x0  }
0x88: {  	[sflag:s17] =	ssyncadd.s32 $0xFFFFC000  }
0x89: {  	[spmem:s2] =	stream.indirect.scatter.add.f32 [tilespmem:s13], [sflag:$0x3], $0x80, s19, s15, $0xb8;
	[tilespmem:$0x17400] =	vst v63  }
0x8a: {  	_ =	swait.ge [sflag:s12], $0x4000  }
0x8b: {  	[sflag:s12] =	ssyncset.done $0x0  }
0x8c: {  	[sflag:s12] =	ssyncadd.s32 $0xFFFFC000  }
0x8d: {  	_ =	swait.ge [sflag:s18], $0x4000  }
0x8e: {  	[sflag:s18] =	ssyncset.done $0x0  }
0x8f: {  	[sflag:s18] =	ssyncadd.s32 $0xFFFFC000  }
0x90: {  	[spmem:s2] =	stream.indirect.scatter.add.f32 [tilespmem:s16], [sflag:$0x3], $0x80, s20, s15, $0xb8;
	[tilespmem:$0x17400] =	vst v63  }
0x91: {  	_ =	swait.ge [sflag:s12], $0x4000  }
0x92: {  	[sflag:s12] =	ssyncset.done $0x0  }
0x93: {  	s22 =	sshll.u32 s1, $0x6;
	[sflag:s12] =	ssyncadd.s32 $0xFFFFC000  }
0x94: {  	s23 =	sshrl.u32 s6, $0x3;
	s22 =	sor.u32 $0x1C03, s22;
	[bflag:$0x0] =	sbarrier.arrive $0xFFFF  }
0x95: {  	[hbm:s9], [sflag:s22] =	dma.local [spmem:s23], $0x1480  }
0x96: {  	_ =	swait.ge [sflag:s12], $0x1480  }
0x97: {  	[sflag:s12] =	ssyncset.done $0x0  }
0x98: {  	[sflag:s12] =	ssyncadd.s32 $0xFFFFEB80  }
0x99: {  	s24 =	simm.s32 $0x0;
	s25 =	simm.s32 $0x200;
	[bflag:$0x0] =	sbarrier.arrive $0xFFFF  }
.LBB2_10:
0x9a: {  	p0 =	sne.s32 s25, $0xFE00;
	[tilespmem:s24+$0x5070] =	vst v0  }
0x9b: {  	[tilespmem:s24+$0x5000] =	vst v0  }
0x9c: {  	[tilespmem:s24+$0x5010] =	vst v0  }
.Ltmp4:
0x9d: {  	[tilespmem:s24+$0x5020] =	vst v0;
	(pc) =	sbr.rel @p0 .LBB2_10-.Ltmp4, $4  }
0x9e: {  	[tilespmem:s24+$0x5030] =	vst v0  }
0x9f: {  	[tilespmem:s24+$0x5040] =	vst v0  }
0xa0: {  	[tilespmem:s24+$0x5050] =	vst v0  }
0xa1: {  	[tilespmem:s24+$0x5060] =	vst v0;
	s24 =	sshra.s32 s25, $0x2;
	s25 =	sadd.s32 $0x200, s25  }
0xa2: {  	[tilespmem:s24+$0x5070] =	vst v0  }
0xa3: {  	[tilespmem:s24+$0x5000] =	vst v0  }
0xa4: {  	[tilespmem:s24+$0x5010] =	vst v0  }
0xa5: {  	[tilespmem:s24+$0x5020] =	vst v0  }
0xa6: {  	[tilespmem:s24+$0x5030] =	vst v0  }
0xa7: {  	[tilespmem:s24+$0x5040] =	vst v0  }
0xa8: {  	[tilespmem:s24+$0x5050] =	vst v0  }
0xa9: {  	[tilespmem:s24+$0x5060] =	vst v0  }
0xaa: {  	[spmem:s6] =	stream.linear.scatter [tilespmem:s13], [sflag:$0x3], $0x4000, $0x38;
	[tilespmem:$0x17400] =	vst v63  }
0xab: {  	_ =	swait.ge [sflag:s12], $0x4000  }
0xac: {  	[sflag:s12] =	ssyncset.done $0x0  }
0xad: {  	[sflag:s12] =	ssyncadd.s32 $0xFFFFC000  }
0xae: {  	[spmem:s7] =	stream.linear.scatter [tilespmem:s13], [sflag:$0x3], $0x4000, $0x38;
	[tilespmem:$0x17400] =	vst v63  }
0xaf: {  	_ =	swait.ge [sflag:s12], $0x4000  }
0xb0: {  	[sflag:s12] =	ssyncset.done $0x0  }
0xb1: {  	[sflag:s12] =	ssyncadd.s32 $0xFFFFC000  }
0xb2: {  	[spmem:s8] =	stream.linear.scatter [tilespmem:s13], [sflag:$0x3], $0x2400, $0x38;
	[tilespmem:$0x17400] =	vst v63  }
0xb3: {  	_ =	swait.ge [sflag:s12], $0x2400  }
0xb4: {  	[sflag:s12] =	ssyncset.done $0x0  }
0xb5: {  	s31 =	simm.s32 $0x0;
	[sflag:s12] =	ssyncadd.s32 $0xFFFFDC00  }
0xb6: {  	[tilespmem:s14], [sflag:$0x3] =	stream.linear.gather [hbm4b:s5+s31], $0x2800, $0x38;
	[tilespmem:$0x17400] =	vst v63  }
0xb7: {  	_ =	swait.ge [sflag:s12], $0x2800  }
0xb8: {  	[sflag:s12] =	ssyncset.done $0x0  }
0xb9: {  	s24 =	simm.s32 $0x0;
	[sflag:s12] =	ssyncadd.s32 $0xFFFFD800  }
0xba: {  	v1 =	vld [tilespmem:s24+$0x2800]  }
0xbb: {  	v7 =	vld [tilespmem:s24+$0x2810]  }
0xbc: {  	v5 =	vld [tilespmem:s24+$0x2820]  }
0xbd: {  	v4 =	vld [tilespmem:s24+$0x2830]  }
0xbe: {  	v3 =	vld [tilespmem:s24+$0x2840]  }
0xbf: {  	v2 =	vld [tilespmem:s24+$0x2850];
	v1 =	vshra.s32 v1, $0x10  }
0xc0: {  	s25 =	simm.s32 $0x200;
	v7 =	vshra.s32 v7, $0x10;
	v6 =	vadd.s32 $0xFFFFEBB0, v1;
	v1 =	vld [tilespmem:s24+$0x2860]  }
.LBB2_12:
0xc1: {  	p0 =	sne.s32 s25, $0x9E00;
	v6 =	vmin.u32 v6, $0x1450;
	v7 =	vadd.s32 $0xFFFFEBB0, v7;
	v5 =	vshra.s32 v5, $0x10;
	v8 =	vld [tilespmem:s24+$0x2870]  }
0xc2: {  	s26 =	sshra.s32 s25, $0x2;
	[tilespmem:s24+$0x2800] =	vst v6;
	v6 =	vmin.u32 v7, $0x1450;
	v5 =	vadd.s32 $0xFFFFEBB0, v5;
	v4 =	vshra.s32 v4, $0x10  }
0xc3: {  	v7 =	vld [tilespmem:s26+$0x2800];
	[tilespmem:s24+$0x2810] =	vst v6;
	v5 =	vmin.u32 v5, $0x1450;
	v4 =	vadd.s32 $0xFFFFEBB0, v4;
	v3 =	vshra.s32 v3, $0x10  }
0xc4: {  	v9 =	vld [tilespmem:s26+$0x2810];
	[tilespmem:s24+$0x2820] =	vst v5;
	v4 =	vmin.u32 v4, $0x1450;
	v3 =	vadd.s32 $0xFFFFEBB0, v3;
	v2 =	vshra.s32 v2, $0x10  }
.Ltmp5:
0xc5: {  	v5 =	vld [tilespmem:s26+$0x2820];
	[tilespmem:s24+$0x2830] =	vst v4;
	v3 =	vmin.u32 v3, $0x1450;
	v2 =	vadd.s32 $0xFFFFEBB0, v2;
	v1 =	vshra.s32 v1, $0x10;
	(pc) =	sbr.rel @p0 .LBB2_12-.Ltmp5, $4  }
0xc6: {  	v4 =	vld [tilespmem:s26+$0x2830];
	[tilespmem:s24+$0x2840] =	vst v3;
	v2 =	vmin.u32 v2, $0x1450;
	v1 =	vadd.s32 $0xFFFFEBB0, v1;
	v6 =	vshra.s32 v8, $0x10  }
0xc7: {  	v3 =	vld [tilespmem:s26+$0x2840];
	[tilespmem:s24+$0x2850] =	vst v2;
	v1 =	vmin.u32 v1, $0x1450;
	v6 =	vadd.s32 $0xFFFFEBB0, v6  }
0xc8: {  	v7 =	vshra.s32 v7, $0x10;
	v2 =	vld [tilespmem:s26+$0x2850];
	[tilespmem:s24+$0x2860] =	vst v1;
	v8 =	vmin.u32 v6, $0x1450  }
0xc9: {  	s25 =	sadd.s32 $0x200, s25;
	v6 =	vadd.s32 $0xFFFFEBB0, v7;
	v7 =	vshra.s32 v9, $0x10;
	v1 =	vld [tilespmem:s26+$0x2860];
	[tilespmem:s24+$0x2870] =	vst v8;
	s24 =	smov.u32 s26  }
0xca: {  	v6 =	vmin.u32 v6, $0x1450;
	v7 =	vadd.s32 $0xFFFFEBB0, v7;
	v5 =	vshra.s32 v5, $0x10;
	v8 =	vld [tilespmem:s24+$0x2870]  }
0xcb: {  	[tilespmem:s24+$0x2800] =	vst v6;
	v63 =	vmin.u32 v7, $0x1450;
	v5 =	vadd.s32 $0xFFFFEBB0, v5;
	v4 =	vshra.s32 v4, $0x10  }
0xcc: {  	[tilespmem:s24+$0x2810] =	vst v63;
	v5 =	vmin.u32 v5, $0x1450;
	v4 =	vadd.s32 $0xFFFFEBB0, v4;
	v3 =	vshra.s32 v3, $0x10  }
0xcd: {  	[tilespmem:s24+$0x2820] =	vst v5;
	v4 =	vmin.u32 v4, $0x1450;
	v3 =	vadd.s32 $0xFFFFEBB0, v3;
	v2 =	vshra.s32 v2, $0x10  }
0xce: {  	[tilespmem:s24+$0x2830] =	vst v4;
	v3 =	vmin.u32 v3, $0x1450;
	v2 =	vadd.s32 $0xFFFFEBB0, v2;
	v1 =	vshra.s32 v1, $0x10  }
0xcf: {  	[tilespmem:s24+$0x2840] =	vst v3;
	v2 =	vmin.u32 v2, $0x1450;
	v1 =	vadd.s32 $0xFFFFEBB0, v1;
	v3 =	vshra.s32 v8, $0x10  }
0xd0: {  	[tilespmem:s24+$0x2850] =	vst v2;
	v1 =	vmin.u32 v1, $0x1450;
	v2 =	vadd.s32 $0xFFFFEBB0, v3  }
0xd1: {  	[tilespmem:s24+$0x2860] =	vst v1;
	v1 =	vmin.u32 v2, $0x1450  }
0xd2: {  	[tilespmem:s24+$0x2870] =	vst v1  }
0xd3: {  	s28 =	simm.s32 $0x0;
	[bflag:$0x0] =	sbarrier.arrive $0xFFFF  }
0xd4: {  	[tilespmem:s13], [sflag:$0x1] =	stream.indirect.gather [hbm4b:s4+s15], $0x80, s28, s15, $0xb8;
	[tilespmem:$0x17400] =	vst v63  }
0xd5: {  	_ = 	snop  }
0xd6: {  	[tilespmem:s16], [sflag:$0x2] =	stream.indirect.gather [hbm4b:s4+s15], $0x80, s15, s15, $0xb8;
	[tilespmem:$0x17400] =	vst v63  }
0xd7: {  	_ =	swait.ge [sflag:s17], $0x4000  }
0xd8: {  	[sflag:s17] =	ssyncset.done $0x0  }
0xd9: {  	s29 =	simm.s32 $0x2800;
	[sflag:s17] =	ssyncadd.s32 $0xFFFFC000  }
0xda: {  	[spmem:s2] =	stream.indirect.scatter.add.f32 [tilespmem:s13], [sflag:$0x3], $0x80, s29, s15, $0xb8;
	[tilespmem:$0x17400] =	vst v63  }
0xdb: {  	_ =	swait.ge [sflag:s12], $0x4000  }
0xdc: {  	[sflag:s12] =	ssyncset.done $0x0  }
0xdd: {  	s30 =	simm.s32 $0x100;
	[sflag:s12] =	ssyncadd.s32 $0xFFFFC000  }
0xde: {  	[tilespmem:s13], [sflag:$0x1] =	stream.indirect.gather [hbm4b:s4+s15], $0x80, s30, s15, $0xb8;
	[tilespmem:$0x17400] =	vst v63  }
0xdf: {  	_ =	swait.ge [sflag:s18], $0x4000  }
0xe0: {  	[sflag:s18] =	ssyncset.done $0x0  }
0xe1: {  	s31 =	simm.s32 $0x2880;
	[sflag:s18] =	ssyncadd.s32 $0xFFFFC000  }
0xe2: {  	[spmem:s2] =	stream.indirect.scatter.add.f32 [tilespmem:s16], [sflag:$0x3], $0x80, s31, s15, $0xb8;
	[tilespmem:$0x17400] =	vst v63  }
0xe3: {  	_ =	swait.ge [sflag:s12], $0x4000  }
0xe4: {  	[sflag:s12] =	ssyncset.done $0x0  }
0xe5: {  	s25 =	simm.s32 $0x180;
	s24 =	simm.s32 $0x400;
	[sflag:s12] =	ssyncadd.s32 $0xFFFFC000  }
.LBB2_14:
0xe6: {  	[tilespmem:s16], [sflag:$0x2] =	stream.indirect.gather [hbm4b:s4+s15], $0x80, s25, s15, $0xb8;
	[tilespmem:$0x17400] =	vst v63  }
0xe7: {  	s25 =	smov.u32 s24  }
0xe8: {  	p0 =	sne.s32 s24, $0x9800;
	s24 =	sadd.s32 $0x400, s24;
	_ =	swait.ge [sflag:s17], $0x4000  }
0xe9: {  	s25 =	sshra.s32 s25, $0x2;
	[sflag:s17] =	ssyncset.done $0x0  }
0xea: {  	s26 =	sadd.s32 $0x2800, s25;
	[sflag:s17] =	ssyncadd.s32 $0xFFFFC000  }
0xeb: {  	[spmem:s2] =	stream.indirect.scatter.add.f32 [tilespmem:s13], [sflag:$0x3], $0x80, s26, s15, $0xb8;
	[tilespmem:$0x17400] =	vst v63  }
0xec: {  	_ =	swait.ge [sflag:s12], $0x4000  }
0xed: {  	[sflag:s12] =	ssyncset.done $0x0  }
0xee: {  	s26 =	sadd.s32 $0x100, s25;
	[sflag:s12] =	ssyncadd.s32 $0xFFFFC000  }
0xef: {  	[tilespmem:s13], [sflag:$0x1] =	stream.indirect.gather [hbm4b:s4+s15], $0x80, s26, s15, $0xb8;
	[tilespmem:$0x17400] =	vst v63  }
0xf0: {  	_ =	swait.ge [sflag:s18], $0x4000  }
0xf1: {  	[sflag:s18] =	ssyncset.done $0x0  }
.Ltmp6:
0xf2: {  	s26 =	sadd.s32 $0x2880, s25;
	[sflag:s18] =	ssyncadd.s32 $0xFFFFC000;
	(pc) =	sbr.rel @p0 .LBB2_14-.Ltmp6, $4  }
0xf3: {  	[spmem:s2] =	stream.indirect.scatter.add.f32 [tilespmem:s16], [sflag:$0x3], $0x80, s26, s15, $0xb8;
	[tilespmem:$0x17400] =	vst v63  }
0xf4: {  	_ =	swait.ge [sflag:s12], $0x4000  }
0xf5: {  	[sflag:s12] =	ssyncset.done $0x0  }
0xf6: {  	s25 =	sadd.s32 $0x180, s25;
	[sflag:s12] =	ssyncadd.s32 $0xFFFFC000  }
0xf7: {  	[tilespmem:s16], [sflag:$0x2] =	stream.indirect.gather [hbm4b:s4+s15], $0x80, s25, s15, $0xb8;
	[tilespmem:$0x17400] =	vst v63  }
0xf8: {  	_ =	swait.ge [sflag:s17], $0x4000  }
0xf9: {  	[sflag:s17] =	ssyncset.done $0x0  }
0xfa: {  	[sflag:s17] =	ssyncadd.s32 $0xFFFFC000  }
0xfb: {  	[spmem:s2] =	stream.indirect.scatter.add.f32 [tilespmem:s13], [sflag:$0x3], $0x80, s19, s15, $0xb8;
	[tilespmem:$0x17400] =	vst v63  }
0xfc: {  	_ =	swait.ge [sflag:s12], $0x4000  }
0xfd: {  	[sflag:s12] =	ssyncset.done $0x0  }
0xfe: {  	[sflag:s12] =	ssyncadd.s32 $0xFFFFC000  }
0xff: {  	_ =	swait.ge [sflag:s18], $0x4000  }
0x100: {  	[sflag:s18] =	ssyncset.done $0x0  }
0x101: {  	[sflag:s18] =	ssyncadd.s32 $0xFFFFC000  }
0x102: {  	[spmem:s2] =	stream.indirect.scatter.add.f32 [tilespmem:s16], [sflag:$0x3], $0x80, s20, s15, $0xb8;
	[tilespmem:$0x17400] =	vst v63  }
0x103: {  	_ =	swait.ge [sflag:s12], $0x4000  }
0x104: {  	[sflag:s12] =	ssyncset.done $0x0  }
0x105: {  	s21 =	sadd.s32 $0x1, s21;
	[sflag:s12] =	ssyncadd.s32 $0xFFFFC000  }
0x106: {  	p0 =	sne.s32 s21, s11;
	[bflag:$0x0] =	sbarrier.arrive $0xFFFF  }
0x107: {  	[hbm:s10], [sflag:s22] =	dma.local [spmem:s23], $0x1480  }
.Ltmp7:
0x108: {  	_ =	swait.ge [sflag:s12], $0x1480;
	(pc) =	sbr.rel @p0 .LBB2_1-.Ltmp7, $3  }
0x109: {  	[sflag:s12] =	ssyncset.done $0x0  }
0x10a: {  	[sflag:s12] =	ssyncadd.s32 $0xFFFFEB80  }
0x10b: {  	[bflag:$0x0] =	sbarrier.arrive $0xFFFF;
	_ =	sdelay $0x1  }
0x10c: {  	_ =	sfence.sel $0x180000  }
0x10d: {  	[bflag:$0x0] =	sbarrier.arrive $0xFFFF  }
0x10e: {  	p0 =	sne.s32 s1, $0x0;
	_ =	strace $0x9000004A  }
0x10f: {  	s0 =	sadd.s32 @!p0 $0x100000, s0;
	[bflag:$0x2] =	sbarrier.arrive $0xFFFF  }
0x110: {  	[sflag:s0] =	ssyncadd.tile.s32 @!p0 $0x1;
	_ =	shalt  }
.Lfunc_end2:
_tile_overlayer_lowered:
.L_overlay_start_2:
0x111: {  	(tag) =	ssettag $0x2  }
0x112: {  	s0 =	rddreg [dreg:$0x0];
	s2 =	stileid.u32  }
0x113: {  	s1 =	rddreg [dreg:$0x1];
	p0 =	sne.s32 s2, $0x0  }
0x114: {  	s3 =	rddreg [dreg:$0x2];
	[bflag:$0x3] =	sbarrier.arrive $0xFFFF;
	s2 =	simm.s32 @!p0 $0x1C03  }
0x115: {  	[timem:s3], [sflag:s2] =	dma.local @!p0 [hbm:s0], s1  }
0x116: {  	s0 =	simm.s32 @!p0 $0x3  }
0x117: {  	_ =	swait.ge @!p0 [sflag:s0], s1  }
0x118: {  	s1 =	ssub.s32 @!p0 $0x0, s1;
	[sflag:s0] =	ssyncset.done @!p0 $0x0  }
0x119: {  	[sflag:s0] =	ssyncadd.s32 @!p0 s1  }
0x11a: {  	[bflag:$0x3] =	sbarrier.arrive $0xFFFF  }
0x11b: {  	_ =	shalt  }

// kernel: kernel.6.cloned.1.call-start
scs
__scs_entry_jumppad:
0x0: {  	(pc) =	sbr.rel $0x88, $3  }
0x1: {  	(tag) =	ssettag $0x0;
	lr =	simm.s32 $0x1  }
0x2: {  	[smem:$0x3F96] =	sst lr;
	_ =	strace $0xD0000000  }
0x3: {  	_ = 	snop  }
0x4: {  	_ = 	snop  }
0x5: {  	_ = 	snop  }
0x6: {  	_ = 	snop  }
0x7: {  	_ = 	snop  }
__scs_overlays_trampoline_lowered:
0x8: {  	[smem:$0x3FA5] =	sst s0  }
0x9: {  	[smem:$0x3FA6] =	sst s1  }
0xa: {  	[smem:$0x3FA7] =	sst s2  }
0xb: {  	[smem:$0x3FA8] =	sst s3  }
0xc: {  	[smem:$0x3FA9] =	sst s4  }
0xd: {  	[smem:$0x3FAA] =	sst s5  }
0xe: {  	[smem:$0x3FAB] =	sst s6  }
0xf: {  	[smem:$0x3FAC] =	sst s7  }
0x10: {  	[smem:$0x3FAD] =	sst s8  }
0x11: {  	[smem:$0x3FAE] =	sst s9;
	s0 =	simm.s32 @!p0 $0x0  }
0x12: {  	s1 =	sld [smem:$0x3F94];
	s0 =	simm.s32 @p0 $0x1  }
0x13: {  	[smem:$0x3FAF] =	sst s0;
	s0 =	simm.s32 @!p1 $0x0  }
0x14: {  	s2 =	sld [smem:$0x3F93];
	s0 =	simm.s32 @p1 $0x1  }
0x15: {  	[smem:$0x3FB0] =	sst s0;
	s0 =	simm.s32 @!p2 $0x0  }
0x16: {  	s3 =	sld [smem:$0x3FDB];
	s0 =	simm.s32 @p2 $0x1  }
0x17: {  	s4 =	simm.s32 $0x1BF5;
	[smem:$0x3FB2] =	sst s0  }
0x18: {  	s0 =	sld [smem:$0x3F95];
	_ =	swait.ge [sflag:s4], $0x0  }
0x19: {  	s7 =	sld [smem:$0x3F96]  }
0x1a: {  	s8 =	sadd.s32 $0xFFFFE003, lr  }
0x1b: {  	s9 =	sadd.s32 $0xFFFFFEF7, lr;
	s5 =	simm.s32 $0xFFFFFFFF;
	p2 =	slt.u32 s8, $0xFFFFF086  }
0x1c: {  	p1 =	slt.u32 s9, $0xF7A;
	s5 =	simm.s32 @!p2 $0x0  }
0x1d: {  	s5 =	simm.s32 @p1 $0x1;
	p0 =	seq.s32 s7, s2  }
0x1e: {  	s7 =	smul.u32 @!p0 $0xF7A, s2;
	p2 =	seq.s32 @!p0 s5, $0x0  }
0x1f: {  	s9 =	smul.u32 $0xF7A, s1;
	s8 =	simm.s32 @!p0 $0x1BF5;
	p2 =	por !p2, p0  }
0x20: {  	[sflag:s8] =	ssyncset.s32 @!p0 $0xFFFFF086;
	s6 =	sadd.s32 @!p0 s3, s7;
	s7 =	simm.s32 @!p0 $0x108  }
0x21: {  	s3 =	sadd.s32 s3, s9;
	s6 =	sadd.s32 @!p0 $0x88, s6;
	s7 =	simm.s32 @p2 $0x1082  }
0x22: {  	[simem:s7], [sflag:s8] =	dma.local @!p0 [hbm:s6], $0xF7A  }
0x23: {  	s9 =	sor.u32 $0xD0000000, s2;
	s6 =	simm.s32 $0x108;
	_ =	swait.ge @!p0 [sflag:s8], $0x0  }
0x24: {  	s3 =	sadd.s32 $0x88, s3;
	s6 =	simm.s32 @!p1 $0x1082;
	[sflag:s4] =	ssyncset.s32 $0xFFFFF086  }
0x25: {  	[simem:s6], [sflag:s4] =	dma.local [hbm:s3], $0xF7A  }
0x26: {  	[smem:$0x3F96] =	sst s1;
	(tag) =	ssettag s2;
	_ =	strace s9  }
0x27: {  	s1 =	sld [smem:$0x3FA6]  }
0x28: {  	s2 =	sld [smem:$0x3FA7]  }
0x29: {  	s4 =	sld [smem:$0x3FA9]  }
0x2a: {  	p0 =	seq.s32 s5, $0x0;
	s5 =	sld [smem:$0x3FAA]  }
0x2b: {  	s6 =	sld [smem:$0x3FAB]  }
0x2c: {  	s7 =	sld [smem:$0x3FAC]  }
0x2d: {  	s3 =	simm.s32 $0x108;
	s8 =	sld [smem:$0x3FAD]  }
0x2e: {  	s3 =	simm.s32 @!p0 $0x1082;
	s9 =	sld [smem:$0x3FAE]  }
0x2f: {  	lr =	sadd.s32 s0, s3;
	s0 =	sld [smem:$0x3FA5]  }
0x30: {  	s3 =	sld [smem:$0x3FA8]  }
0x31: {  	[smem:$0x3FB1] =	sst s10  }
0x32: {  	s10 =	sld [smem:$0x3FAF];
	_ =	sdelay $0x3  }
0x33: {  	p0 =	seq.s32 s10, $0x1;
	s10 =	sld [smem:$0x3FB1];
	_ =	sdelay $0x3  }
0x34: {  	[smem:$0x3FB1] =	sst s10  }
0x35: {  	s10 =	sld [smem:$0x3FB0];
	_ =	sdelay $0x3  }
0x36: {  	p1 =	seq.s32 s10, $0x1;
	s10 =	sld [smem:$0x3FB1];
	_ =	sdelay $0x3  }
0x37: {  	[smem:$0x3FB1] =	sst s10  }
0x38: {  	s10 =	sld [smem:$0x3FB2]  }
0x39: {  	_ = 	snop;
	(pc) =	sbr.ind lr, $3  }
0x3a: {  	_ = 	snop  }
0x3b: {  	_ = 	snop  }
0x3c: {  	p2 =	seq.s32 s10, $0x1;
	s10 =	sld [smem:$0x3FB1]  }
0x3d: {  	_ =	shalt  }
0x3e: {  	_ =	shalt  }
0x3f: {  	_ =	shalt  }
0x40: {  	_ =	shalt  }
0x41: {  	_ =	shalt  }
0x42: {  	_ =	shalt  }
0x43: {  	_ =	shalt  }
0x44: {  	_ =	shalt  }
0x45: {  	_ =	shalt  }
0x46: {  	_ =	shalt  }
0x47: {  	_ =	shalt  }
0x48: {  	_ =	shalt  }
0x49: {  	_ =	shalt  }
0x4a: {  	_ =	shalt  }
0x4b: {  	_ =	shalt  }
0x4c: {  	_ =	shalt  }
0x4d: {  	_ =	shalt  }
0x4e: {  	_ =	shalt  }
0x4f: {  	_ =	shalt  }
0x50: {  	_ =	shalt  }
0x51: {  	_ =	shalt  }
0x52: {  	_ =	shalt  }
0x53: {  	_ =	shalt  }
0x54: {  	_ =	shalt  }
0x55: {  	_ =	shalt  }
0x56: {  	_ =	shalt  }
0x57: {  	_ =	shalt  }
0x58: {  	_ =	shalt  }
0x59: {  	_ =	shalt  }
0x5a: {  	_ =	shalt  }
0x5b: {  	_ =	shalt  }
0x5c: {  	_ =	shalt  }
0x5d: {  	_ =	shalt  }
0x5e: {  	_ =	shalt  }
0x5f: {  	_ =	shalt  }
0x60: {  	_ =	shalt  }
0x61: {  	_ =	shalt  }
0x62: {  	_ =	shalt  }
0x63: {  	_ =	shalt  }
0x64: {  	_ =	shalt  }
0x65: {  	_ =	shalt  }
0x66: {  	_ =	shalt  }
0x67: {  	_ =	shalt  }
0x68: {  	_ =	shalt  }
0x69: {  	_ =	shalt  }
0x6a: {  	_ =	shalt  }
0x6b: {  	_ =	shalt  }
0x6c: {  	_ =	shalt  }
0x6d: {  	_ =	shalt  }
0x6e: {  	_ =	shalt  }
0x6f: {  	_ =	shalt  }
0x70: {  	_ =	shalt  }
0x71: {  	_ =	shalt  }
0x72: {  	_ =	shalt  }
0x73: {  	_ =	shalt  }
0x74: {  	_ =	shalt  }
0x75: {  	_ =	shalt  }
0x76: {  	_ =	shalt  }
0x77: {  	_ =	shalt  }
0x78: {  	_ =	shalt  }
0x79: {  	_ =	shalt  }
0x7a: {  	_ =	shalt  }
0x7b: {  	_ =	shalt  }
0x7c: {  	_ =	shalt  }
0x7d: {  	_ =	shalt  }
0x7e: {  	_ =	shalt  }
0x7f: {  	_ =	shalt  }
0x80: {  	_ =	shalt  }
0x81: {  	_ =	shalt  }
0x82: {  	_ =	shalt  }
0x83: {  	_ =	shalt  }
0x84: {  	_ =	shalt  }
0x85: {  	_ =	shalt  }
0x86: {  	_ =	shalt  }
0x87: {  	_ =	shalt  }
.Lfunc_end0:
.L_simem_size_0:
called_computation.1_lowered:
.L_overlay_start_0:
0x88: {  	s2 =	sld [smem:$0x3FD9]  }
0x89: {  	s3 =	sld [smem:$0x3FFE];
	_ =	sdelay $0x1  }
0x8a: {  	s1 =	srdreg.scid  }
0x8b: {  	s0 =	sand.u32 $0x1, s1  }
0x8c: {  	s16 =	sshll.u32 s0, $0xA;
	s2 =	sadd.s32 s3, s2  }
0x8d: {  	s2 =	sadd.s32 s2, s16  }
0x8e: {  	[smem:$0x3FBD] =	sst s2  }
0x8f: {  	_ = 	snop  }
0x90: {  	(tm) =	ssettm $0x1  }
0x91: {  	s17 =	sld [smem:$0x3FFB];
	_ =	sdelay $0x3  }
0x92: {  	_ =	strace s17  }
0x93: {  	s2 =	sld [smem:$0x3FFC];
	_ =	sdelay $0x3  }
0x94: {  	_ =	strace s2  }
0x95: {  	s2 =	sld [smem:$0x3FFD];
	_ =	sdelay $0x3  }
0x96: {  	_ =	strace s2  }
0x97: {  	_ =	strace $0x8FFFFFFF  }
0x98: {  	s18 =	sld [smem:$0x3FDB];
	_ =	sdelay $0x1  }
0x99: {  	s19 =	simm.s32 $_scs_section_size  }
0x9a: {  	s4 =	simm.s32 $_size__tile_overlayer_lowered;
	s5 =	simm.s32 $_tile_overlayer_lowered  }
0x9b: {  	s22 =	simm.s32 $0x1BFF;
	s21 =	sshll.u32 s5, $0x1;
	s2 =	sadd.s32 s19, s18  }
0x9c: {  	s6 =	simm.s32 $0x0;
	s20 =	sshll.u32 s4, $0x1;
	s4 =	sadd.s32 s21, s2  }
0x9d: {  	[timem:s6], [sflag:s22] =	dma.local [hbm:s4], s20  }
0x9e: {  	_ =	swait.ge [sflag:s22], s20  }
0x9f: {  	s3 =	ssub.s32 $0x0, s20;
	[sflag:s22] =	ssyncset.done $0x0  }
0xa0: {  	[sflag:s22] =	ssyncadd.s32 s3;
	_ =	sdelay $0x1  }
0xa1: {  	s23 =	simm.s32 $0x1B8B  }
0xa2: {  	_ =	swait.ge [sflag:s23], $0x1  }
0xa3: {  	[sflag:s23] =	ssyncset.done $0x0  }
0xa4: {  	s25 =	simm.s32 $0x1B8E;
	s24 =	sld [smem:$0x3FFE];
	[sflag:s23] =	ssyncadd.s32 $0xFFFFFFFF  }
0xa5: {  	s26 =	simm.s32 $execute0_lowered;
	[smem:$0x3FD2] =	sst s25  }
0xa6: {  	s4 =	sshll.u32 s26, $0x1;
	_ =	strace $0x80000046;
	[dreg:$0x1] =	wrdreg $0xFFFFFFFF  }
0xa7: {  	s28 =	simm.s32 $_size_execute0_lowered;
	s2 =	sadd.s32 s2, s4;
	[dreg:$0x0] =	wrdreg $0x0  }
0xa8: {  	s4 =	sshll.u32 s28, $0x1;
	[dreg:$0x2] =	wrdreg s2  }
0xa9: {  	[dreg:$0x3] =	wrdreg s4  }
0xaa: {  	[dreg:$0x4] =	wrdreg $0xC0  }
0xab: {  	_ =	task [dreg:s6], $0x5FFFF  }
0xac: {  	[dreg:$0x1] =	wrdreg $0xFFFFFFFF  }
0xad: {  	[dreg:$0x0] =	wrdreg $0x60  }
0xae: {  	[dreg:$0x2] =	wrdreg s24  }
0xaf: {  	[dreg:$0x3] =	wrdreg $0x9  }
0xb0: {  	_ =	task.clear_ibuf [dreg:s6], $0x4FFFF;
	_ =	strace $0x90000046  }
0xb1: {  	s29 =	simm.s32 $0x9;
	_ =	strace $0x80000048  }
0xb2: {  	_ =	swait.ge [sflag:s29], $0x1  }
0xb3: {  	[sflag:s29] =	ssyncadd.s32 $0xFFFFFFFF  }
0xb4: {  	_ =	strace $0x90000048  }
0xb5: {  	_ =	sfence  }
0xb6: {  	s30 =	sld [smem:$0x0];
	_ =	sdelay $0x2  }
0xb7: {  	s31 =	sshll.u32 s1, $0xD;
	s1 =	sshrl.u32 s1, $0x2  }
0xb8: {  	s3 =	sand.u32 $0x4000, s31;
	s1 =	sadd.s32 s1, s30  }
0xb9: {  	s0 =	sor.u32 s3, s0;
	s1 =	sshll.u32 s1, $0x11  }
0xba: {  	s0 =	sor.u32 s1, s0  }
0xbb: {  	s0 =	sadd.s32 $0x8F2B, s0  }
0xbc: {  	[sflag:s0] =	ssyncadd.remote.s32 $0x1  }
0xbd: {  	_ =	sfence.sel $0xFFFF  }
0xbe: {  	[dreg:$0x0] =	wrdreg $0xFFFFFFFF;
	(pc) =	sbr.abs _section_cstart, $3  }
0xbf: {  	[dreg:$0x1] =	wrdreg $0xFFFFFFFF  }
0xc0: {  	_ =	task.clear_ibuf [dreg:s6], $0x2FFFF;
	_ =	strace $0x9FFFFFFF  }
0xc1: {  	(tm) =	ssettm $0x7FFFFFFF  }
tec
execute0_lowered:
.L_overlay_start_1:
0x0: {  	(tag) =	ssettag $0x1  }
0x1: {  	s1 =	srdreg.scid;
	s0 =	stileid.u32  }
0x2: {  	s3 =	rddreg [dreg:$0x0];
	s8 =	simm.s32 $0x80;
	s9 =	simm.s32 $0x400  }
0x3: {  	s4 =	sand.u32 $0x1, s1;
	s2 =	sshll.u32 s0, $0x1;
	s1 =	rddreg [dreg:$0x1]  }
0x4: {  	s6 =	sshrl.u32 s0, $0x2;
	s5 =	sor.u32 s4, s2;
	s2 =	simm.s32 $0x0  }
0x5: {  	s6 =	smul.u32 $0x14000, s6;
	s4 =	ssub.s32 $0x2, s4;
	s7 =	sshll.u32 s5, $0x7  }
0x6: {  	[smem:$0x7FF] =	sst s2;
	s5 =	smul.u32 $0x500, s5;
	s7 =	sand.u32 $0x380, s7  }
0x7: {  	s31 =	sshrl.u32 s4, $0x1;
	_ =	strace $0x80000047;
	s6 =	sor.u32 s6, s7  }
0x8: {  	s5 =	sadd.s32 s5, s3;
	s7 =	ssub.s32 s4, s31;
	s6 =	sshrl.u32 s6, $0x3  }
0x9: {  	s6 =	sadd.s32 s6, s3;
	s3 =	sadd.s32 $0x2A00, s5;
	s5 =	smax.u32 s7, $0x1  }
0xa: {  	v0 =	vimm.f32 $0.0e+00;
	v1 =	vimm.f32 $1.000000000e+00;
	s7 =	simm.s32 $0x2800;
	s4 =	sadd.s32 $0xCA00, s6;
	s6 =	simm.s32 $0x1  }
.LBB2_1:
0xb: {  	s10 =	simm.s32 $0x40;
	s11 =	simm.s32 $0x0  }
.LBB2_2:
0xc: {  	p0 =	sne.s32 s10, $0x9FC0;
	[tilespmem:s11+$0x2800] =	vst v0;
	s11 =	smov.u32 s10;
	s10 =	sadd.s32 $0x40, s10  }
.Ltmp0:
0xd: {  	(pc) =	sbr.rel @p0 .LBB2_2-.Ltmp0, $2  }
0xe: {  	_ =	sdelay $0x2  }
0xf: {  	s11 =	sshra.s32 s11, $0x2  }
0x10: {  	[tilespmem:s11+$0x2800] =	vst v0;
	s10 =	simm.s32 $0x0  }
0x11: {  	[tilespmem:s10], [sflag:$0x1] =	stream.linear.gather [hbm4b:s3+s10], $0x2800, $0x38;
	[tilespmem:$0x5000] =	vst v63  }
0x12: {  	_ =	swait.ge [sflag:s6], $0x2800  }
0x13: {  	[sflag:s6] =	ssyncset.done $0x0  }
0x14: {  	[sflag:s6] =	ssyncadd.s32 $0xFFFFD800  }
.LBB2_4:
0x15: {  	s11 =	sshra.s32 s10, $0x2  }
0x16: {  	v2 =	vld [tilespmem:s11+$0x0];
	_ =	sdelay $0x4  }
0x17: {  	v2 =	vshra.s32 v2, $0x10;
	_ =	sdelay $0x4  }
0x18: {  	[tilespmem:v2+s7+$0x0] =	vst.idx.add.f32.msk $0xffff, v1  }
0x19: {  	v2 =	vld [tilespmem:s11+$0x10];
	_ =	sdelay $0x4  }
0x1a: {  	v2 =	vshra.s32 v2, $0x10;
	_ =	sdelay $0x4  }
0x1b: {  	[tilespmem:v2+s7+$0x0] =	vst.idx.add.f32.msk $0xffff, v1  }
0x1c: {  	v2 =	vld [tilespmem:s11+$0x20];
	_ =	sdelay $0x4  }
0x1d: {  	v2 =	vshra.s32 v2, $0x10;
	_ =	sdelay $0x4  }
0x1e: {  	[tilespmem:v2+s7+$0x0] =	vst.idx.add.f32.msk $0xffff, v1  }
0x1f: {  	v2 =	vld [tilespmem:s11+$0x30];
	_ =	sdelay $0x4  }
0x20: {  	v2 =	vshra.s32 v2, $0x10;
	_ =	sdelay $0x4  }
0x21: {  	[tilespmem:v2+s7+$0x0] =	vst.idx.add.f32.msk $0xffff, v1  }
0x22: {  	v2 =	vld [tilespmem:s11+$0x40];
	_ =	sdelay $0x4  }
0x23: {  	v2 =	vshra.s32 v2, $0x10;
	_ =	sdelay $0x4  }
0x24: {  	[tilespmem:v2+s7+$0x0] =	vst.idx.add.f32.msk $0xffff, v1  }
0x25: {  	v2 =	vld [tilespmem:s11+$0x50];
	_ =	sdelay $0x4  }
0x26: {  	v2 =	vshra.s32 v2, $0x10;
	_ =	sdelay $0x4  }
0x27: {  	[tilespmem:v2+s7+$0x0] =	vst.idx.add.f32.msk $0xffff, v1  }
0x28: {  	v2 =	vld [tilespmem:s11+$0x60];
	_ =	sdelay $0x4  }
0x29: {  	v2 =	vshra.s32 v2, $0x10;
	_ =	sdelay $0x4  }
0x2a: {  	[tilespmem:v2+s7+$0x0] =	vst.idx.add.f32.msk $0xffff, v1  }
0x2b: {  	v2 =	vld [tilespmem:s11+$0x70];
	_ =	sdelay $0x4  }
0x2c: {  	p0 =	sne.s32 s10, $0x9E00;
	v2 =	vshra.s32 v2, $0x10  }
.Ltmp1:
0x2d: {  	_ = 	snop;
	(pc) =	sbr.rel @p0 .LBB2_4-.Ltmp1, $2  }
0x2e: {  	_ =	sdelay $0x2  }
0x2f: {  	s10 =	sadd.s32 $0x200, s10;
	[tilespmem:v2+s7+$0x0] =	vst.idx.add.f32.msk $0xffff, v1  }
0x30: {  	s2 =	sadd.s32 $0x1, s2  }
0x31: {  	p0 =	sne.s32 s2, s5  }
.Ltmp2:
0x32: {  	_ = 	snop;
	(pc) =	sbr.rel @p0 .LBB2_1-.Ltmp2, $4  }
0x33: {  	[hbm4b:s4+s8] =	stream.strided.scatter [tilespmem:s7], [sflag:$0x1], $0x2800, s9, s8, $0x38;
	[tilespmem:$0x5000] =	vst v63  }
0x34: {  	_ =	swait.ge [sflag:s6], $0x2800  }
0x35: {  	[sflag:s6] =	ssyncset.done $0x0  }
0x36: {  	[sflag:s6] =	ssyncadd.s32 $0xFFFFD800  }
0x37: {  	_ =	sfence.sel $0x180000  }
0x38: {  	[bflag:$0x0] =	sbarrier.arrive $0xFFFF  }
0x39: {  	p0 =	sne.s32 s0, $0x0;
	_ =	strace $0x90000047  }
0x3a: {  	s0 =	sadd.s32 @!p0 $0x100000, s1;
	[bflag:$0x2] =	sbarrier.arrive $0xFFFF  }
0x3b: {  	[sflag:s0] =	ssyncadd.tile.s32 @!p0 $0x1;
	_ =	shalt  }
.Lfunc_end2:
_tile_overlayer_lowered:
.L_overlay_start_2:
0x3c: {  	(tag) =	ssettag $0x2  }
0x3d: {  	s0 =	rddreg [dreg:$0x0];
	s2 =	stileid.u32  }
0x3e: {  	s1 =	rddreg [dreg:$0x1];
	p0 =	sne.s32 s2, $0x0  }
0x3f: {  	s3 =	rddreg [dreg:$0x2];
	[bflag:$0x3] =	sbarrier.arrive $0xFFFF;
	s2 =	simm.s32 @!p0 $0x1C01  }
0x40: {  	[timem:s3], [sflag:s2] =	dma.local @!p0 [hbm:s0], s1  }
0x41: {  	s0 =	simm.s32 @!p0 $0x1  }
0x42: {  	_ =	swait.ge @!p0 [sflag:s0], s1  }
0x43: {  	s1 =	ssub.s32 @!p0 $0x0, s1;
	[sflag:s0] =	ssyncset.done @!p0 $0x0  }
0x44: {  	[sflag:s0] =	ssyncadd.s32 @!p0 s1  }
0x45: {  	[bflag:$0x3] =	sbarrier.arrive $0xFFFF  }
0x46: {  	_ =	shalt  }

</sc_bundles>
